<compile_context>
chip_gen: v7x
topology: tpu7x:2x2x1
jax: 0.10.2.dev20260603
libtpu: 0.0.44.dev20260713+nightly
codegen_flags: <defaults>
</compile_context>

<pallas_src>
import functools

import jax
import jax.numpy as jnp
from jax import lax
from jax.experimental import pallas as pl
from jax.experimental.pallas import tpu as pltpu
from jax.experimental.pallas import tpu_sc as plsc

N_NODES = 10000
N_PAD = 10240
D_IN = 518
D_H = 128
N_EDGES = 320000
NC, NS, LANES = 2, 16, 16
N_TILES = NC * NS
CH = 128
EPT = 10240
CHUNKS = EPT // CH
E_PAD = EPT * N_TILES
ROWS_PER_TILE = N_PAD // NS


def _mesh():
    return plsc.VectorSubcoreMesh(
        core_axis_name="c", subcore_axis_name="s", num_cores=NC, num_subcores=NS)


@functools.partial(
    pl.kernel,
    out_type=jax.ShapeDtypeStruct((NC, N_PAD, LANES), jnp.float32),
    mesh=_mesh(),
    scratch_types=[
        pltpu.VMEM((CHUNKS, CH), jnp.int32),
        pltpu.VMEM((CH, LANES), jnp.float32),
        pltpu.VMEM_SHARED((N_PAD, LANES), jnp.float32),
    ],
)
def _sc_degree(col_hbm, out_hbm, coli_v, ones_v, cnt_sh):
    cid = lax.axis_index("c")
    sid = lax.axis_index("s")
    wid = cid * NS + sid
    base = wid * CHUNKS

    pltpu.sync_copy(col_hbm.at[pl.ds(base, CHUNKS)], coli_v)

    z16 = jnp.zeros((LANES,), jnp.float32)

    def zero_row(r, carry):
        ones_v[r, :] = z16
        return carry

    lax.fori_loop(0, CH, zero_row, 0)
    for k in range(ROWS_PER_TILE // CH):
        pltpu.sync_copy(ones_v, cnt_sh.at[pl.ds(sid * ROWS_PER_TILE + k * CH, CH)])

    o16 = jnp.ones((LANES,), jnp.float32)

    def ones_row(r, carry):
        ones_v[r, :] = o16
        return carry

    lax.fori_loop(0, CH, ones_row, 0)
    plsc.subcore_barrier()

    def count_body(i, carry):
        pltpu.sync_copy(ones_v, cnt_sh.at[coli_v.at[i]], add=True)
        return carry

    lax.fori_loop(0, CHUNKS, count_body, 0)

    plsc.subcore_barrier()
    pltpu.sync_copy(cnt_sh.at[pl.ds(sid * ROWS_PER_TILE, ROWS_PER_TILE)],
                    out_hbm.at[cid, pl.ds(sid * ROWS_PER_TILE, ROWS_PER_TILE)])


@functools.partial(
    pl.kernel,
    out_type=jax.ShapeDtypeStruct((NC, N_PAD, D_H), jnp.float32),
    mesh=_mesh(),
    scratch_types=[
        pltpu.VMEM((CHUNKS // 2, CH), jnp.int32),
        pltpu.VMEM((CHUNKS // 2, CH), jnp.int32),
        pltpu.VMEM((CH, D_H), jnp.float32),
        pltpu.VMEM((CH, D_H), jnp.float32),
        pltpu.VMEM_SHARED((N_PAD, D_H), jnp.float32),
        pltpu.SemaphoreType.DMA,
        pltpu.SemaphoreType.DMA,
    ],
)
def _sc_conv(row_hbm, col_hbm, hs_hbm, out_hbm,
             rowi_v, coli_v, rows0_v, rows1_v, acc_sh, sem0, sem1):
    cid = lax.axis_index("c")
    sid = lax.axis_index("s")
    wid = cid * NS + sid
    base = wid * CHUNKS
    HALF = CHUNKS // 2

    z16 = jnp.zeros((LANES,), jnp.float32)

    def zero_row(r, _):
        for c8 in range(D_H // LANES):
            rows0_v[r, pl.ds(c8 * LANES, LANES)] = z16
        return _

    lax.fori_loop(0, CH, zero_row, 0)
    for k in range(ROWS_PER_TILE // CH):
        pltpu.sync_copy(rows0_v,
                        acc_sh.at[pl.ds(sid * ROWS_PER_TILE + k * CH, CH)])
    plsc.subcore_barrier()

    rows_bufs = (rows0_v, rows1_v)
    sems = (sem0, sem1)

    def gather(lchunk, buf):
        return pltpu.async_copy(hs_hbm.at[rowi_v.at[lchunk]], rows_bufs[buf],
                                sems[buf])

    def scatter(lchunk, buf):
        pltpu.sync_copy(rows_bufs[buf], acc_sh.at[coli_v.at[lchunk]], add=True)

    for h in range(2):
        pltpu.sync_copy(row_hbm.at[pl.ds(base + h * HALF, HALF)], rowi_v)
        pltpu.sync_copy(col_hbm.at[pl.ds(base + h * HALF, HALF)], coli_v)
        gather(0, 0).wait()

        def pair_body(p, carry):
            chunk0 = 2 * p
            d1 = gather(chunk0 + 1, 1)
            scatter(chunk0, 0)
            d1.wait()
            @pl.when(p < HALF // 2 - 1)
            def _not_last():
                d0 = gather(chunk0 + 2, 0)
                scatter(chunk0 + 1, 1)
                d0.wait()

            @pl.when(p == HALF // 2 - 1)
            def _last():
                scatter(chunk0 + 1, 1)
            return carry

        lax.fori_loop(0, HALF // 2, pair_body, 0)

    plsc.subcore_barrier()

    pltpu.sync_copy(acc_sh.at[pl.ds(sid * ROWS_PER_TILE, ROWS_PER_TILE)],
                    out_hbm.at[cid, pl.ds(sid * ROWS_PER_TILE, ROWS_PER_TILE)])


_R = 1280
_GRID = N_PAD // _R


def _tc_stage1(x, W1, b1, W2, b2, Wc1, degp):
    def body(x_ref, w1_ref, b1_ref, w2_ref, b2_ref, wc1_ref, deg_ref, hs_ref):
        h = jnp.maximum(x_ref[...] @ w1_ref[...] + b1_ref[...], 0.0)
        h = h @ w2_ref[...] + b2_ref[...]
        hw = h @ wc1_ref[...]
        deg = (deg_ref[0] + deg_ref[1])[:, :1] + 1.0
        dinv = lax.rsqrt(deg)
        hs_ref[...] = hw * dinv

    return pl.pallas_call(
        body,
        grid=(_GRID,),
        in_specs=[
            pl.BlockSpec((_R, D_IN), lambda i: (i, 0)),
            pl.BlockSpec((D_IN, D_H), lambda i: (0, 0)),
            pl.BlockSpec((1, D_H), lambda i: (0, 0)),
            pl.BlockSpec((D_H, D_H), lambda i: (0, 0)),
            pl.BlockSpec((1, D_H), lambda i: (0, 0)),
            pl.BlockSpec((D_H, D_H), lambda i: (0, 0)),
            pl.BlockSpec((NC, _R, LANES), lambda i: (0, i, 0)),
        ],
        out_specs=pl.BlockSpec((_R, D_H), lambda i: (i, 0)),
        out_shape=jax.ShapeDtypeStruct((N_PAD, D_H), jnp.float32),
    )(x, W1, b1, W2, b2, Wc1, degp)


def _tc_mid(p, hs_prev, degp, b, Wc_next):
    def body(p_ref, hs_ref, deg_ref, b_ref, wc_ref, out_ref):
        deg = (deg_ref[0] + deg_ref[1])[:, :1] + 1.0
        dinv = lax.rsqrt(deg)
        s = p_ref[0] + p_ref[1] + hs_ref[...]
        h = jnp.maximum(dinv * s + b_ref[...], 0.0)
        out_ref[...] = (h @ wc_ref[...]) * dinv

    return pl.pallas_call(
        body,
        grid=(_GRID,),
        in_specs=[
            pl.BlockSpec((NC, _R, D_H), lambda i: (0, i, 0)),
            pl.BlockSpec((_R, D_H), lambda i: (i, 0)),
            pl.BlockSpec((NC, _R, LANES), lambda i: (0, i, 0)),
            pl.BlockSpec((1, D_H), lambda i: (0, 0)),
            pl.BlockSpec((D_H, D_H), lambda i: (0, 0)),
        ],
        out_specs=pl.BlockSpec((_R, D_H), lambda i: (i, 0)),
        out_shape=jax.ShapeDtypeStruct((N_PAD, D_H), jnp.float32),
    )(p, hs_prev, degp, b, Wc_next)


def _tc_final(p, hs_prev, degp, b, Wh1, bh1, Wh2, bh2):
    def body(p_ref, hs_ref, deg_ref, b_ref, wh1_ref, bh1_ref, wh2_ref,
             bh2_ref, out_ref):
        deg = (deg_ref[0] + deg_ref[1])[:, :1] + 1.0
        dinv = lax.rsqrt(deg)
        h = jnp.maximum(dinv * (p_ref[0] + p_ref[1] + hs_ref[...]) + b_ref[...],
                        0.0)
        ridx = lax.broadcasted_iota(jnp.int32, (N_PAD, D_H), 0)
        h = jnp.where(ridx < N_NODES, h, 0.0)
        g = jnp.sum(h, axis=0, keepdims=True) * (1.0 / N_NODES)
        t = jnp.maximum(g @ wh1_ref[...] + bh1_ref[...], 0.0)
        out_ref[...] = t @ wh2_ref[...] + bh2_ref[...]

    return pl.pallas_call(
        body,
        out_shape=jax.ShapeDtypeStruct((1, bh2.shape[-1]), jnp.float32),
    )(p, hs_prev, degp, b, Wh1, bh1, Wh2, bh2)


def kernel(x, edge_index, edge_attr, W1, b1, W2, b2, edge_table,
           Wc1, bc1, Wc2, bc2, Wc3, bc3, Wh1, bh1, Wh2, bh2):
    del edge_attr, edge_table

    row = edge_index[0]
    col = edge_index[1]
    pad = E_PAD - N_EDGES
    pad_i = jnp.arange(pad, dtype=jnp.int32)
    row_p = jnp.concatenate([row, (pad_i * 37) % N_NODES])
    col_p = jnp.concatenate([col, N_NODES + pad_i % (N_PAD - N_NODES)])
    row2d = row_p.reshape(E_PAD // CH, CH)
    col2d = col_p.reshape(E_PAD // CH, CH)

    degp3 = _sc_degree(col2d)

    b1r = b1.reshape(1, -1)
    b2r = b2.reshape(1, -1)

    hs1 = _tc_stage1(x, W1, b1r, W2, b2r, Wc1, degp3)
    p1 = _sc_conv(row2d, col2d, hs1)
    hs2 = _tc_mid(p1, hs1, degp3, bc1.reshape(1, -1), Wc2)
    p2 = _sc_conv(row2d, col2d, hs2)
    hs3 = _tc_mid(p2, hs2, degp3, bc2.reshape(1, -1), Wc3)
    p3 = _sc_conv(row2d, col2d, hs3)
    out = _tc_final(p3, hs3, degp3, bc3.reshape(1, -1),
                    Wh1, bh1.reshape(1, -1), Wh2, bh2.reshape(1, -1))
    return out

# --- scband reference (transcript-rebuilt; emitter-appended) ---
"""Pipeline reference for scband-scene-graph-gnn-72851235275082 (READ-ONLY COPY).

The authoritative reference and input builder live on the scoring server;
editing this copy changes nothing except your own understanding.
"""

import jax, jax.numpy as jnp
import numpy as np

N_NODES = 10000
N_EDGES = 320000
D_IN = 518
D_H = 128
N_REL = 10
D_OUT = 64


def setup_inputs(seed: int = 0) -> dict:
    key = jax.random.key(seed)
    ks = jax.random.split(key, 16)

    def p(k, shape, fan_in):
        return (jax.random.normal(k, shape, dtype=jnp.float32) / np.sqrt(float(fan_in))).astype(jnp.float32)

    inp = {}
    inp['x'] = jax.random.normal(ks[0], (N_NODES, D_IN), dtype=jnp.float32)
    inp['edge_index'] = jax.random.randint(ks[1], (2, N_EDGES), 0, N_NODES, dtype=jnp.int32)
    inp['edge_attr'] = jax.random.randint(ks[2], (N_EDGES,), 0, N_REL, dtype=jnp.int32)
    inp['W1'] = p(ks[3], (D_IN, D_H), D_IN)
    inp['b1'] = jnp.zeros((D_H,), jnp.float32)
    inp['W2'] = p(ks[4], (D_H, D_H), D_H)
    inp['b2'] = jnp.zeros((D_H,), jnp.float32)
    inp['edge_table'] = p(ks[5], (N_REL, D_H // 4), 1)
    inp['Wc1'] = p(ks[6], (D_H, D_H), D_H)
    inp['bc1'] = jnp.zeros((D_H,), jnp.float32)
    inp['Wc2'] = p(ks[7], (D_H, D_H), D_H)
    inp['bc2'] = jnp.zeros((D_H,), jnp.float32)
    inp['Wc3'] = p(ks[8], (D_H, D_H), D_H)
    inp['bc3'] = jnp.zeros((D_H,), jnp.float32)
    inp['Wh1'] = p(ks[9], (D_H, D_H // 2), D_H)
    inp['bh1'] = jnp.zeros((D_H // 2,), jnp.float32)
    inp['Wh2'] = p(ks[10], (D_H // 2, D_OUT), D_H // 2)
    inp['bh2'] = jnp.zeros((D_OUT,), jnp.float32)
    return inp


def _gcn_norm(edge_index, num_nodes):
    # PyG GCNConv default: add self-loops, symmetric normalization
    sl = jnp.arange(num_nodes, dtype=edge_index.dtype)
    row = jnp.concatenate([edge_index[0], sl])
    col = jnp.concatenate([edge_index[1], sl])
    deg = jnp.zeros((num_nodes,), jnp.float32).at[col].add(1.0)
    dinv = jnp.where(deg > 0, 1.0 / jnp.sqrt(jnp.maximum(deg, 1e-12)), 0.0)
    norm = dinv[row] * dinv[col]
    return row, col, norm


def reference(x, edge_index, edge_attr, W1, b1, W2, b2, edge_table, Wc1, bc1, Wc2, bc2, Wc3, bc3, Wh1, bh1, Wh2, bh2):
    N = x.shape[0]
    # node_encoder (dropout = identity in eval)
    h = jnp.maximum(x @ W1 + b1, 0.0) @ W2 + b2
    # edge embedding is computed but unused in the original forward
    _edge_emb = jnp.take(edge_table, edge_attr, axis=0)
    row, col, norm = _gcn_norm(edge_index, N)

    def conv(h, W, b):
        msg = (h @ W)[row] * norm[:, None]
        return jnp.zeros((N, W.shape[1]), h.dtype).at[col].add(msg) + b

    h = jnp.maximum(conv(h, Wc1, bc1), 0.0)
    h = jnp.maximum(conv(h, Wc2, bc2), 0.0)
    h = jnp.maximum(conv(h, Wc3, bc3), 0.0)
    # batch is None -> global mean over nodes
    g = jnp.mean(h, axis=0, keepdims=True)
    out = jnp.maximum(g @ Wh1 + bh1, 0.0) @ Wh2 + bh2
    return out

if __name__ == "__main__":
    import jax
    _d = setup_inputs()
    print(jax.jit(kernel)(*tuple(_d.values())))

</pallas_src>

<mosaic_0001>
#map = affine_map<(d0, d1) -> (0, 0)>
#map1 = affine_map<(d0, d1) -> (0, 0, 0)>
module attributes {stable_mosaic.version = 14 : i64} {
  func.func @_sc_conv(%arg0: i32, %arg1: i32, %arg2: memref<2560x128xi32, #tpu.memory_space<hbm>>, %arg3: memref<2560x128xi32, #tpu.memory_space<hbm>>, %arg4: memref<10240x128xf32, #tpu.memory_space<hbm>>, %arg5: memref<2x10240x128xf32, #tpu.memory_space<hbm>>, %arg6: memref<40x128xi32, #tpu.memory_space<vmem>>, %arg7: memref<40x128xi32, #tpu.memory_space<vmem>>, %arg8: memref<128x128xf32, #tpu.memory_space<vmem>>, %arg9: memref<128x128xf32, #tpu.memory_space<vmem>>, %arg10: memref<10240x128xf32, #tpu.memory_space<vmem_shared>>, %arg11: memref<!tpu.dma_semaphore, #tpu.memory_space<semaphore_mem>>, %arg12: memref<!tpu.dma_semaphore, #tpu.memory_space<semaphore_mem>>) attributes {dimension_semantics = [#tpu.dimension_semantics<core_parallel>, #tpu.dimension_semantics<subcore_parallel>], iteration_bounds = array<i64: 2, 16>, scalar_prefetch = 0 : i64, scratch_operands = 7 : i64, tpu.core_type = #tpu.core_type<sc_vector_subcore>, window_params = [{transform_indices = #map}, {transform_indices = #map}, {transform_indices = #map}, {transform_indices = #map1}]} {
    %mul3A = arith.constant 16 : i32
    %mul3A_0 = arith.muli %arg0, %mul3A : i32
    %add3A = arith.addi %mul3A_0, %arg1 : i32
    %mul3A_1 = arith.constant 80 : i32
    %mul3A_2 = arith.muli %add3A, %mul3A_1 : i32
    %broadcast_in_dim3A = arith.constant 0.000000e+00 : f32
    %broadcast_in_dim3A_3 = vector.broadcast %broadcast_in_dim3A : f32 to vector<16xf32>
    %scan3A = arith.constant 0 : i32
    %scan3A_4 = arith.constant 0 : i32
    %scan3A_5 = arith.constant 128 : i32
    %scan3A_6 = arith.addi %scan3A_4, %scan3A_5 : i32
    %scan3A_7 = arith.constant 1 : i32
    scf.for %scan3A_80 = %scan3A_4 to %scan3A_6 step %scan3A_7  : i32 {
      %swap3A = arith.index_cast %scan3A_80 : i32 to index
      %swap3A_81 = arith.constant 0 : index
      %swap3A_82 = tpu.vector_load %arg8[%swap3A, %swap3A_81] {strides = array<i32>} : memref<128x128xf32, #tpu.memory_space<vmem>>, vector<1x16xf32>,
      %swap3A_83 = vector.shape_cast %swap3A_82 : vector<1x16xf32> to vector<16xf32>
      %swap3A_84 = vector.shape_cast %broadcast_in_dim3A_3 : vector<16xf32> to vector<1x16xf32>
      tpu.vector_store %arg8[%swap3A, %swap3A_81], %swap3A_84 {strides = array<i32>} : memref<128x128xf32, #tpu.memory_space<vmem>>, vector<1x16xf32>,
      %swap3A_85 = arith.index_cast %scan3A_80 : i32 to index
      %swap3A_86 = arith.constant 16 : index
      %swap3A_87 = tpu.vector_load %arg8[%swap3A_85, %swap3A_86] {strides = array<i32>} : memref<128x128xf32, #tpu.memory_space<vmem>>, vector<1x16xf32>,
      %swap3A_88 = vector.shape_cast %swap3A_87 : vector<1x16xf32> to vector<16xf32>
      %swap3A_89 = vector.shape_cast %broadcast_in_dim3A_3 : vector<16xf32> to vector<1x16xf32>
      tpu.vector_store %arg8[%swap3A_85, %swap3A_86], %swap3A_89 {strides = array<i32>} : memref<128x128xf32, #tpu.memory_space<vmem>>, vector<1x16xf32>,
      %swap3A_90 = arith.index_cast %scan3A_80 : i32 to index
      %swap3A_91 = arith.constant 32 : index
      %swap3A_92 = tpu.vector_load %arg8[%swap3A_90, %swap3A_91] {strides = array<i32>} : memref<128x128xf32, #tpu.memory_space<vmem>>, vector<1x16xf32>,
      %swap3A_93 = vector.shape_cast %swap3A_92 : vector<1x16xf32> to vector<16xf32>
      %swap3A_94 = vector.shape_cast %broadcast_in_dim3A_3 : vector<16xf32> to vector<1x16xf32>
      tpu.vector_store %arg8[%swap3A_90, %swap3A_91], %swap3A_94 {strides = array<i32>} : memref<128x128xf32, #tpu.memory_space<vmem>>, vector<1x16xf32>,
      %swap3A_95 = arith.index_cast %scan3A_80 : i32 to index
      %swap3A_96 = arith.constant 48 : index
      %swap3A_97 = tpu.vector_load %arg8[%swap3A_95, %swap3A_96] {strides = array<i32>} : memref<128x128xf32, #tpu.memory_space<vmem>>, vector<1x16xf32>,
      %swap3A_98 = vector.shape_cast %swap3A_97 : vector<1x16xf32> to vector<16xf32>
      %swap3A_99 = vector.shape_cast %broadcast_in_dim3A_3 : vector<16xf32> to vector<1x16xf32>
      tpu.vector_store %arg8[%swap3A_95, %swap3A_96], %swap3A_99 {strides = array<i32>} : memref<128x128xf32, #tpu.memory_space<vmem>>, vector<1x16xf32>,
      %swap3A_100 = arith.index_cast %scan3A_80 : i32 to index
      %swap3A_101 = arith.constant 64 : index
      %swap3A_102 = tpu.vector_load %arg8[%swap3A_100, %swap3A_101] {strides = array<i32>} : memref<128x128xf32, #tpu.memory_space<vmem>>, vector<1x16xf32>,
      %swap3A_103 = vector.shape_cast %swap3A_102 : vector<1x16xf32> to vector<16xf32>
      %swap3A_104 = vector.shape_cast %broadcast_in_dim3A_3 : vector<16xf32> to vector<1x16xf32>
      tpu.vector_store %arg8[%swap3A_100, %swap3A_101], %swap3A_104 {strides = array<i32>} : memref<128x128xf32, #tpu.memory_space<vmem>>, vector<1x16xf32>,
      %swap3A_105 = arith.index_cast %scan3A_80 : i32 to index
      %swap3A_106 = arith.constant 80 : index
      %swap3A_107 = tpu.vector_load %arg8[%swap3A_105, %swap3A_106] {strides = array<i32>} : memref<128x128xf32, #tpu.memory_space<vmem>>, vector<1x16xf32>,
      %swap3A_108 = vector.shape_cast %swap3A_107 : vector<1x16xf32> to vector<16xf32>
      %swap3A_109 = vector.shape_cast %broadcast_in_dim3A_3 : vector<16xf32> to vector<1x16xf32>
      tpu.vector_store %arg8[%swap3A_105, %swap3A_106], %swap3A_109 {strides = array<i32>} : memref<128x128xf32, #tpu.memory_space<vmem>>, vector<1x16xf32>,
      %swap3A_110 = arith.index_cast %scan3A_80 : i32 to index
      %swap3A_111 = arith.constant 96 : index
      %swap3A_112 = tpu.vector_load %arg8[%swap3A_110, %swap3A_111] {strides = array<i32>} : memref<128x128xf32, #tpu.memory_space<vmem>>, vector<1x16xf32>,
      %swap3A_113 = vector.shape_cast %swap3A_112 : vector<1x16xf32> to vector<16xf32>
      %swap3A_114 = vector.shape_cast %broadcast_in_dim3A_3 : vector<16xf32> to vector<1x16xf32>
      tpu.vector_store %arg8[%swap3A_110, %swap3A_111], %swap3A_114 {strides = array<i32>} : memref<128x128xf32, #tpu.memory_space<vmem>>, vector<1x16xf32>,
      %swap3A_115 = arith.index_cast %scan3A_80 : i32 to index
      %swap3A_116 = arith.constant 112 : index
      %swap3A_117 = tpu.vector_load %arg8[%swap3A_115, %swap3A_116] {strides = array<i32>} : memref<128x128xf32, #tpu.memory_space<vmem>>, vector<1x16xf32>,
      %swap3A_118 = vector.shape_cast %swap3A_117 : vector<1x16xf32> to vector<16xf32>
      %swap3A_119 = vector.shape_cast %broadcast_in_dim3A_3 : vector<16xf32> to vector<1x16xf32>
      tpu.vector_store %arg8[%swap3A_115, %swap3A_116], %swap3A_119 {strides = array<i32>} : memref<128x128xf32, #tpu.memory_space<vmem>>, vector<1x16xf32>,
    }
    %scan3A_8 = arith.constant 128 : i32
    %mul3A_9 = arith.constant 640 : i32
    %mul3A_10 = arith.muli %arg1, %mul3A_9 : i32
    %add3A_11 = arith.constant 0 : i32
    %add3A_12 = arith.addi %mul3A_10, %add3A_11 : i32
    "tpu.region"() ({
      %run_scoped3A = tpu.sem_alloc : memref<!tpu.dma_semaphore, #tpu.memory_space<semaphore_mem>>
      %dma_start3A_80 = arith.constant 0 : i32
      %dma_start3A_81 = tpu.memref_slice %arg10[%add3A_12, %dma_start3A_80] : memref<10240x128xf32, #tpu.memory_space<vmem_shared>> -> memref<128x128xf32, #tpu.memory_space<vmem_shared>>
      %dma_start3A_82 = arith.constant 0 : i32
      %dma_start3A_83 = tpu.memref_slice %arg10[%add3A_12, %dma_start3A_82] : memref<10240x128xf32, #tpu.memory_space<vmem_shared>> -> memref<128x128xf32, #tpu.memory_space<vmem_shared>>
      tpu.enqueue_dma source(%arg8 : memref<128x128xf32, #tpu.memory_space<vmem>>) target(%dma_start3A_83 : memref<128x128xf32, #tpu.memory_space<vmem_shared>>) target_semaphore(%run_scoped3A : memref<!tpu.dma_semaphore, #tpu.memory_space<semaphore_mem>>)
      %dma_wait3A_84 = arith.constant 0 : i32
      %dma_wait3A_85 = tpu.memref_slice %arg10[%add3A_12, %dma_wait3A_84] : memref<10240x128xf32, #tpu.memory_space<vmem_shared>> -> memref<128x128xf32, #tpu.memory_space<vmem_shared>>
      %dma_wait3A_86 = arith.constant 0 : i32
      %dma_wait3A_87 = tpu.memref_slice %arg10[%add3A_12, %dma_wait3A_86] : memref<10240x128xf32, #tpu.memory_space<vmem_shared>> -> memref<128x128xf32, #tpu.memory_space<vmem_shared>>
      tpu.wait_dma2 semaphore(%run_scoped3A : memref<!tpu.dma_semaphore, #tpu.memory_space<semaphore_mem>>) src(%arg8 : memref<128x128xf32, #tpu.memory_space<vmem>>) dst(%dma_wait3A_87 : memref<128x128xf32, #tpu.memory_space<vmem_shared>>)
      tpu.yield
    }) : () -> ()
    %mul3A_13 = arith.constant 640 : i32
    %mul3A_14 = arith.muli %arg1, %mul3A_13 : i32
    %add3A_15 = arith.constant 128 : i32
    %add3A_16 = arith.addi %mul3A_14, %add3A_15 : i32
    "tpu.region"() ({
      %run_scoped3A = tpu.sem_alloc : memref<!tpu.dma_semaphore, #tpu.memory_space<semaphore_mem>>
      %dma_start3A_80 = arith.constant 0 : i32
      %dma_start3A_81 = tpu.memref_slice %arg10[%add3A_16, %dma_start3A_80] : memref<10240x128xf32, #tpu.memory_space<vmem_shared>> -> memref<128x128xf32, #tpu.memory_space<vmem_shared>>
      %dma_start3A_82 = arith.constant 0 : i32
      %dma_start3A_83 = tpu.memref_slice %arg10[%add3A_16, %dma_start3A_82] : memref<10240x128xf32, #tpu.memory_space<vmem_shared>> -> memref<128x128xf32, #tpu.memory_space<vmem_shared>>
      tpu.enqueue_dma source(%arg8 : memref<128x128xf32, #tpu.memory_space<vmem>>) target(%dma_start3A_83 : memref<128x128xf32, #tpu.memory_space<vmem_shared>>) target_semaphore(%run_scoped3A : memref<!tpu.dma_semaphore, #tpu.memory_space<semaphore_mem>>)
      %dma_wait3A_84 = arith.constant 0 : i32
      %dma_wait3A_85 = tpu.memref_slice %arg10[%add3A_16, %dma_wait3A_84] : memref<10240x128xf32, #tpu.memory_space<vmem_shared>> -> memref<128x128xf32, #tpu.memory_space<vmem_shared>>
      %dma_wait3A_86 = arith.constant 0 : i32
      %dma_wait3A_87 = tpu.memref_slice %arg10[%add3A_16, %dma_wait3A_86] : memref<10240x128xf32, #tpu.memory_space<vmem_shared>> -> memref<128x128xf32, #tpu.memory_space<vmem_shared>>
      tpu.wait_dma2 semaphore(%run_scoped3A : memref<!tpu.dma_semaphore, #tpu.memory_space<semaphore_mem>>) src(%arg8 : memref<128x128xf32, #tpu.memory_space<vmem>>) dst(%dma_wait3A_87 : memref<128x128xf32, #tpu.memory_space<vmem_shared>>)
      tpu.yield
    }) : () -> ()
    %mul3A_17 = arith.constant 640 : i32
    %mul3A_18 = arith.muli %arg1, %mul3A_17 : i32
    %add3A_19 = arith.constant 256 : i32
    %add3A_20 = arith.addi %mul3A_18, %add3A_19 : i32
    "tpu.region"() ({
      %run_scoped3A = tpu.sem_alloc : memref<!tpu.dma_semaphore, #tpu.memory_space<semaphore_mem>>
      %dma_start3A_80 = arith.constant 0 : i32
      %dma_start3A_81 = tpu.memref_slice %arg10[%add3A_20, %dma_start3A_80] : memref<10240x128xf32, #tpu.memory_space<vmem_shared>> -> memref<128x128xf32, #tpu.memory_space<vmem_shared>>
      %dma_start3A_82 = arith.constant 0 : i32
      %dma_start3A_83 = tpu.memref_slice %arg10[%add3A_20, %dma_start3A_82] : memref<10240x128xf32, #tpu.memory_space<vmem_shared>> -> memref<128x128xf32, #tpu.memory_space<vmem_shared>>
      tpu.enqueue_dma source(%arg8 : memref<128x128xf32, #tpu.memory_space<vmem>>) target(%dma_start3A_83 : memref<128x128xf32, #tpu.memory_space<vmem_shared>>) target_semaphore(%run_scoped3A : memref<!tpu.dma_semaphore, #tpu.memory_space<semaphore_mem>>)
      %dma_wait3A_84 = arith.constant 0 : i32
      %dma_wait3A_85 = tpu.memref_slice %arg10[%add3A_20, %dma_wait3A_84] : memref<10240x128xf32, #tpu.memory_space<vmem_shared>> -> memref<128x128xf32, #tpu.memory_space<vmem_shared>>
      %dma_wait3A_86 = arith.constant 0 : i32
      %dma_wait3A_87 = tpu.memref_slice %arg10[%add3A_20, %dma_wait3A_86] : memref<10240x128xf32, #tpu.memory_space<vmem_shared>> -> memref<128x128xf32, #tpu.memory_space<vmem_shared>>
      tpu.wait_dma2 semaphore(%run_scoped3A : memref<!tpu.dma_semaphore, #tpu.memory_space<semaphore_mem>>) src(%arg8 : memref<128x128xf32, #tpu.memory_space<vmem>>) dst(%dma_wait3A_87 : memref<128x128xf32, #tpu.memory_space<vmem_shared>>)
      tpu.yield
    }) : () -> ()
    %mul3A_21 = arith.constant 640 : i32
    %mul3A_22 = arith.muli %arg1, %mul3A_21 : i32
    %add3A_23 = arith.constant 384 : i32
    %add3A_24 = arith.addi %mul3A_22, %add3A_23 : i32
    "tpu.region"() ({
      %run_scoped3A = tpu.sem_alloc : memref<!tpu.dma_semaphore, #tpu.memory_space<semaphore_mem>>
      %dma_start3A_80 = arith.constant 0 : i32
      %dma_start3A_81 = tpu.memref_slice %arg10[%add3A_24, %dma_start3A_80] : memref<10240x128xf32, #tpu.memory_space<vmem_shared>> -> memref<128x128xf32, #tpu.memory_space<vmem_shared>>
      %dma_start3A_82 = arith.constant 0 : i32
      %dma_start3A_83 = tpu.memref_slice %arg10[%add3A_24, %dma_start3A_82] : memref<10240x128xf32, #tpu.memory_space<vmem_shared>> -> memref<128x128xf32, #tpu.memory_space<vmem_shared>>
      tpu.enqueue_dma source(%arg8 : memref<128x128xf32, #tpu.memory_space<vmem>>) target(%dma_start3A_83 : memref<128x128xf32, #tpu.memory_space<vmem_shared>>) target_semaphore(%run_scoped3A : memref<!tpu.dma_semaphore, #tpu.memory_space<semaphore_mem>>)
      %dma_wait3A_84 = arith.constant 0 : i32
      %dma_wait3A_85 = tpu.memref_slice %arg10[%add3A_24, %dma_wait3A_84] : memref<10240x128xf32, #tpu.memory_space<vmem_shared>> -> memref<128x128xf32, #tpu.memory_space<vmem_shared>>
      %dma_wait3A_86 = arith.constant 0 : i32
      %dma_wait3A_87 = tpu.memref_slice %arg10[%add3A_24, %dma_wait3A_86] : memref<10240x128xf32, #tpu.memory_space<vmem_shared>> -> memref<128x128xf32, #tpu.memory_space<vmem_shared>>
      tpu.wait_dma2 semaphore(%run_scoped3A : memref<!tpu.dma_semaphore, #tpu.memory_space<semaphore_mem>>) src(%arg8 : memref<128x128xf32, #tpu.memory_space<vmem>>) dst(%dma_wait3A_87 : memref<128x128xf32, #tpu.memory_space<vmem_shared>>)
      tpu.yield
    }) : () -> ()
    %mul3A_25 = arith.constant 640 : i32
    %mul3A_26 = arith.muli %arg1, %mul3A_25 : i32
    %add3A_27 = arith.constant 512 : i32
    %add3A_28 = arith.addi %mul3A_26, %add3A_27 : i32
    "tpu.region"() ({
      %run_scoped3A = tpu.sem_alloc : memref<!tpu.dma_semaphore, #tpu.memory_space<semaphore_mem>>
      %dma_start3A_80 = arith.constant 0 : i32
      %dma_start3A_81 = tpu.memref_slice %arg10[%add3A_28, %dma_start3A_80] : memref<10240x128xf32, #tpu.memory_space<vmem_shared>> -> memref<128x128xf32, #tpu.memory_space<vmem_shared>>
      %dma_start3A_82 = arith.constant 0 : i32
      %dma_start3A_83 = tpu.memref_slice %arg10[%add3A_28, %dma_start3A_82] : memref<10240x128xf32, #tpu.memory_space<vmem_shared>> -> memref<128x128xf32, #tpu.memory_space<vmem_shared>>
      tpu.enqueue_dma source(%arg8 : memref<128x128xf32, #tpu.memory_space<vmem>>) target(%dma_start3A_83 : memref<128x128xf32, #tpu.memory_space<vmem_shared>>) target_semaphore(%run_scoped3A : memref<!tpu.dma_semaphore, #tpu.memory_space<semaphore_mem>>)
      %dma_wait3A_84 = arith.constant 0 : i32
      %dma_wait3A_85 = tpu.memref_slice %arg10[%add3A_28, %dma_wait3A_84] : memref<10240x128xf32, #tpu.memory_space<vmem_shared>> -> memref<128x128xf32, #tpu.memory_space<vmem_shared>>
      %dma_wait3A_86 = arith.constant 0 : i32
      %dma_wait3A_87 = tpu.memref_slice %arg10[%add3A_28, %dma_wait3A_86] : memref<10240x128xf32, #tpu.memory_space<vmem_shared>> -> memref<128x128xf32, #tpu.memory_space<vmem_shared>>
      tpu.wait_dma2 semaphore(%run_scoped3A : memref<!tpu.dma_semaphore, #tpu.memory_space<semaphore_mem>>) src(%arg8 : memref<128x128xf32, #tpu.memory_space<vmem>>) dst(%dma_wait3A_87 : memref<128x128xf32, #tpu.memory_space<vmem_shared>>)
      tpu.yield
    }) : () -> ()
    %barrier3A = arith.constant 0 : index
    tpu.barrier barrier_id(%barrier3A)
    %add3A_29 = arith.constant 0 : i32
    %add3A_30 = arith.addi %mul3A_2, %add3A_29 : i32
    "tpu.region"() ({
      %run_scoped3A = tpu.sem_alloc : memref<!tpu.dma_semaphore, #tpu.memory_space<semaphore_mem>>
      %dma_start3A_80 = arith.constant 0 : i32
      %dma_start3A_81 = tpu.memref_slice %arg2[%add3A_30, %dma_start3A_80] : memref<2560x128xi32, #tpu.memory_space<hbm>> -> memref<40x128xi32, #tpu.memory_space<hbm>>
      %dma_start3A_82 = arith.constant 0 : i32
      %dma_start3A_83 = tpu.memref_slice %arg2[%add3A_30, %dma_start3A_82] : memref<2560x128xi32, #tpu.memory_space<hbm>> -> memref<40x128xi32, #tpu.memory_space<hbm>>
      tpu.enqueue_dma source(%dma_start3A_83 : memref<40x128xi32, #tpu.memory_space<hbm>>) target(%arg6 : memref<40x128xi32, #tpu.memory_space<vmem>>) target_semaphore(%run_scoped3A : memref<!tpu.dma_semaphore, #tpu.memory_space<semaphore_mem>>)
      %dma_wait3A_84 = arith.constant 0 : i32
      %dma_wait3A_85 = tpu.memref_slice %arg2[%add3A_30, %dma_wait3A_84] : memref<2560x128xi32, #tpu.memory_space<hbm>> -> memref<40x128xi32, #tpu.memory_space<hbm>>
      %dma_wait3A_86 = arith.constant 0 : i32
      %dma_wait3A_87 = tpu.memref_slice %arg2[%add3A_30, %dma_wait3A_86] : memref<2560x128xi32, #tpu.memory_space<hbm>> -> memref<40x128xi32, #tpu.memory_space<hbm>>
      tpu.wait_dma2 semaphore(%run_scoped3A : memref<!tpu.dma_semaphore, #tpu.memory_space<semaphore_mem>>) src(%dma_wait3A_87 : memref<40x128xi32, #tpu.memory_space<hbm>>) dst(%arg6 : memref<40x128xi32, #tpu.memory_space<vmem>>)
      tpu.yield
    }) : () -> ()
    %add3A_31 = arith.constant 0 : i32
    %add3A_32 = arith.addi %mul3A_2, %add3A_31 : i32
    "tpu.region"() ({
      %run_scoped3A = tpu.sem_alloc : memref<!tpu.dma_semaphore, #tpu.memory_space<semaphore_mem>>
      %dma_start3A_80 = arith.constant 0 : i32
      %dma_start3A_81 = tpu.memref_slice %arg3[%add3A_32, %dma_start3A_80] : memref<2560x128xi32, #tpu.memory_space<hbm>> -> memref<40x128xi32, #tpu.memory_space<hbm>>
      %dma_start3A_82 = arith.constant 0 : i32
      %dma_start3A_83 = tpu.memref_slice %arg3[%add3A_32, %dma_start3A_82] : memref<2560x128xi32, #tpu.memory_space<hbm>> -> memref<40x128xi32, #tpu.memory_space<hbm>>
      tpu.enqueue_dma source(%dma_start3A_83 : memref<40x128xi32, #tpu.memory_space<hbm>>) target(%arg7 : memref<40x128xi32, #tpu.memory_space<vmem>>) target_semaphore(%run_scoped3A : memref<!tpu.dma_semaphore, #tpu.memory_space<semaphore_mem>>)
      %dma_wait3A_84 = arith.constant 0 : i32
      %dma_wait3A_85 = tpu.memref_slice %arg3[%add3A_32, %dma_wait3A_84] : memref<2560x128xi32, #tpu.memory_space<hbm>> -> memref<40x128xi32, #tpu.memory_space<hbm>>
      %dma_wait3A_86 = arith.constant 0 : i32
      %dma_wait3A_87 = tpu.memref_slice %arg3[%add3A_32, %dma_wait3A_86] : memref<2560x128xi32, #tpu.memory_space<hbm>> -> memref<40x128xi32, #tpu.memory_space<hbm>>
      tpu.wait_dma2 semaphore(%run_scoped3A : memref<!tpu.dma_semaphore, #tpu.memory_space<semaphore_mem>>) src(%dma_wait3A_87 : memref<40x128xi32, #tpu.memory_space<hbm>>) dst(%arg7 : memref<40x128xi32, #tpu.memory_space<vmem>>)
      tpu.yield
    }) : () -> ()
    %dma_start3A = arith.constant 0 : i32
    %dma_start3A_33 = arith.constant 0 : i32
    %dma_start3A_34 = tpu.memref_slice %arg6[%dma_start3A, %dma_start3A_33] : memref<40x128xi32, #tpu.memory_space<vmem>> -> memref<1x128xi32, #tpu.memory_space<vmem>>
    %dma_start3A_35 = tpu.memref_squeeze %dma_start3A_34 : memref<1x128xi32, #tpu.memory_space<vmem>> -> memref<128xi32, #tpu.memory_space<vmem>>
    %dma_start3A_36 = arith.constant 0 : i32
    %dma_start3A_37 = arith.constant 0 : i32
    %dma_start3A_38 = tpu.memref_slice %arg4[%dma_start3A_36, %dma_start3A_37] : memref<10240x128xf32, #tpu.memory_space<hbm>> -> memref<10240x128xf32, #tpu.memory_space<hbm>>
    tpu.enqueue_indirect_dma source(%dma_start3A_38 : memref<10240x128xf32, #tpu.memory_space<hbm>>) target(%arg8 : memref<128x128xf32, #tpu.memory_space<vmem>>) offsets(%dma_start3A_35 : memref<128xi32, #tpu.memory_space<vmem>>) semaphore(%arg11 : memref<!tpu.dma_semaphore, #tpu.memory_space<semaphore_mem>>)
    %dma_wait3A = arith.constant 0 : i32
    %dma_wait3A_39 = arith.constant 0 : i32
    %dma_wait3A_40 = tpu.memref_slice %arg6[%dma_wait3A, %dma_wait3A_39] : memref<40x128xi32, #tpu.memory_space<vmem>> -> memref<1x128xi32, #tpu.memory_space<vmem>>
    %dma_wait3A_41 = tpu.memref_squeeze %dma_wait3A_40 : memref<1x128xi32, #tpu.memory_space<vmem>> -> memref<128xi32, #tpu.memory_space<vmem>>
    %dma_wait3A_42 = arith.constant 0 : i32
    %dma_wait3A_43 = arith.constant 0 : i32
    %dma_wait3A_44 = tpu.memref_slice %arg4[%dma_wait3A_42, %dma_wait3A_43] : memref<10240x128xf32, #tpu.memory_space<hbm>> -> memref<10240x128xf32, #tpu.memory_space<hbm>>
    tpu.wait_indirect_dma semaphore(%arg11 : memref<!tpu.dma_semaphore, #tpu.memory_space<semaphore_mem>>) src(%dma_wait3A_44 : memref<10240x128xf32, #tpu.memory_space<hbm>>) dst(%arg8 : memref<128x128xf32, #tpu.memory_space<vmem>>)
    %scan3A_45 = arith.constant 0 : i32
    %scan3A_46 = arith.constant 0 : i32
    %scan3A_47 = arith.constant 20 : i32
    %scan3A_48 = arith.addi %scan3A_46, %scan3A_47 : i32
    %scan3A_49 = arith.constant 1 : i32
    scf.for %scan3A_80 = %scan3A_46 to %scan3A_48 step %scan3A_49  : i32 {
      %mul3A_81 = arith.constant 2 : i32
      %mul3A_82 = arith.muli %mul3A_81, %scan3A_80 : i32
      %add3A_83 = arith.constant 1 : i32
      %add3A_84 = arith.addi %mul3A_82, %add3A_83 : i32
      %dma_start3A_85 = arith.constant 0 : i32
      %dma_start3A_86 = tpu.memref_slice %arg6[%add3A_84, %dma_start3A_85] : memref<40x128xi32, #tpu.memory_space<vmem>> -> memref<1x128xi32, #tpu.memory_space<vmem>>
      %dma_start3A_87 = tpu.memref_squeeze %dma_start3A_86 : memref<1x128xi32, #tpu.memory_space<vmem>> -> memref<128xi32, #tpu.memory_space<vmem>>
      %dma_start3A_88 = arith.constant 0 : i32
      %dma_start3A_89 = arith.constant 0 : i32
      %dma_start3A_90 = tpu.memref_slice %arg4[%dma_start3A_88, %dma_start3A_89] : memref<10240x128xf32, #tpu.memory_space<hbm>> -> memref<10240x128xf32, #tpu.memory_space<hbm>>
      tpu.enqueue_indirect_dma source(%dma_start3A_90 : memref<10240x128xf32, #tpu.memory_space<hbm>>) target(%arg9 : memref<128x128xf32, #tpu.memory_space<vmem>>) offsets(%dma_start3A_87 : memref<128xi32, #tpu.memory_space<vmem>>) semaphore(%arg12 : memref<!tpu.dma_semaphore, #tpu.memory_space<semaphore_mem>>)
      "tpu.region"() ({
        %run_scoped3A = tpu.sem_alloc : memref<!tpu.dma_semaphore, #tpu.memory_space<semaphore_mem>>
        %dma_start3A_103 = arith.constant 0 : i32
        %dma_start3A_104 = tpu.memref_slice %arg7[%mul3A_82, %dma_start3A_103] : memref<40x128xi32, #tpu.memory_space<vmem>> -> memref<1x128xi32, #tpu.memory_space<vmem>>
        %dma_start3A_105 = tpu.memref_squeeze %dma_start3A_104 : memref<1x128xi32, #tpu.memory_space<vmem>> -> memref<128xi32, #tpu.memory_space<vmem>>
        %dma_start3A_106 = arith.constant 0 : i32
        %dma_start3A_107 = arith.constant 0 : i32
        %dma_start3A_108 = tpu.memref_slice %arg10[%dma_start3A_106, %dma_start3A_107] : memref<10240x128xf32, #tpu.memory_space<vmem_shared>> -> memref<10240x128xf32, #tpu.memory_space<vmem_shared>>
        tpu.enqueue_indirect_dma source(%arg8 : memref<128x128xf32, #tpu.memory_space<vmem>>) target(%dma_start3A_108 : memref<10240x128xf32, #tpu.memory_space<vmem_shared>>) offsets(%dma_start3A_105 : memref<128xi32, #tpu.memory_space<vmem>>) semaphore(%run_scoped3A : memref<!tpu.dma_semaphore, #tpu.memory_space<semaphore_mem>>) {add = true}
        %dma_wait3A_109 = arith.constant 0 : i32
        %dma_wait3A_110 = tpu.memref_slice %arg7[%mul3A_82, %dma_wait3A_109] : memref<40x128xi32, #tpu.memory_space<vmem>> -> memref<1x128xi32, #tpu.memory_space<vmem>>
        %dma_wait3A_111 = tpu.memref_squeeze %dma_wait3A_110 : memref<1x128xi32, #tpu.memory_space<vmem>> -> memref<128xi32, #tpu.memory_space<vmem>>
        %dma_wait3A_112 = arith.constant 0 : i32
        %dma_wait3A_113 = arith.constant 0 : i32
        %dma_wait3A_114 = tpu.memref_slice %arg10[%dma_wait3A_112, %dma_wait3A_113] : memref<10240x128xf32, #tpu.memory_space<vmem_shared>> -> memref<10240x128xf32, #tpu.memory_space<vmem_shared>>
        tpu.wait_indirect_dma semaphore(%run_scoped3A : memref<!tpu.dma_semaphore, #tpu.memory_space<semaphore_mem>>) src(%arg8 : memref<128x128xf32, #tpu.memory_space<vmem>>) dst(%dma_wait3A_114 : memref<10240x128xf32, #tpu.memory_space<vmem_shared>>)
        tpu.yield
      }) : () -> ()
      %dma_wait3A_91 = arith.constant 0 : i32
      %dma_wait3A_92 = tpu.memref_slice %arg6[%add3A_84, %dma_wait3A_91] : memref<40x128xi32, #tpu.memory_space<vmem>> -> memref<1x128xi32, #tpu.memory_space<vmem>>
      %dma_wait3A_93 = tpu.memref_squeeze %dma_wait3A_92 : memref<1x128xi32, #tpu.memory_space<vmem>> -> memref<128xi32, #tpu.memory_space<vmem>>
      %dma_wait3A_94 = arith.constant 0 : i32
      %dma_wait3A_95 = arith.constant 0 : i32
      %dma_wait3A_96 = tpu.memref_slice %arg4[%dma_wait3A_94, %dma_wait3A_95] : memref<10240x128xf32, #tpu.memory_space<hbm>> -> memref<10240x128xf32, #tpu.memory_space<hbm>>
      tpu.wait_indirect_dma semaphore(%arg12 : memref<!tpu.dma_semaphore, #tpu.memory_space<semaphore_mem>>) src(%dma_wait3A_96 : memref<10240x128xf32, #tpu.memory_space<hbm>>) dst(%arg9 : memref<128x128xf32, #tpu.memory_space<vmem>>)
      %lt3A = arith.constant 19 : i32
      %lt3A_97 = arith.cmpi slt, %scan3A_80, %lt3A : i32
      %convert_element_type3A = arith.extui %lt3A_97 : i1 to i32
      %cond3A = arith.constant 0 : i32
      %cond3A_98 = arith.cmpi ne, %convert_element_type3A, %cond3A : i32
      scf.if %cond3A_98 {
        %add3A_103 = arith.constant 2 : i32
        %add3A_104 = arith.addi %mul3A_82, %add3A_103 : i32
        %dma_start3A_105 = arith.constant 0 : i32
        %dma_start3A_106 = tpu.memref_slice %arg6[%add3A_104, %dma_start3A_105] : memref<40x128xi32, #tpu.memory_space<vmem>> -> memref<1x128xi32, #tpu.memory_space<vmem>>
        %dma_start3A_107 = tpu.memref_squeeze %dma_start3A_106 : memref<1x128xi32, #tpu.memory_space<vmem>> -> memref<128xi32, #tpu.memory_space<vmem>>
        %dma_start3A_108 = arith.constant 0 : i32
        %dma_start3A_109 = arith.constant 0 : i32
        %dma_start3A_110 = tpu.memref_slice %arg4[%dma_start3A_108, %dma_start3A_109] : memref<10240x128xf32, #tpu.memory_space<hbm>> -> memref<10240x128xf32, #tpu.memory_space<hbm>>
        tpu.enqueue_indirect_dma source(%dma_start3A_110 : memref<10240x128xf32, #tpu.memory_space<hbm>>) target(%arg8 : memref<128x128xf32, #tpu.memory_space<vmem>>) offsets(%dma_start3A_107 : memref<128xi32, #tpu.memory_space<vmem>>) semaphore(%arg11 : memref<!tpu.dma_semaphore, #tpu.memory_space<semaphore_mem>>)
        %add3A_111 = arith.constant 1 : i32
        %add3A_112 = arith.addi %mul3A_82, %add3A_111 : i32
        "tpu.region"() ({
          %run_scoped3A = tpu.sem_alloc : memref<!tpu.dma_semaphore, #tpu.memory_space<semaphore_mem>>
          %dma_start3A_119 = arith.constant 0 : i32
          %dma_start3A_120 = tpu.memref_slice %arg7[%add3A_112, %dma_start3A_119] : memref<40x128xi32, #tpu.memory_space<vmem>> -> memref<1x128xi32, #tpu.memory_space<vmem>>
          %dma_start3A_121 = tpu.memref_squeeze %dma_start3A_120 : memref<1x128xi32, #tpu.memory_space<vmem>> -> memref<128xi32, #tpu.memory_space<vmem>>
          %dma_start3A_122 = arith.constant 0 : i32
          %dma_start3A_123 = arith.constant 0 : i32
          %dma_start3A_124 = tpu.memref_slice %arg10[%dma_start3A_122, %dma_start3A_123] : memref<10240x128xf32, #tpu.memory_space<vmem_shared>> -> memref<10240x128xf32, #tpu.memory_space<vmem_shared>>
          tpu.enqueue_indirect_dma source(%arg9 : memref<128x128xf32, #tpu.memory_space<vmem>>) target(%dma_start3A_124 : memref<10240x128xf32, #tpu.memory_space<vmem_shared>>) offsets(%dma_start3A_121 : memref<128xi32, #tpu.memory_space<vmem>>) semaphore(%run_scoped3A : memref<!tpu.dma_semaphore, #tpu.memory_space<semaphore_mem>>) {add = true}
          %dma_wait3A_125 = arith.constant 0 : i32
          %dma_wait3A_126 = tpu.memref_slice %arg7[%add3A_112, %dma_wait3A_125] : memref<40x128xi32, #tpu.memory_space<vmem>> -> memref<1x128xi32, #tpu.memory_space<vmem>>
          %dma_wait3A_127 = tpu.memref_squeeze %dma_wait3A_126 : memref<1x128xi32, #tpu.memory_space<vmem>> -> memref<128xi32, #tpu.memory_space<vmem>>
          %dma_wait3A_128 = arith.constant 0 : i32
          %dma_wait3A_129 = arith.constant 0 : i32
          %dma_wait3A_130 = tpu.memref_slice %arg10[%dma_wait3A_128, %dma_wait3A_129] : memref<10240x128xf32, #tpu.memory_space<vmem_shared>> -> memref<10240x128xf32, #tpu.memory_space<vmem_shared>>
          tpu.wait_indirect_dma semaphore(%run_scoped3A : memref<!tpu.dma_semaphore, #tpu.memory_space<semaphore_mem>>) src(%arg9 : memref<128x128xf32, #tpu.memory_space<vmem>>) dst(%dma_wait3A_130 : memref<10240x128xf32, #tpu.memory_space<vmem_shared>>)
          tpu.yield
        }) : () -> ()
        %dma_wait3A_113 = arith.constant 0 : i32
        %dma_wait3A_114 = tpu.memref_slice %arg6[%add3A_104, %dma_wait3A_113] : memref<40x128xi32, #tpu.memory_space<vmem>> -> memref<1x128xi32, #tpu.memory_space<vmem>>
        %dma_wait3A_115 = tpu.memref_squeeze %dma_wait3A_114 : memref<1x128xi32, #tpu.memory_space<vmem>> -> memref<128xi32, #tpu.memory_space<vmem>>
        %dma_wait3A_116 = arith.constant 0 : i32
        %dma_wait3A_117 = arith.constant 0 : i32
        %dma_wait3A_118 = tpu.memref_slice %arg4[%dma_wait3A_116, %dma_wait3A_117] : memref<10240x128xf32, #tpu.memory_space<hbm>> -> memref<10240x128xf32, #tpu.memory_space<hbm>>
        tpu.wait_indirect_dma semaphore(%arg11 : memref<!tpu.dma_semaphore, #tpu.memory_space<semaphore_mem>>) src(%dma_wait3A_118 : memref<10240x128xf32, #tpu.memory_space<hbm>>) dst(%arg8 : memref<128x128xf32, #tpu.memory_space<vmem>>)
      } else {
      }
      %eq3A = arith.constant 19 : i32
      %eq3A_99 = arith.cmpi eq, %scan3A_80, %eq3A : i32
      %convert_element_type3A_100 = arith.extui %eq3A_99 : i1 to i32
      %cond3A_101 = arith.constant 0 : i32
      %cond3A_102 = arith.cmpi ne, %convert_element_type3A_100, %cond3A_101 : i32
      scf.if %cond3A_102 {
        %add3A_103 = arith.constant 1 : i32
        %add3A_104 = arith.addi %mul3A_82, %add3A_103 : i32
        "tpu.region"() ({
          %run_scoped3A = tpu.sem_alloc : memref<!tpu.dma_semaphore, #tpu.memory_space<semaphore_mem>>
          %dma_start3A_105 = arith.constant 0 : i32
          %dma_start3A_106 = tpu.memref_slice %arg7[%add3A_104, %dma_start3A_105] : memref<40x128xi32, #tpu.memory_space<vmem>> -> memref<1x128xi32, #tpu.memory_space<vmem>>
          %dma_start3A_107 = tpu.memref_squeeze %dma_start3A_106 : memref<1x128xi32, #tpu.memory_space<vmem>> -> memref<128xi32, #tpu.memory_space<vmem>>
          %dma_start3A_108 = arith.constant 0 : i32
          %dma_start3A_109 = arith.constant 0 : i32
          %dma_start3A_110 = tpu.memref_slice %arg10[%dma_start3A_108, %dma_start3A_109] : memref<10240x128xf32, #tpu.memory_space<vmem_shared>> -> memref<10240x128xf32, #tpu.memory_space<vmem_shared>>
          tpu.enqueue_indirect_dma source(%arg9 : memref<128x128xf32, #tpu.memory_space<vmem>>) target(%dma_start3A_110 : memref<10240x128xf32, #tpu.memory_space<vmem_shared>>) offsets(%dma_start3A_107 : memref<128xi32, #tpu.memory_space<vmem>>) semaphore(%run_scoped3A : memref<!tpu.dma_semaphore, #tpu.memory_space<semaphore_mem>>) {add = true}
          %dma_wait3A_111 = arith.constant 0 : i32
          %dma_wait3A_112 = tpu.memref_slice %arg7[%add3A_104, %dma_wait3A_111] : memref<40x128xi32, #tpu.memory_space<vmem>> -> memref<1x128xi32, #tpu.memory_space<vmem>>
          %dma_wait3A_113 = tpu.memref_squeeze %dma_wait3A_112 : memref<1x128xi32, #tpu.memory_space<vmem>> -> memref<128xi32, #tpu.memory_space<vmem>>
          %dma_wait3A_114 = arith.constant 0 : i32
          %dma_wait3A_115 = arith.constant 0 : i32
          %dma_wait3A_116 = tpu.memref_slice %arg10[%dma_wait3A_114, %dma_wait3A_115] : memref<10240x128xf32, #tpu.memory_space<vmem_shared>> -> memref<10240x128xf32, #tpu.memory_space<vmem_shared>>
          tpu.wait_indirect_dma semaphore(%run_scoped3A : memref<!tpu.dma_semaphore, #tpu.memory_space<semaphore_mem>>) src(%arg9 : memref<128x128xf32, #tpu.memory_space<vmem>>) dst(%dma_wait3A_116 : memref<10240x128xf32, #tpu.memory_space<vmem_shared>>)
          tpu.yield
        }) : () -> ()
      } else {
      }
    }
    %scan3A_50 = arith.constant 20 : i32
    %add3A_51 = arith.constant 40 : i32
    %add3A_52 = arith.addi %mul3A_2, %add3A_51 : i32
    "tpu.region"() ({
      %run_scoped3A = tpu.sem_alloc : memref<!tpu.dma_semaphore, #tpu.memory_space<semaphore_mem>>
      %dma_start3A_80 = arith.constant 0 : i32
      %dma_start3A_81 = tpu.memref_slice %arg2[%add3A_52, %dma_start3A_80] : memref<2560x128xi32, #tpu.memory_space<hbm>> -> memref<40x128xi32, #tpu.memory_space<hbm>>
      %dma_start3A_82 = arith.constant 0 : i32
      %dma_start3A_83 = tpu.memref_slice %arg2[%add3A_52, %dma_start3A_82] : memref<2560x128xi32, #tpu.memory_space<hbm>> -> memref<40x128xi32, #tpu.memory_space<hbm>>
      tpu.enqueue_dma source(%dma_start3A_83 : memref<40x128xi32, #tpu.memory_space<hbm>>) target(%arg6 : memref<40x128xi32, #tpu.memory_space<vmem>>) target_semaphore(%run_scoped3A : memref<!tpu.dma_semaphore, #tpu.memory_space<semaphore_mem>>)
      %dma_wait3A_84 = arith.constant 0 : i32
      %dma_wait3A_85 = tpu.memref_slice %arg2[%add3A_52, %dma_wait3A_84] : memref<2560x128xi32, #tpu.memory_space<hbm>> -> memref<40x128xi32, #tpu.memory_space<hbm>>
      %dma_wait3A_86 = arith.constant 0 : i32
      %dma_wait3A_87 = tpu.memref_slice %arg2[%add3A_52, %dma_wait3A_86] : memref<2560x128xi32, #tpu.memory_space<hbm>> -> memref<40x128xi32, #tpu.memory_space<hbm>>
      tpu.wait_dma2 semaphore(%run_scoped3A : memref<!tpu.dma_semaphore, #tpu.memory_space<semaphore_mem>>) src(%dma_wait3A_87 : memref<40x128xi32, #tpu.memory_space<hbm>>) dst(%arg6 : memref<40x128xi32, #tpu.memory_space<vmem>>)
      tpu.yield
    }) : () -> ()
    %add3A_53 = arith.constant 40 : i32
    %add3A_54 = arith.addi %mul3A_2, %add3A_53 : i32
    "tpu.region"() ({
      %run_scoped3A = tpu.sem_alloc : memref<!tpu.dma_semaphore, #tpu.memory_space<semaphore_mem>>
      %dma_start3A_80 = arith.constant 0 : i32
      %dma_start3A_81 = tpu.memref_slice %arg3[%add3A_54, %dma_start3A_80] : memref<2560x128xi32, #tpu.memory_space<hbm>> -> memref<40x128xi32, #tpu.memory_space<hbm>>
      %dma_start3A_82 = arith.constant 0 : i32
      %dma_start3A_83 = tpu.memref_slice %arg3[%add3A_54, %dma_start3A_82] : memref<2560x128xi32, #tpu.memory_space<hbm>> -> memref<40x128xi32, #tpu.memory_space<hbm>>
      tpu.enqueue_dma source(%dma_start3A_83 : memref<40x128xi32, #tpu.memory_space<hbm>>) target(%arg7 : memref<40x128xi32, #tpu.memory_space<vmem>>) target_semaphore(%run_scoped3A : memref<!tpu.dma_semaphore, #tpu.memory_space<semaphore_mem>>)
      %dma_wait3A_84 = arith.constant 0 : i32
      %dma_wait3A_85 = tpu.memref_slice %arg3[%add3A_54, %dma_wait3A_84] : memref<2560x128xi32, #tpu.memory_space<hbm>> -> memref<40x128xi32, #tpu.memory_space<hbm>>
      %dma_wait3A_86 = arith.constant 0 : i32
      %dma_wait3A_87 = tpu.memref_slice %arg3[%add3A_54, %dma_wait3A_86] : memref<2560x128xi32, #tpu.memory_space<hbm>> -> memref<40x128xi32, #tpu.memory_space<hbm>>
      tpu.wait_dma2 semaphore(%run_scoped3A : memref<!tpu.dma_semaphore, #tpu.memory_space<semaphore_mem>>) src(%dma_wait3A_87 : memref<40x128xi32, #tpu.memory_space<hbm>>) dst(%arg7 : memref<40x128xi32, #tpu.memory_space<vmem>>)
      tpu.yield
    }) : () -> ()
    %dma_start3A_55 = arith.constant 0 : i32
    %dma_start3A_56 = arith.constant 0 : i32
    %dma_start3A_57 = tpu.memref_slice %arg6[%dma_start3A_55, %dma_start3A_56] : memref<40x128xi32, #tpu.memory_space<vmem>> -> memref<1x128xi32, #tpu.memory_space<vmem>>
    %dma_start3A_58 = tpu.memref_squeeze %dma_start3A_57 : memref<1x128xi32, #tpu.memory_space<vmem>> -> memref<128xi32, #tpu.memory_space<vmem>>
    %dma_start3A_59 = arith.constant 0 : i32
    %dma_start3A_60 = arith.constant 0 : i32
    %dma_start3A_61 = tpu.memref_slice %arg4[%dma_start3A_59, %dma_start3A_60] : memref<10240x128xf32, #tpu.memory_space<hbm>> -> memref<10240x128xf32, #tpu.memory_space<hbm>>
    tpu.enqueue_indirect_dma source(%dma_start3A_61 : memref<10240x128xf32, #tpu.memory_space<hbm>>) target(%arg8 : memref<128x128xf32, #tpu.memory_space<vmem>>) offsets(%dma_start3A_58 : memref<128xi32, #tpu.memory_space<vmem>>) semaphore(%arg11 : memref<!tpu.dma_semaphore, #tpu.memory_space<semaphore_mem>>)
    %dma_wait3A_62 = arith.constant 0 : i32
    %dma_wait3A_63 = arith.constant 0 : i32
    %dma_wait3A_64 = tpu.memref_slice %arg6[%dma_wait3A_62, %dma_wait3A_63] : memref<40x128xi32, #tpu.memory_space<vmem>> -> memref<1x128xi32, #tpu.memory_space<vmem>>
    %dma_wait3A_65 = tpu.memref_squeeze %dma_wait3A_64 : memref<1x128xi32, #tpu.memory_space<vmem>> -> memref<128xi32, #tpu.memory_space<vmem>>
    %dma_wait3A_66 = arith.constant 0 : i32
    %dma_wait3A_67 = arith.constant 0 : i32
    %dma_wait3A_68 = tpu.memref_slice %arg4[%dma_wait3A_66, %dma_wait3A_67] : memref<10240x128xf32, #tpu.memory_space<hbm>> -> memref<10240x128xf32, #tpu.memory_space<hbm>>
    tpu.wait_indirect_dma semaphore(%arg11 : memref<!tpu.dma_semaphore, #tpu.memory_space<semaphore_mem>>) src(%dma_wait3A_68 : memref<10240x128xf32, #tpu.memory_space<hbm>>) dst(%arg8 : memref<128x128xf32, #tpu.memory_space<vmem>>)
    %scan3A_69 = arith.constant 0 : i32
    %scan3A_70 = arith.constant 0 : i32
    %scan3A_71 = arith.constant 20 : i32
    %scan3A_72 = arith.addi %scan3A_70, %scan3A_71 : i32
    %scan3A_73 = arith.constant 1 : i32
    scf.for %scan3A_80 = %scan3A_70 to %scan3A_72 step %scan3A_73  : i32 {
      %mul3A_81 = arith.constant 2 : i32
      %mul3A_82 = arith.muli %mul3A_81, %scan3A_80 : i32
      %add3A_83 = arith.constant 1 : i32
      %add3A_84 = arith.addi %mul3A_82, %add3A_83 : i32
      %dma_start3A_85 = arith.constant 0 : i32
      %dma_start3A_86 = tpu.memref_slice %arg6[%add3A_84, %dma_start3A_85] : memref<40x128xi32, #tpu.memory_space<vmem>> -> memref<1x128xi32, #tpu.memory_space<vmem>>
      %dma_start3A_87 = tpu.memref_squeeze %dma_start3A_86 : memref<1x128xi32, #tpu.memory_space<vmem>> -> memref<128xi32, #tpu.memory_space<vmem>>
      %dma_start3A_88 = arith.constant 0 : i32
      %dma_start3A_89 = arith.constant 0 : i32
      %dma_start3A_90 = tpu.memref_slice %arg4[%dma_start3A_88, %dma_start3A_89] : memref<10240x128xf32, #tpu.memory_space<hbm>> -> memref<10240x128xf32, #tpu.memory_space<hbm>>
      tpu.enqueue_indirect_dma source(%dma_start3A_90 : memref<10240x128xf32, #tpu.memory_space<hbm>>) target(%arg9 : memref<128x128xf32, #tpu.memory_space<vmem>>) offsets(%dma_start3A_87 : memref<128xi32, #tpu.memory_space<vmem>>) semaphore(%arg12 : memref<!tpu.dma_semaphore, #tpu.memory_space<semaphore_mem>>)
      "tpu.region"() ({
        %run_scoped3A = tpu.sem_alloc : memref<!tpu.dma_semaphore, #tpu.memory_space<semaphore_mem>>
        %dma_start3A_103 = arith.constant 0 : i32
        %dma_start3A_104 = tpu.memref_slice %arg7[%mul3A_82, %dma_start3A_103] : memref<40x128xi32, #tpu.memory_space<vmem>> -> memref<1x128xi32, #tpu.memory_space<vmem>>
        %dma_start3A_105 = tpu.memref_squeeze %dma_start3A_104 : memref<1x128xi32, #tpu.memory_space<vmem>> -> memref<128xi32, #tpu.memory_space<vmem>>
        %dma_start3A_106 = arith.constant 0 : i32
        %dma_start3A_107 = arith.constant 0 : i32
        %dma_start3A_108 = tpu.memref_slice %arg10[%dma_start3A_106, %dma_start3A_107] : memref<10240x128xf32, #tpu.memory_space<vmem_shared>> -> memref<10240x128xf32, #tpu.memory_space<vmem_shared>>
        tpu.enqueue_indirect_dma source(%arg8 : memref<128x128xf32, #tpu.memory_space<vmem>>) target(%dma_start3A_108 : memref<10240x128xf32, #tpu.memory_space<vmem_shared>>) offsets(%dma_start3A_105 : memref<128xi32, #tpu.memory_space<vmem>>) semaphore(%run_scoped3A : memref<!tpu.dma_semaphore, #tpu.memory_space<semaphore_mem>>) {add = true}
        %dma_wait3A_109 = arith.constant 0 : i32
        %dma_wait3A_110 = tpu.memref_slice %arg7[%mul3A_82, %dma_wait3A_109] : memref<40x128xi32, #tpu.memory_space<vmem>> -> memref<1x128xi32, #tpu.memory_space<vmem>>
        %dma_wait3A_111 = tpu.memref_squeeze %dma_wait3A_110 : memref<1x128xi32, #tpu.memory_space<vmem>> -> memref<128xi32, #tpu.memory_space<vmem>>
        %dma_wait3A_112 = arith.constant 0 : i32
        %dma_wait3A_113 = arith.constant 0 : i32
        %dma_wait3A_114 = tpu.memref_slice %arg10[%dma_wait3A_112, %dma_wait3A_113] : memref<10240x128xf32, #tpu.memory_space<vmem_shared>> -> memref<10240x128xf32, #tpu.memory_space<vmem_shared>>
        tpu.wait_indirect_dma semaphore(%run_scoped3A : memref<!tpu.dma_semaphore, #tpu.memory_space<semaphore_mem>>) src(%arg8 : memref<128x128xf32, #tpu.memory_space<vmem>>) dst(%dma_wait3A_114 : memref<10240x128xf32, #tpu.memory_space<vmem_shared>>)
        tpu.yield
      }) : () -> ()
      %dma_wait3A_91 = arith.constant 0 : i32
      %dma_wait3A_92 = tpu.memref_slice %arg6[%add3A_84, %dma_wait3A_91] : memref<40x128xi32, #tpu.memory_space<vmem>> -> memref<1x128xi32, #tpu.memory_space<vmem>>
      %dma_wait3A_93 = tpu.memref_squeeze %dma_wait3A_92 : memref<1x128xi32, #tpu.memory_space<vmem>> -> memref<128xi32, #tpu.memory_space<vmem>>
      %dma_wait3A_94 = arith.constant 0 : i32
      %dma_wait3A_95 = arith.constant 0 : i32
      %dma_wait3A_96 = tpu.memref_slice %arg4[%dma_wait3A_94, %dma_wait3A_95] : memref<10240x128xf32, #tpu.memory_space<hbm>> -> memref<10240x128xf32, #tpu.memory_space<hbm>>
      tpu.wait_indirect_dma semaphore(%arg12 : memref<!tpu.dma_semaphore, #tpu.memory_space<semaphore_mem>>) src(%dma_wait3A_96 : memref<10240x128xf32, #tpu.memory_space<hbm>>) dst(%arg9 : memref<128x128xf32, #tpu.memory_space<vmem>>)
      %lt3A = arith.constant 19 : i32
      %lt3A_97 = arith.cmpi slt, %scan3A_80, %lt3A : i32
      %convert_element_type3A = arith.extui %lt3A_97 : i1 to i32
      %cond3A = arith.constant 0 : i32
      %cond3A_98 = arith.cmpi ne, %convert_element_type3A, %cond3A : i32
      scf.if %cond3A_98 {
        %add3A_103 = arith.constant 2 : i32
        %add3A_104 = arith.addi %mul3A_82, %add3A_103 : i32
        %dma_start3A_105 = arith.constant 0 : i32
        %dma_start3A_106 = tpu.memref_slice %arg6[%add3A_104, %dma_start3A_105] : memref<40x128xi32, #tpu.memory_space<vmem>> -> memref<1x128xi32, #tpu.memory_space<vmem>>
        %dma_start3A_107 = tpu.memref_squeeze %dma_start3A_106 : memref<1x128xi32, #tpu.memory_space<vmem>> -> memref<128xi32, #tpu.memory_space<vmem>>
        %dma_start3A_108 = arith.constant 0 : i32
        %dma_start3A_109 = arith.constant 0 : i32
        %dma_start3A_110 = tpu.memref_slice %arg4[%dma_start3A_108, %dma_start3A_109] : memref<10240x128xf32, #tpu.memory_space<hbm>> -> memref<10240x128xf32, #tpu.memory_space<hbm>>
        tpu.enqueue_indirect_dma source(%dma_start3A_110 : memref<10240x128xf32, #tpu.memory_space<hbm>>) target(%arg8 : memref<128x128xf32, #tpu.memory_space<vmem>>) offsets(%dma_start3A_107 : memref<128xi32, #tpu.memory_space<vmem>>) semaphore(%arg11 : memref<!tpu.dma_semaphore, #tpu.memory_space<semaphore_mem>>)
        %add3A_111 = arith.constant 1 : i32
        %add3A_112 = arith.addi %mul3A_82, %add3A_111 : i32
        "tpu.region"() ({
          %run_scoped3A = tpu.sem_alloc : memref<!tpu.dma_semaphore, #tpu.memory_space<semaphore_mem>>
          %dma_start3A_119 = arith.constant 0 : i32
          %dma_start3A_120 = tpu.memref_slice %arg7[%add3A_112, %dma_start3A_119] : memref<40x128xi32, #tpu.memory_space<vmem>> -> memref<1x128xi32, #tpu.memory_space<vmem>>
          %dma_start3A_121 = tpu.memref_squeeze %dma_start3A_120 : memref<1x128xi32, #tpu.memory_space<vmem>> -> memref<128xi32, #tpu.memory_space<vmem>>
          %dma_start3A_122 = arith.constant 0 : i32
          %dma_start3A_123 = arith.constant 0 : i32
          %dma_start3A_124 = tpu.memref_slice %arg10[%dma_start3A_122, %dma_start3A_123] : memref<10240x128xf32, #tpu.memory_space<vmem_shared>> -> memref<10240x128xf32, #tpu.memory_space<vmem_shared>>
          tpu.enqueue_indirect_dma source(%arg9 : memref<128x128xf32, #tpu.memory_space<vmem>>) target(%dma_start3A_124 : memref<10240x128xf32, #tpu.memory_space<vmem_shared>>) offsets(%dma_start3A_121 : memref<128xi32, #tpu.memory_space<vmem>>) semaphore(%run_scoped3A : memref<!tpu.dma_semaphore, #tpu.memory_space<semaphore_mem>>) {add = true}
          %dma_wait3A_125 = arith.constant 0 : i32
          %dma_wait3A_126 = tpu.memref_slice %arg7[%add3A_112, %dma_wait3A_125] : memref<40x128xi32, #tpu.memory_space<vmem>> -> memref<1x128xi32, #tpu.memory_space<vmem>>
          %dma_wait3A_127 = tpu.memref_squeeze %dma_wait3A_126 : memref<1x128xi32, #tpu.memory_space<vmem>> -> memref<128xi32, #tpu.memory_space<vmem>>
          %dma_wait3A_128 = arith.constant 0 : i32
          %dma_wait3A_129 = arith.constant 0 : i32
          %dma_wait3A_130 = tpu.memref_slice %arg10[%dma_wait3A_128, %dma_wait3A_129] : memref<10240x128xf32, #tpu.memory_space<vmem_shared>> -> memref<10240x128xf32, #tpu.memory_space<vmem_shared>>
          tpu.wait_indirect_dma semaphore(%run_scoped3A : memref<!tpu.dma_semaphore, #tpu.memory_space<semaphore_mem>>) src(%arg9 : memref<128x128xf32, #tpu.memory_space<vmem>>) dst(%dma_wait3A_130 : memref<10240x128xf32, #tpu.memory_space<vmem_shared>>)
          tpu.yield
        }) : () -> ()
        %dma_wait3A_113 = arith.constant 0 : i32
        %dma_wait3A_114 = tpu.memref_slice %arg6[%add3A_104, %dma_wait3A_113] : memref<40x128xi32, #tpu.memory_space<vmem>> -> memref<1x128xi32, #tpu.memory_space<vmem>>
        %dma_wait3A_115 = tpu.memref_squeeze %dma_wait3A_114 : memref<1x128xi32, #tpu.memory_space<vmem>> -> memref<128xi32, #tpu.memory_space<vmem>>
        %dma_wait3A_116 = arith.constant 0 : i32
        %dma_wait3A_117 = arith.constant 0 : i32
        %dma_wait3A_118 = tpu.memref_slice %arg4[%dma_wait3A_116, %dma_wait3A_117] : memref<10240x128xf32, #tpu.memory_space<hbm>> -> memref<10240x128xf32, #tpu.memory_space<hbm>>
        tpu.wait_indirect_dma semaphore(%arg11 : memref<!tpu.dma_semaphore, #tpu.memory_space<semaphore_mem>>) src(%dma_wait3A_118 : memref<10240x128xf32, #tpu.memory_space<hbm>>) dst(%arg8 : memref<128x128xf32, #tpu.memory_space<vmem>>)
      } else {
      }
      %eq3A = arith.constant 19 : i32
      %eq3A_99 = arith.cmpi eq, %scan3A_80, %eq3A : i32
      %convert_element_type3A_100 = arith.extui %eq3A_99 : i1 to i32
      %cond3A_101 = arith.constant 0 : i32
      %cond3A_102 = arith.cmpi ne, %convert_element_type3A_100, %cond3A_101 : i32
      scf.if %cond3A_102 {
        %add3A_103 = arith.constant 1 : i32
        %add3A_104 = arith.addi %mul3A_82, %add3A_103 : i32
        "tpu.region"() ({
          %run_scoped3A = tpu.sem_alloc : memref<!tpu.dma_semaphore, #tpu.memory_space<semaphore_mem>>
          %dma_start3A_105 = arith.constant 0 : i32
          %dma_start3A_106 = tpu.memref_slice %arg7[%add3A_104, %dma_start3A_105] : memref<40x128xi32, #tpu.memory_space<vmem>> -> memref<1x128xi32, #tpu.memory_space<vmem>>
          %dma_start3A_107 = tpu.memref_squeeze %dma_start3A_106 : memref<1x128xi32, #tpu.memory_space<vmem>> -> memref<128xi32, #tpu.memory_space<vmem>>
          %dma_start3A_108 = arith.constant 0 : i32
          %dma_start3A_109 = arith.constant 0 : i32
          %dma_start3A_110 = tpu.memref_slice %arg10[%dma_start3A_108, %dma_start3A_109] : memref<10240x128xf32, #tpu.memory_space<vmem_shared>> -> memref<10240x128xf32, #tpu.memory_space<vmem_shared>>
          tpu.enqueue_indirect_dma source(%arg9 : memref<128x128xf32, #tpu.memory_space<vmem>>) target(%dma_start3A_110 : memref<10240x128xf32, #tpu.memory_space<vmem_shared>>) offsets(%dma_start3A_107 : memref<128xi32, #tpu.memory_space<vmem>>) semaphore(%run_scoped3A : memref<!tpu.dma_semaphore, #tpu.memory_space<semaphore_mem>>) {add = true}
          %dma_wait3A_111 = arith.constant 0 : i32
          %dma_wait3A_112 = tpu.memref_slice %arg7[%add3A_104, %dma_wait3A_111] : memref<40x128xi32, #tpu.memory_space<vmem>> -> memref<1x128xi32, #tpu.memory_space<vmem>>
          %dma_wait3A_113 = tpu.memref_squeeze %dma_wait3A_112 : memref<1x128xi32, #tpu.memory_space<vmem>> -> memref<128xi32, #tpu.memory_space<vmem>>
          %dma_wait3A_114 = arith.constant 0 : i32
          %dma_wait3A_115 = arith.constant 0 : i32
          %dma_wait3A_116 = tpu.memref_slice %arg10[%dma_wait3A_114, %dma_wait3A_115] : memref<10240x128xf32, #tpu.memory_space<vmem_shared>> -> memref<10240x128xf32, #tpu.memory_space<vmem_shared>>
          tpu.wait_indirect_dma semaphore(%run_scoped3A : memref<!tpu.dma_semaphore, #tpu.memory_space<semaphore_mem>>) src(%arg9 : memref<128x128xf32, #tpu.memory_space<vmem>>) dst(%dma_wait3A_116 : memref<10240x128xf32, #tpu.memory_space<vmem_shared>>)
          tpu.yield
        }) : () -> ()
      } else {
      }
    }
    %scan3A_74 = arith.constant 20 : i32
    %barrier3A_75 = arith.constant 0 : index
    tpu.barrier barrier_id(%barrier3A_75)
    %mul3A_76 = arith.constant 640 : i32
    %mul3A_77 = arith.muli %arg1, %mul3A_76 : i32
    %mul3A_78 = arith.constant 640 : i32
    %mul3A_79 = arith.muli %arg1, %mul3A_78 : i32
    "tpu.region"() ({
      %run_scoped3A = tpu.sem_alloc : memref<!tpu.dma_semaphore, #tpu.memory_space<semaphore_mem>>
      %dma_start3A_80 = arith.constant 0 : i32
      %dma_start3A_81 = tpu.memref_slice %arg5[%arg0, %mul3A_79, %dma_start3A_80] : memref<2x10240x128xf32, #tpu.memory_space<hbm>> -> memref<1x640x128xf32, #tpu.memory_space<hbm>>
      %dma_start3A_82 = tpu.memref_squeeze %dma_start3A_81 : memref<1x640x128xf32, #tpu.memory_space<hbm>> -> memref<640x128xf32, #tpu.memory_space<hbm>>
      %dma_start3A_83 = arith.constant 0 : i32
      %dma_start3A_84 = tpu.memref_slice %arg10[%mul3A_77, %dma_start3A_83] : memref<10240x128xf32, #tpu.memory_space<vmem_shared>> -> memref<640x128xf32, #tpu.memory_space<vmem_shared>>
      tpu.enqueue_dma source(%dma_start3A_84 : memref<640x128xf32, #tpu.memory_space<vmem_shared>>) target(%dma_start3A_82 : memref<640x128xf32, #tpu.memory_space<hbm>>) target_semaphore(%run_scoped3A : memref<!tpu.dma_semaphore, #tpu.memory_space<semaphore_mem>>)
      %dma_wait3A_85 = arith.constant 0 : i32
      %dma_wait3A_86 = tpu.memref_slice %arg5[%arg0, %mul3A_79, %dma_wait3A_85] : memref<2x10240x128xf32, #tpu.memory_space<hbm>> -> memref<1x640x128xf32, #tpu.memory_space<hbm>>
      %dma_wait3A_87 = tpu.memref_squeeze %dma_wait3A_86 : memref<1x640x128xf32, #tpu.memory_space<hbm>> -> memref<640x128xf32, #tpu.memory_space<hbm>>
      %dma_wait3A_88 = arith.constant 0 : i32
      %dma_wait3A_89 = tpu.memref_slice %arg10[%mul3A_77, %dma_wait3A_88] : memref<10240x128xf32, #tpu.memory_space<vmem_shared>> -> memref<640x128xf32, #tpu.memory_space<vmem_shared>>
      tpu.wait_dma2 semaphore(%run_scoped3A : memref<!tpu.dma_semaphore, #tpu.memory_space<semaphore_mem>>) src(%dma_wait3A_89 : memref<640x128xf32, #tpu.memory_space<vmem_shared>>) dst(%dma_wait3A_87 : memref<640x128xf32, #tpu.memory_space<hbm>>)
      tpu.yield
    }) : () -> ()
    return
  }
}

#map = affine_map<(d0, d1) -> (0, 0)>
#map1 = affine_map<(d0, d1) -> (0, 0, 0)>
module attributes {stable_mosaic.version = 14 : i64} {
  func.func @_sc_conv(%arg0: i32, %arg1: i32, %arg2: memref<2560x128xi32, #tpu.memory_space<hbm>>, %arg3: memref<2560x128xi32, #tpu.memory_space<hbm>>, %arg4: memref<10240x128xf32, #tpu.memory_space<hbm>>, %arg5: memref<2x10240x128xf32, #tpu.memory_space<hbm>>, %arg6: memref<40x128xi32, #tpu.memory_space<vmem>>, %arg7: memref<40x128xi32, #tpu.memory_space<vmem>>, %arg8: memref<128x128xf32, #tpu.memory_space<vmem>>, %arg9: memref<128x128xf32, #tpu.memory_space<vmem>>, %arg10: memref<10240x128xf32, #tpu.memory_space<vmem_shared>>, %arg11: memref<!tpu.dma_semaphore, #tpu.memory_space<semaphore_mem>>, %arg12: memref<!tpu.dma_semaphore, #tpu.memory_space<semaphore_mem>>) attributes {dimension_semantics = [#tpu.dimension_semantics<core_parallel>, #tpu.dimension_semantics<subcore_parallel>], iteration_bounds = array<i64: 2, 16>, scalar_prefetch = 0 : i64, scratch_operands = 7 : i64, tpu.core_type = #tpu.core_type<sc_vector_subcore>, window_params = [{transform_indices = #map}, {transform_indices = #map}, {transform_indices = #map}, {transform_indices = #map1}]} {
    %mul3A = arith.constant 16 : i32
    %mul3A_0 = arith.muli %arg0, %mul3A : i32
    %add3A = arith.addi %mul3A_0, %arg1 : i32
    %mul3A_1 = arith.constant 80 : i32
    %mul3A_2 = arith.muli %add3A, %mul3A_1 : i32
    %broadcast_in_dim3A = arith.constant 0.000000e+00 : f32
    %broadcast_in_dim3A_3 = vector.broadcast %broadcast_in_dim3A : f32 to vector<16xf32>
    %scan3A = arith.constant 0 : i32
    %scan3A_4 = arith.constant 0 : i32
    %scan3A_5 = arith.constant 128 : i32
    %scan3A_6 = arith.addi %scan3A_4, %scan3A_5 : i32
    %scan3A_7 = arith.constant 1 : i32
    scf.for %scan3A_80 = %scan3A_4 to %scan3A_6 step %scan3A_7  : i32 {
      %swap3A = arith.index_cast %scan3A_80 : i32 to index
      %swap3A_81 = arith.constant 0 : index
      %swap3A_82 = tpu.vector_load %arg8[%swap3A, %swap3A_81] {strides = array<i32>} : memref<128x128xf32, #tpu.memory_space<vmem>>, vector<1x16xf32>,
      %swap3A_83 = vector.shape_cast %swap3A_82 : vector<1x16xf32> to vector<16xf32>
      %swap3A_84 = vector.shape_cast %broadcast_in_dim3A_3 : vector<16xf32> to vector<1x16xf32>
      tpu.vector_store %arg8[%swap3A, %swap3A_81], %swap3A_84 {strides = array<i32>} : memref<128x128xf32, #tpu.memory_space<vmem>>, vector<1x16xf32>,
      %swap3A_85 = arith.index_cast %scan3A_80 : i32 to index
      %swap3A_86 = arith.constant 16 : index
      %swap3A_87 = tpu.vector_load %arg8[%swap3A_85, %swap3A_86] {strides = array<i32>} : memref<128x128xf32, #tpu.memory_space<vmem>>, vector<1x16xf32>,
      %swap3A_88 = vector.shape_cast %swap3A_87 : vector<1x16xf32> to vector<16xf32>
      %swap3A_89 = vector.shape_cast %broadcast_in_dim3A_3 : vector<16xf32> to vector<1x16xf32>
      tpu.vector_store %arg8[%swap3A_85, %swap3A_86], %swap3A_89 {strides = array<i32>} : memref<128x128xf32, #tpu.memory_space<vmem>>, vector<1x16xf32>,
      %swap3A_90 = arith.index_cast %scan3A_80 : i32 to index
      %swap3A_91 = arith.constant 32 : index
      %swap3A_92 = tpu.vector_load %arg8[%swap3A_90, %swap3A_91] {strides = array<i32>} : memref<128x128xf32, #tpu.memory_space<vmem>>, vector<1x16xf32>,
      %swap3A_93 = vector.shape_cast %swap3A_92 : vector<1x16xf32> to vector<16xf32>
      %swap3A_94 = vector.shape_cast %broadcast_in_dim3A_3 : vector<16xf32> to vector<1x16xf32>
      tpu.vector_store %arg8[%swap3A_90, %swap3A_91], %swap3A_94 {strides = array<i32>} : memref<128x128xf32, #tpu.memory_space<vmem>>, vector<1x16xf32>,
      %swap3A_95 = arith.index_cast %scan3A_80 : i32 to index
      %swap3A_96 = arith.constant 48 : index
      %swap3A_97 = tpu.vector_load %arg8[%swap3A_95, %swap3A_96] {strides = array<i32>} : memref<128x128xf32, #tpu.memory_space<vmem>>, vector<1x16xf32>,
      %swap3A_98 = vector.shape_cast %swap3A_97 : vector<1x16xf32> to vector<16xf32>
      %swap3A_99 = vector.shape_cast %broadcast_in_dim3A_3 : vector<16xf32> to vector<1x16xf32>
      tpu.vector_store %arg8[%swap3A_95, %swap3A_96], %swap3A_99 {strides = array<i32>} : memref<128x128xf32, #tpu.memory_space<vmem>>, vector<1x16xf32>,
      %swap3A_100 = arith.index_cast %scan3A_80 : i32 to index
      %swap3A_101 = arith.constant 64 : index
      %swap3A_102 = tpu.vector_load %arg8[%swap3A_100, %swap3A_101] {strides = array<i32>} : memref<128x128xf32, #tpu.memory_space<vmem>>, vector<1x16xf32>,
      %swap3A_103 = vector.shape_cast %swap3A_102 : vector<1x16xf32> to vector<16xf32>
      %swap3A_104 = vector.shape_cast %broadcast_in_dim3A_3 : vector<16xf32> to vector<1x16xf32>
      tpu.vector_store %arg8[%swap3A_100, %swap3A_101], %swap3A_104 {strides = array<i32>} : memref<128x128xf32, #tpu.memory_space<vmem>>, vector<1x16xf32>,
      %swap3A_105 = arith.index_cast %scan3A_80 : i32 to index
      %swap3A_106 = arith.constant 80 : index
      %swap3A_107 = tpu.vector_load %arg8[%swap3A_105, %swap3A_106] {strides = array<i32>} : memref<128x128xf32, #tpu.memory_space<vmem>>, vector<1x16xf32>,
      %swap3A_108 = vector.shape_cast %swap3A_107 : vector<1x16xf32> to vector<16xf32>
      %swap3A_109 = vector.shape_cast %broadcast_in_dim3A_3 : vector<16xf32> to vector<1x16xf32>
      tpu.vector_store %arg8[%swap3A_105, %swap3A_106], %swap3A_109 {strides = array<i32>} : memref<128x128xf32, #tpu.memory_space<vmem>>, vector<1x16xf32>,
      %swap3A_110 = arith.index_cast %scan3A_80 : i32 to index
      %swap3A_111 = arith.constant 96 : index
      %swap3A_112 = tpu.vector_load %arg8[%swap3A_110, %swap3A_111] {strides = array<i32>} : memref<128x128xf32, #tpu.memory_space<vmem>>, vector<1x16xf32>,
      %swap3A_113 = vector.shape_cast %swap3A_112 : vector<1x16xf32> to vector<16xf32>
      %swap3A_114 = vector.shape_cast %broadcast_in_dim3A_3 : vector<16xf32> to vector<1x16xf32>
      tpu.vector_store %arg8[%swap3A_110, %swap3A_111], %swap3A_114 {strides = array<i32>} : memref<128x128xf32, #tpu.memory_space<vmem>>, vector<1x16xf32>,
      %swap3A_115 = arith.index_cast %scan3A_80 : i32 to index
      %swap3A_116 = arith.constant 112 : index
      %swap3A_117 = tpu.vector_load %arg8[%swap3A_115, %swap3A_116] {strides = array<i32>} : memref<128x128xf32, #tpu.memory_space<vmem>>, vector<1x16xf32>,
      %swap3A_118 = vector.shape_cast %swap3A_117 : vector<1x16xf32> to vector<16xf32>
      %swap3A_119 = vector.shape_cast %broadcast_in_dim3A_3 : vector<16xf32> to vector<1x16xf32>
      tpu.vector_store %arg8[%swap3A_115, %swap3A_116], %swap3A_119 {strides = array<i32>} : memref<128x128xf32, #tpu.memory_space<vmem>>, vector<1x16xf32>,
    }
    %scan3A_8 = arith.constant 128 : i32
    %mul3A_9 = arith.constant 640 : i32
    %mul3A_10 = arith.muli %arg1, %mul3A_9 : i32
    %add3A_11 = arith.constant 0 : i32
    %add3A_12 = arith.addi %mul3A_10, %add3A_11 : i32
    "tpu.region"() ({
      %run_scoped3A = tpu.sem_alloc : memref<!tpu.dma_semaphore, #tpu.memory_space<semaphore_mem>>
      %dma_start3A_80 = arith.constant 0 : i32
      %dma_start3A_81 = tpu.memref_slice %arg10[%add3A_12, %dma_start3A_80] : memref<10240x128xf32, #tpu.memory_space<vmem_shared>> -> memref<128x128xf32, #tpu.memory_space<vmem_shared>>
      %dma_start3A_82 = arith.constant 0 : i32
      %dma_start3A_83 = tpu.memref_slice %arg10[%add3A_12, %dma_start3A_82] : memref<10240x128xf32, #tpu.memory_space<vmem_shared>> -> memref<128x128xf32, #tpu.memory_space<vmem_shared>>
      tpu.enqueue_dma source(%arg8 : memref<128x128xf32, #tpu.memory_space<vmem>>) target(%dma_start3A_83 : memref<128x128xf32, #tpu.memory_space<vmem_shared>>) target_semaphore(%run_scoped3A : memref<!tpu.dma_semaphore, #tpu.memory_space<semaphore_mem>>)
      %dma_wait3A_84 = arith.constant 0 : i32
      %dma_wait3A_85 = tpu.memref_slice %arg10[%add3A_12, %dma_wait3A_84] : memref<10240x128xf32, #tpu.memory_space<vmem_shared>> -> memref<128x128xf32, #tpu.memory_space<vmem_shared>>
      %dma_wait3A_86 = arith.constant 0 : i32
      %dma_wait3A_87 = tpu.memref_slice %arg10[%add3A_12, %dma_wait3A_86] : memref<10240x128xf32, #tpu.memory_space<vmem_shared>> -> memref<128x128xf32, #tpu.memory_space<vmem_shared>>
      tpu.wait_dma2 semaphore(%run_scoped3A : memref<!tpu.dma_semaphore, #tpu.memory_space<semaphore_mem>>) src(%arg8 : memref<128x128xf32, #tpu.memory_space<vmem>>) dst(%dma_wait3A_87 : memref<128x128xf32, #tpu.memory_space<vmem_shared>>)
      tpu.yield
    }) : () -> ()
    %mul3A_13 = arith.constant 640 : i32
    %mul3A_14 = arith.muli %arg1, %mul3A_13 : i32
    %add3A_15 = arith.constant 128 : i32
    %add3A_16 = arith.addi %mul3A_14, %add3A_15 : i32
    "tpu.region"() ({
      %run_scoped3A = tpu.sem_alloc : memref<!tpu.dma_semaphore, #tpu.memory_space<semaphore_mem>>
      %dma_start3A_80 = arith.constant 0 : i32
      %dma_start3A_81 = tpu.memref_slice %arg10[%add3A_16, %dma_start3A_80] : memref<10240x128xf32, #tpu.memory_space<vmem_shared>> -> memref<128x128xf32, #tpu.memory_space<vmem_shared>>
      %dma_start3A_82 = arith.constant 0 : i32
      %dma_start3A_83 = tpu.memref_slice %arg10[%add3A_16, %dma_start3A_82] : memref<10240x128xf32, #tpu.memory_space<vmem_shared>> -> memref<128x128xf32, #tpu.memory_space<vmem_shared>>
      tpu.enqueue_dma source(%arg8 : memref<128x128xf32, #tpu.memory_space<vmem>>) target(%dma_start3A_83 : memref<128x128xf32, #tpu.memory_space<vmem_shared>>) target_semaphore(%run_scoped3A : memref<!tpu.dma_semaphore, #tpu.memory_space<semaphore_mem>>)
      %dma_wait3A_84 = arith.constant 0 : i32
      %dma_wait3A_85 = tpu.memref_slice %arg10[%add3A_16, %dma_wait3A_84] : memref<10240x128xf32, #tpu.memory_space<vmem_shared>> -> memref<128x128xf32, #tpu.memory_space<vmem_shared>>
      %dma_wait3A_86 = arith.constant 0 : i32
      %dma_wait3A_87 = tpu.memref_slice %arg10[%add3A_16, %dma_wait3A_86] : memref<10240x128xf32, #tpu.memory_space<vmem_shared>> -> memref<128x128xf32, #tpu.memory_space<vmem_shared>>
      tpu.wait_dma2 semaphore(%run_scoped3A : memref<!tpu.dma_semaphore, #tpu.memory_space<semaphore_mem>>) src(%arg8 : memref<128x128xf32, #tpu.memory_space<vmem>>) dst(%dma_wait3A_87 : memref<128x128xf32, #tpu.memory_space<vmem_shared>>)
      tpu.yield
    }) : () -> ()
    %mul3A_17 = arith.constant 640 : i32
    %mul3A_18 = arith.muli %arg1, %mul3A_17 : i32
    %add3A_19 = arith.constant 256 : i32
    %add3A_20 = arith.addi %mul3A_18, %add3A_19 : i32
    "tpu.region"() ({
      %run_scoped3A = tpu.sem_alloc : memref<!tpu.dma_semaphore, #tpu.memory_space<semaphore_mem>>
      %dma_start3A_80 = arith.constant 0 : i32
      %dma_start3A_81 = tpu.memref_slice %arg10[%add3A_20, %dma_start3A_80] : memref<10240x128xf32, #tpu.memory_space<vmem_shared>> -> memref<128x128xf32, #tpu.memory_space<vmem_shared>>
      %dma_start3A_82 = arith.constant 0 : i32
      %dma_start3A_83 = tpu.memref_slice %arg10[%add3A_20, %dma_start3A_82] : memref<10240x128xf32, #tpu.memory_space<vmem_shared>> -> memref<128x128xf32, #tpu.memory_space<vmem_shared>>
      tpu.enqueue_dma source(%arg8 : memref<128x128xf32, #tpu.memory_space<vmem>>) target(%dma_start3A_83 : memref<128x128xf32, #tpu.memory_space<vmem_shared>>) target_semaphore(%run_scoped3A : memref<!tpu.dma_semaphore, #tpu.memory_space<semaphore_mem>>)
      %dma_wait3A_84 = arith.constant 0 : i32
      %dma_wait3A_85 = tpu.memref_slice %arg10[%add3A_20, %dma_wait3A_84] : memref<10240x128xf32, #tpu.memory_space<vmem_shared>> -> memref<128x128xf32, #tpu.memory_space<vmem_shared>>
      %dma_wait3A_86 = arith.constant 0 : i32
      %dma_wait3A_87 = tpu.memref_slice %arg10[%add3A_20, %dma_wait3A_86] : memref<10240x128xf32, #tpu.memory_space<vmem_shared>> -> memref<128x128xf32, #tpu.memory_space<vmem_shared>>
      tpu.wait_dma2 semaphore(%run_scoped3A : memref<!tpu.dma_semaphore, #tpu.memory_space<semaphore_mem>>) src(%arg8 : memref<128x128xf32, #tpu.memory_space<vmem>>) dst(%dma_wait3A_87 : memref<128x128xf32, #tpu.memory_space<vmem_shared>>)
      tpu.yield
    }) : () -> ()
    %mul3A_21 = arith.constant 640 : i32
    %mul3A_22 = arith.muli %arg1, %mul3A_21 : i32
    %add3A_23 = arith.constant 384 : i32
    %add3A_24 = arith.addi %mul3A_22, %add3A_23 : i32
    "tpu.region"() ({
      %run_scoped3A = tpu.sem_alloc : memref<!tpu.dma_semaphore, #tpu.memory_space<semaphore_mem>>
      %dma_start3A_80 = arith.constant 0 : i32
      %dma_start3A_81 = tpu.memref_slice %arg10[%add3A_24, %dma_start3A_80] : memref<10240x128xf32, #tpu.memory_space<vmem_shared>> -> memref<128x128xf32, #tpu.memory_space<vmem_shared>>
      %dma_start3A_82 = arith.constant 0 : i32
      %dma_start3A_83 = tpu.memref_slice %arg10[%add3A_24, %dma_start3A_82] : memref<10240x128xf32, #tpu.memory_space<vmem_shared>> -> memref<128x128xf32, #tpu.memory_space<vmem_shared>>
      tpu.enqueue_dma source(%arg8 : memref<128x128xf32, #tpu.memory_space<vmem>>) target(%dma_start3A_83 : memref<128x128xf32, #tpu.memory_space<vmem_shared>>) target_semaphore(%run_scoped3A : memref<!tpu.dma_semaphore, #tpu.memory_space<semaphore_mem>>)
      %dma_wait3A_84 = arith.constant 0 : i32
      %dma_wait3A_85 = tpu.memref_slice %arg10[%add3A_24, %dma_wait3A_84] : memref<10240x128xf32, #tpu.memory_space<vmem_shared>> -> memref<128x128xf32, #tpu.memory_space<vmem_shared>>
      %dma_wait3A_86 = arith.constant 0 : i32
      %dma_wait3A_87 = tpu.memref_slice %arg10[%add3A_24, %dma_wait3A_86] : memref<10240x128xf32, #tpu.memory_space<vmem_shared>> -> memref<128x128xf32, #tpu.memory_space<vmem_shared>>
      tpu.wait_dma2 semaphore(%run_scoped3A : memref<!tpu.dma_semaphore, #tpu.memory_space<semaphore_mem>>) src(%arg8 : memref<128x128xf32, #tpu.memory_space<vmem>>) dst(%dma_wait3A_87 : memref<128x128xf32, #tpu.memory_space<vmem_shared>>)
      tpu.yield
    }) : () -> ()
    %mul3A_25 = arith.constant 640 : i32
    %mul3A_26 = arith.muli %arg1, %mul3A_25 : i32
    %add3A_27 = arith.constant 512 : i32
    %add3A_28 = arith.addi %mul3A_26, %add3A_27 : i32
    "tpu.region"() ({
      %run_scoped3A = tpu.sem_alloc : memref<!tpu.dma_semaphore, #tpu.memory_space<semaphore_mem>>
      %dma_start3A_80 = arith.constant 0 : i32
      %dma_start3A_81 = tpu.memref_slice %arg10[%add3A_28, %dma_start3A_80] : memref<10240x128xf32, #tpu.memory_space<vmem_shared>> -> memref<128x128xf32, #tpu.memory_space<vmem_shared>>
      %dma_start3A_82 = arith.constant 0 : i32
      %dma_start3A_83 = tpu.memref_slice %arg10[%add3A_28, %dma_start3A_82] : memref<10240x128xf32, #tpu.memory_space<vmem_shared>> -> memref<128x128xf32, #tpu.memory_space<vmem_shared>>
      tpu.enqueue_dma source(%arg8 : memref<128x128xf32, #tpu.memory_space<vmem>>) target(%dma_start3A_83 : memref<128x128xf32, #tpu.memory_space<vmem_shared>>) target_semaphore(%run_scoped3A : memref<!tpu.dma_semaphore, #tpu.memory_space<semaphore_mem>>)
      %dma_wait3A_84 = arith.constant 0 : i32
      %dma_wait3A_85 = tpu.memref_slice %arg10[%add3A_28, %dma_wait3A_84] : memref<10240x128xf32, #tpu.memory_space<vmem_shared>> -> memref<128x128xf32, #tpu.memory_space<vmem_shared>>
      %dma_wait3A_86 = arith.constant 0 : i32
      %dma_wait3A_87 = tpu.memref_slice %arg10[%add3A_28, %dma_wait3A_86] : memref<10240x128xf32, #tpu.memory_space<vmem_shared>> -> memref<128x128xf32, #tpu.memory_space<vmem_shared>>
      tpu.wait_dma2 semaphore(%run_scoped3A : memref<!tpu.dma_semaphore, #tpu.memory_space<semaphore_mem>>) src(%arg8 : memref<128x128xf32, #tpu.memory_space<vmem>>) dst(%dma_wait3A_87 : memref<128x128xf32, #tpu.memory_space<vmem_shared>>)
      tpu.yield
    }) : () -> ()
    %barrier3A = arith.constant 0 : index
    tpu.barrier barrier_id(%barrier3A)
    %add3A_29 = arith.constant 0 : i32
    %add3A_30 = arith.addi %mul3A_2, %add3A_29 : i32
    "tpu.region"() ({
      %run_scoped3A = tpu.sem_alloc : memref<!tpu.dma_semaphore, #tpu.memory_space<semaphore_mem>>
      %dma_start3A_80 = arith.constant 0 : i32
      %dma_start3A_81 = tpu.memref_slice %arg2[%add3A_30, %dma_start3A_80] : memref<2560x128xi32, #tpu.memory_space<hbm>> -> memref<40x128xi32, #tpu.memory_space<hbm>>
      %dma_start3A_82 = arith.constant 0 : i32
      %dma_start3A_83 = tpu.memref_slice %arg2[%add3A_30, %dma_start3A_82] : memref<2560x128xi32, #tpu.memory_space<hbm>> -> memref<40x128xi32, #tpu.memory_space<hbm>>
      tpu.enqueue_dma source(%dma_start3A_83 : memref<40x128xi32, #tpu.memory_space<hbm>>) target(%arg6 : memref<40x128xi32, #tpu.memory_space<vmem>>) target_semaphore(%run_scoped3A : memref<!tpu.dma_semaphore, #tpu.memory_space<semaphore_mem>>)
      %dma_wait3A_84 = arith.constant 0 : i32
      %dma_wait3A_85 = tpu.memref_slice %arg2[%add3A_30, %dma_wait3A_84] : memref<2560x128xi32, #tpu.memory_space<hbm>> -> memref<40x128xi32, #tpu.memory_space<hbm>>
      %dma_wait3A_86 = arith.constant 0 : i32
      %dma_wait3A_87 = tpu.memref_slice %arg2[%add3A_30, %dma_wait3A_86] : memref<2560x128xi32, #tpu.memory_space<hbm>> -> memref<40x128xi32, #tpu.memory_space<hbm>>
      tpu.wait_dma2 semaphore(%run_scoped3A : memref<!tpu.dma_semaphore, #tpu.memory_space<semaphore_mem>>) src(%dma_wait3A_87 : memref<40x128xi32, #tpu.memory_space<hbm>>) dst(%arg6 : memref<40x128xi32, #tpu.memory_space<vmem>>)
      tpu.yield
    }) : () -> ()
    %add3A_31 = arith.constant 0 : i32
    %add3A_32 = arith.addi %mul3A_2, %add3A_31 : i32
    "tpu.region"() ({
      %run_scoped3A = tpu.sem_alloc : memref<!tpu.dma_semaphore, #tpu.memory_space<semaphore_mem>>
      %dma_start3A_80 = arith.constant 0 : i32
      %dma_start3A_81 = tpu.memref_slice %arg3[%add3A_32, %dma_start3A_80] : memref<2560x128xi32, #tpu.memory_space<hbm>> -> memref<40x128xi32, #tpu.memory_space<hbm>>
      %dma_start3A_82 = arith.constant 0 : i32
      %dma_start3A_83 = tpu.memref_slice %arg3[%add3A_32, %dma_start3A_82] : memref<2560x128xi32, #tpu.memory_space<hbm>> -> memref<40x128xi32, #tpu.memory_space<hbm>>
      tpu.enqueue_dma source(%dma_start3A_83 : memref<40x128xi32, #tpu.memory_space<hbm>>) target(%arg7 : memref<40x128xi32, #tpu.memory_space<vmem>>) target_semaphore(%run_scoped3A : memref<!tpu.dma_semaphore, #tpu.memory_space<semaphore_mem>>)
      %dma_wait3A_84 = arith.constant 0 : i32
      %dma_wait3A_85 = tpu.memref_slice %arg3[%add3A_32, %dma_wait3A_84] : memref<2560x128xi32, #tpu.memory_space<hbm>> -> memref<40x128xi32, #tpu.memory_space<hbm>>
      %dma_wait3A_86 = arith.constant 0 : i32
      %dma_wait3A_87 = tpu.memref_slice %arg3[%add3A_32, %dma_wait3A_86] : memref<2560x128xi32, #tpu.memory_space<hbm>> -> memref<40x128xi32, #tpu.memory_space<hbm>>
      tpu.wait_dma2 semaphore(%run_scoped3A : memref<!tpu.dma_semaphore, #tpu.memory_space<semaphore_mem>>) src(%dma_wait3A_87 : memref<40x128xi32, #tpu.memory_space<hbm>>) dst(%arg7 : memref<40x128xi32, #tpu.memory_space<vmem>>)
      tpu.yield
    }) : () -> ()
    %dma_start3A = arith.constant 0 : i32
    %dma_start3A_33 = arith.constant 0 : i32
    %dma_start3A_34 = tpu.memref_slice %arg6[%dma_start3A, %dma_start3A_33] : memref<40x128xi32, #tpu.memory_space<vmem>> -> memref<1x128xi32, #tpu.memory_space<vmem>>
    %dma_start3A_35 = tpu.memref_squeeze %dma_start3A_34 : memref<1x128xi32, #tpu.memory_space<vmem>> -> memref<128xi32, #tpu.memory_space<vmem>>
    %dma_start3A_36 = arith.constant 0 : i32
    %dma_start3A_37 = arith.constant 0 : i32
    %dma_start3A_38 = tpu.memref_slice %arg4[%dma_start3A_36, %dma_start3A_37] : memref<10240x128xf32, #tpu.memory_space<hbm>> -> memref<10240x128xf32, #tpu.memory_space<hbm>>
    tpu.enqueue_indirect_dma source(%dma_start3A_38 : memref<10240x128xf32, #tpu.memory_space<hbm>>) target(%arg8 : memref<128x128xf32, #tpu.memory_space<vmem>>) offsets(%dma_start3A_35 : memref<128xi32, #tpu.memory_space<vmem>>) semaphore(%arg11 : memref<!tpu.dma_semaphore, #tpu.memory_space<semaphore_mem>>)
    %dma_wait3A = arith.constant 0 : i32
    %dma_wait3A_39 = arith.constant 0 : i32
    %dma_wait3A_40 = tpu.memref_slice %arg6[%dma_wait3A, %dma_wait3A_39] : memref<40x128xi32, #tpu.memory_space<vmem>> -> memref<1x128xi32, #tpu.memory_space<vmem>>
    %dma_wait3A_41 = tpu.memref_squeeze %dma_wait3A_40 : memref<1x128xi32, #tpu.memory_space<vmem>> -> memref<128xi32, #tpu.memory_space<vmem>>
    %dma_wait3A_42 = arith.constant 0 : i32
    %dma_wait3A_43 = arith.constant 0 : i32
    %dma_wait3A_44 = tpu.memref_slice %arg4[%dma_wait3A_42, %dma_wait3A_43] : memref<10240x128xf32, #tpu.memory_space<hbm>> -> memref<10240x128xf32, #tpu.memory_space<hbm>>
    tpu.wait_indirect_dma semaphore(%arg11 : memref<!tpu.dma_semaphore, #tpu.memory_space<semaphore_mem>>) src(%dma_wait3A_44 : memref<10240x128xf32, #tpu.memory_space<hbm>>) dst(%arg8 : memref<128x128xf32, #tpu.memory_space<vmem>>)
    %scan3A_45 = arith.constant 0 : i32
    %scan3A_46 = arith.constant 0 : i32
    %scan3A_47 = arith.constant 20 : i32
    %scan3A_48 = arith.addi %scan3A_46, %scan3A_47 : i32
    %scan3A_49 = arith.constant 1 : i32
    scf.for %scan3A_80 = %scan3A_46 to %scan3A_48 step %scan3A_49  : i32 {
      %mul3A_81 = arith.constant 2 : i32
      %mul3A_82 = arith.muli %mul3A_81, %scan3A_80 : i32
      %add3A_83 = arith.constant 1 : i32
      %add3A_84 = arith.addi %mul3A_82, %add3A_83 : i32
      %dma_start3A_85 = arith.constant 0 : i32
      %dma_start3A_86 = tpu.memref_slice %arg6[%add3A_84, %dma_start3A_85] : memref<40x128xi32, #tpu.memory_space<vmem>> -> memref<1x128xi32, #tpu.memory_space<vmem>>
      %dma_start3A_87 = tpu.memref_squeeze %dma_start3A_86 : memref<1x128xi32, #tpu.memory_space<vmem>> -> memref<128xi32, #tpu.memory_space<vmem>>
      %dma_start3A_88 = arith.constant 0 : i32
      %dma_start3A_89 = arith.constant 0 : i32
      %dma_start3A_90 = tpu.memref_slice %arg4[%dma_start3A_88, %dma_start3A_89] : memref<10240x128xf32, #tpu.memory_space<hbm>> -> memref<10240x128xf32, #tpu.memory_space<hbm>>
      tpu.enqueue_indirect_dma source(%dma_start3A_90 : memref<10240x128xf32, #tpu.memory_space<hbm>>) target(%arg9 : memref<128x128xf32, #tpu.memory_space<vmem>>) offsets(%dma_start3A_87 : memref<128xi32, #tpu.memory_space<vmem>>) semaphore(%arg12 : memref<!tpu.dma_semaphore, #tpu.memory_space<semaphore_mem>>)
      "tpu.region"() ({
        %run_scoped3A = tpu.sem_alloc : memref<!tpu.dma_semaphore, #tpu.memory_space<semaphore_mem>>
        %dma_start3A_103 = arith.constant 0 : i32
        %dma_start3A_104 = tpu.memref_slice %arg7[%mul3A_82, %dma_start3A_103] : memref<40x128xi32, #tpu.memory_space<vmem>> -> memref<1x128xi32, #tpu.memory_space<vmem>>
        %dma_start3A_105 = tpu.memref_squeeze %dma_start3A_104 : memref<1x128xi32, #tpu.memory_space<vmem>> -> memref<128xi32, #tpu.memory_space<vmem>>
        %dma_start3A_106 = arith.constant 0 : i32
        %dma_start3A_107 = arith.constant 0 : i32
        %dma_start3A_108 = tpu.memref_slice %arg10[%dma_start3A_106, %dma_start3A_107] : memref<10240x128xf32, #tpu.memory_space<vmem_shared>> -> memref<10240x128xf32, #tpu.memory_space<vmem_shared>>
        tpu.enqueue_indirect_dma source(%arg8 : memref<128x128xf32, #tpu.memory_space<vmem>>) target(%dma_start3A_108 : memref<10240x128xf32, #tpu.memory_space<vmem_shared>>) offsets(%dma_start3A_105 : memref<128xi32, #tpu.memory_space<vmem>>) semaphore(%run_scoped3A : memref<!tpu.dma_semaphore, #tpu.memory_space<semaphore_mem>>) {add = true}
        %dma_wait3A_109 = arith.constant 0 : i32
        %dma_wait3A_110 = tpu.memref_slice %arg7[%mul3A_82, %dma_wait3A_109] : memref<40x128xi32, #tpu.memory_space<vmem>> -> memref<1x128xi32, #tpu.memory_space<vmem>>
        %dma_wait3A_111 = tpu.memref_squeeze %dma_wait3A_110 : memref<1x128xi32, #tpu.memory_space<vmem>> -> memref<128xi32, #tpu.memory_space<vmem>>
        %dma_wait3A_112 = arith.constant 0 : i32
        %dma_wait3A_113 = arith.constant 0 : i32
        %dma_wait3A_114 = tpu.memref_slice %arg10[%dma_wait3A_112, %dma_wait3A_113] : memref<10240x128xf32, #tpu.memory_space<vmem_shared>> -> memref<10240x128xf32, #tpu.memory_space<vmem_shared>>
        tpu.wait_indirect_dma semaphore(%run_scoped3A : memref<!tpu.dma_semaphore, #tpu.memory_space<semaphore_mem>>) src(%arg8 : memref<128x128xf32, #tpu.memory_space<vmem>>) dst(%dma_wait3A_114 : memref<10240x128xf32, #tpu.memory_space<vmem_shared>>)
        tpu.yield
      }) : () -> ()
      %dma_wait3A_91 = arith.constant 0 : i32
      %dma_wait3A_92 = tpu.memref_slice %arg6[%add3A_84, %dma_wait3A_91] : memref<40x128xi32, #tpu.memory_space<vmem>> -> memref<1x128xi32, #tpu.memory_space<vmem>>
      %dma_wait3A_93 = tpu.memref_squeeze %dma_wait3A_92 : memref<1x128xi32, #tpu.memory_space<vmem>> -> memref<128xi32, #tpu.memory_space<vmem>>
      %dma_wait3A_94 = arith.constant 0 : i32
      %dma_wait3A_95 = arith.constant 0 : i32
      %dma_wait3A_96 = tpu.memref_slice %arg4[%dma_wait3A_94, %dma_wait3A_95] : memref<10240x128xf32, #tpu.memory_space<hbm>> -> memref<10240x128xf32, #tpu.memory_space<hbm>>
      tpu.wait_indirect_dma semaphore(%arg12 : memref<!tpu.dma_semaphore, #tpu.memory_space<semaphore_mem>>) src(%dma_wait3A_96 : memref<10240x128xf32, #tpu.memory_space<hbm>>) dst(%arg9 : memref<128x128xf32, #tpu.memory_space<vmem>>)
      %lt3A = arith.constant 19 : i32
      %lt3A_97 = arith.cmpi slt, %scan3A_80, %lt3A : i32
      %convert_element_type3A = arith.extui %lt3A_97 : i1 to i32
      %cond3A = arith.constant 0 : i32
      %cond3A_98 = arith.cmpi ne, %convert_element_type3A, %cond3A : i32
      scf.if %cond3A_98 {
        %add3A_103 = arith.constant 2 : i32
        %add3A_104 = arith.addi %mul3A_82, %add3A_103 : i32
        %dma_start3A_105 = arith.constant 0 : i32
        %dma_start3A_106 = tpu.memref_slice %arg6[%add3A_104, %dma_start3A_105] : memref<40x128xi32, #tpu.memory_space<vmem>> -> memref<1x128xi32, #tpu.memory_space<vmem>>
        %dma_start3A_107 = tpu.memref_squeeze %dma_start3A_106 : memref<1x128xi32, #tpu.memory_space<vmem>> -> memref<128xi32, #tpu.memory_space<vmem>>
        %dma_start3A_108 = arith.constant 0 : i32
        %dma_start3A_109 = arith.constant 0 : i32
        %dma_start3A_110 = tpu.memref_slice %arg4[%dma_start3A_108, %dma_start3A_109] : memref<10240x128xf32, #tpu.memory_space<hbm>> -> memref<10240x128xf32, #tpu.memory_space<hbm>>
        tpu.enqueue_indirect_dma source(%dma_start3A_110 : memref<10240x128xf32, #tpu.memory_space<hbm>>) target(%arg8 : memref<128x128xf32, #tpu.memory_space<vmem>>) offsets(%dma_start3A_107 : memref<128xi32, #tpu.memory_space<vmem>>) semaphore(%arg11 : memref<!tpu.dma_semaphore, #tpu.memory_space<semaphore_mem>>)
        %add3A_111 = arith.constant 1 : i32
        %add3A_112 = arith.addi %mul3A_82, %add3A_111 : i32
        "tpu.region"() ({
          %run_scoped3A = tpu.sem_alloc : memref<!tpu.dma_semaphore, #tpu.memory_space<semaphore_mem>>
          %dma_start3A_119 = arith.constant 0 : i32
          %dma_start3A_120 = tpu.memref_slice %arg7[%add3A_112, %dma_start3A_119] : memref<40x128xi32, #tpu.memory_space<vmem>> -> memref<1x128xi32, #tpu.memory_space<vmem>>
          %dma_start3A_121 = tpu.memref_squeeze %dma_start3A_120 : memref<1x128xi32, #tpu.memory_space<vmem>> -> memref<128xi32, #tpu.memory_space<vmem>>
          %dma_start3A_122 = arith.constant 0 : i32
          %dma_start3A_123 = arith.constant 0 : i32
          %dma_start3A_124 = tpu.memref_slice %arg10[%dma_start3A_122, %dma_start3A_123] : memref<10240x128xf32, #tpu.memory_space<vmem_shared>> -> memref<10240x128xf32, #tpu.memory_space<vmem_shared>>
          tpu.enqueue_indirect_dma source(%arg9 : memref<128x128xf32, #tpu.memory_space<vmem>>) target(%dma_start3A_124 : memref<10240x128xf32, #tpu.memory_space<vmem_shared>>) offsets(%dma_start3A_121 : memref<128xi32, #tpu.memory_space<vmem>>) semaphore(%run_scoped3A : memref<!tpu.dma_semaphore, #tpu.memory_space<semaphore_mem>>) {add = true}
          %dma_wait3A_125 = arith.constant 0 : i32
          %dma_wait3A_126 = tpu.memref_slice %arg7[%add3A_112, %dma_wait3A_125] : memref<40x128xi32, #tpu.memory_space<vmem>> -> memref<1x128xi32, #tpu.memory_space<vmem>>
          %dma_wait3A_127 = tpu.memref_squeeze %dma_wait3A_126 : memref<1x128xi32, #tpu.memory_space<vmem>> -> memref<128xi32, #tpu.memory_space<vmem>>
          %dma_wait3A_128 = arith.constant 0 : i32
          %dma_wait3A_129 = arith.constant 0 : i32
          %dma_wait3A_130 = tpu.memref_slice %arg10[%dma_wait3A_128, %dma_wait3A_129] : memref<10240x128xf32, #tpu.memory_space<vmem_shared>> -> memref<10240x128xf32, #tpu.memory_space<vmem_shared>>
          tpu.wait_indirect_dma semaphore(%run_scoped3A : memref<!tpu.dma_semaphore, #tpu.memory_space<semaphore_mem>>) src(%arg9 : memref<128x128xf32, #tpu.memory_space<vmem>>) dst(%dma_wait3A_130 : memref<10240x128xf32, #tpu.memory_space<vmem_shared>>)
          tpu.yield
        }) : () -> ()
        %dma_wait3A_113 = arith.constant 0 : i32
        %dma_wait3A_114 = tpu.memref_slice %arg6[%add3A_104, %dma_wait3A_113] : memref<40x128xi32, #tpu.memory_space<vmem>> -> memref<1x128xi32, #tpu.memory_space<vmem>>
        %dma_wait3A_115 = tpu.memref_squeeze %dma_wait3A_114 : memref<1x128xi32, #tpu.memory_space<vmem>> -> memref<128xi32, #tpu.memory_space<vmem>>
        %dma_wait3A_116 = arith.constant 0 : i32
        %dma_wait3A_117 = arith.constant 0 : i32
        %dma_wait3A_118 = tpu.memref_slice %arg4[%dma_wait3A_116, %dma_wait3A_117] : memref<10240x128xf32, #tpu.memory_space<hbm>> -> memref<10240x128xf32, #tpu.memory_space<hbm>>
        tpu.wait_indirect_dma semaphore(%arg11 : memref<!tpu.dma_semaphore, #tpu.memory_space<semaphore_mem>>) src(%dma_wait3A_118 : memref<10240x128xf32, #tpu.memory_space<hbm>>) dst(%arg8 : memref<128x128xf32, #tpu.memory_space<vmem>>)
      } else {
      }
      %eq3A = arith.constant 19 : i32
      %eq3A_99 = arith.cmpi eq, %scan3A_80, %eq3A : i32
      %convert_element_type3A_100 = arith.extui %eq3A_99 : i1 to i32
      %cond3A_101 = arith.constant 0 : i32
      %cond3A_102 = arith.cmpi ne, %convert_element_type3A_100, %cond3A_101 : i32
      scf.if %cond3A_102 {
        %add3A_103 = arith.constant 1 : i32
        %add3A_104 = arith.addi %mul3A_82, %add3A_103 : i32
        "tpu.region"() ({
          %run_scoped3A = tpu.sem_alloc : memref<!tpu.dma_semaphore, #tpu.memory_space<semaphore_mem>>
          %dma_start3A_105 = arith.constant 0 : i32
          %dma_start3A_106 = tpu.memref_slice %arg7[%add3A_104, %dma_start3A_105] : memref<40x128xi32, #tpu.memory_space<vmem>> -> memref<1x128xi32, #tpu.memory_space<vmem>>
          %dma_start3A_107 = tpu.memref_squeeze %dma_start3A_106 : memref<1x128xi32, #tpu.memory_space<vmem>> -> memref<128xi32, #tpu.memory_space<vmem>>
          %dma_start3A_108 = arith.constant 0 : i32
          %dma_start3A_109 = arith.constant 0 : i32
          %dma_start3A_110 = tpu.memref_slice %arg10[%dma_start3A_108, %dma_start3A_109] : memref<10240x128xf32, #tpu.memory_space<vmem_shared>> -> memref<10240x128xf32, #tpu.memory_space<vmem_shared>>
          tpu.enqueue_indirect_dma source(%arg9 : memref<128x128xf32, #tpu.memory_space<vmem>>) target(%dma_start3A_110 : memref<10240x128xf32, #tpu.memory_space<vmem_shared>>) offsets(%dma_start3A_107 : memref<128xi32, #tpu.memory_space<vmem>>) semaphore(%run_scoped3A : memref<!tpu.dma_semaphore, #tpu.memory_space<semaphore_mem>>) {add = true}
          %dma_wait3A_111 = arith.constant 0 : i32
          %dma_wait3A_112 = tpu.memref_slice %arg7[%add3A_104, %dma_wait3A_111] : memref<40x128xi32, #tpu.memory_space<vmem>> -> memref<1x128xi32, #tpu.memory_space<vmem>>
          %dma_wait3A_113 = tpu.memref_squeeze %dma_wait3A_112 : memref<1x128xi32, #tpu.memory_space<vmem>> -> memref<128xi32, #tpu.memory_space<vmem>>
          %dma_wait3A_114 = arith.constant 0 : i32
          %dma_wait3A_115 = arith.constant 0 : i32
          %dma_wait3A_116 = tpu.memref_slice %arg10[%dma_wait3A_114, %dma_wait3A_115] : memref<10240x128xf32, #tpu.memory_space<vmem_shared>> -> memref<10240x128xf32, #tpu.memory_space<vmem_shared>>
          tpu.wait_indirect_dma semaphore(%run_scoped3A : memref<!tpu.dma_semaphore, #tpu.memory_space<semaphore_mem>>) src(%arg9 : memref<128x128xf32, #tpu.memory_space<vmem>>) dst(%dma_wait3A_116 : memref<10240x128xf32, #tpu.memory_space<vmem_shared>>)
          tpu.yield
        }) : () -> ()
      } else {
      }
    }
    %scan3A_50 = arith.constant 20 : i32
    %add3A_51 = arith.constant 40 : i32
    %add3A_52 = arith.addi %mul3A_2, %add3A_51 : i32
    "tpu.region"() ({
      %run_scoped3A = tpu.sem_alloc : memref<!tpu.dma_semaphore, #tpu.memory_space<semaphore_mem>>
      %dma_start3A_80 = arith.constant 0 : i32
      %dma_start3A_81 = tpu.memref_slice %arg2[%add3A_52, %dma_start3A_80] : memref<2560x128xi32, #tpu.memory_space<hbm>> -> memref<40x128xi32, #tpu.memory_space<hbm>>
      %dma_start3A_82 = arith.constant 0 : i32
      %dma_start3A_83 = tpu.memref_slice %arg2[%add3A_52, %dma_start3A_82] : memref<2560x128xi32, #tpu.memory_space<hbm>> -> memref<40x128xi32, #tpu.memory_space<hbm>>
      tpu.enqueue_dma source(%dma_start3A_83 : memref<40x128xi32, #tpu.memory_space<hbm>>) target(%arg6 : memref<40x128xi32, #tpu.memory_space<vmem>>) target_semaphore(%run_scoped3A : memref<!tpu.dma_semaphore, #tpu.memory_space<semaphore_mem>>)
      %dma_wait3A_84 = arith.constant 0 : i32
      %dma_wait3A_85 = tpu.memref_slice %arg2[%add3A_52, %dma_wait3A_84] : memref<2560x128xi32, #tpu.memory_space<hbm>> -> memref<40x128xi32, #tpu.memory_space<hbm>>
      %dma_wait3A_86 = arith.constant 0 : i32
      %dma_wait3A_87 = tpu.memref_slice %arg2[%add3A_52, %dma_wait3A_86] : memref<2560x128xi32, #tpu.memory_space<hbm>> -> memref<40x128xi32, #tpu.memory_space<hbm>>
      tpu.wait_dma2 semaphore(%run_scoped3A : memref<!tpu.dma_semaphore, #tpu.memory_space<semaphore_mem>>) src(%dma_wait3A_87 : memref<40x128xi32, #tpu.memory_space<hbm>>) dst(%arg6 : memref<40x128xi32, #tpu.memory_space<vmem>>)
      tpu.yield
    }) : () -> ()
    %add3A_53 = arith.constant 40 : i32
    %add3A_54 = arith.addi %mul3A_2, %add3A_53 : i32
    "tpu.region"() ({
      %run_scoped3A = tpu.sem_alloc : memref<!tpu.dma_semaphore, #tpu.memory_space<semaphore_mem>>
      %dma_start3A_80 = arith.constant 0 : i32
      %dma_start3A_81 = tpu.memref_slice %arg3[%add3A_54, %dma_start3A_80] : memref<2560x128xi32, #tpu.memory_space<hbm>> -> memref<40x128xi32, #tpu.memory_space<hbm>>
      %dma_start3A_82 = arith.constant 0 : i32
      %dma_start3A_83 = tpu.memref_slice %arg3[%add3A_54, %dma_start3A_82] : memref<2560x128xi32, #tpu.memory_space<hbm>> -> memref<40x128xi32, #tpu.memory_space<hbm>>
      tpu.enqueue_dma source(%dma_start3A_83 : memref<40x128xi32, #tpu.memory_space<hbm>>) target(%arg7 : memref<40x128xi32, #tpu.memory_space<vmem>>) target_semaphore(%run_scoped3A : memref<!tpu.dma_semaphore, #tpu.memory_space<semaphore_mem>>)
      %dma_wait3A_84 = arith.constant 0 : i32
      %dma_wait3A_85 = tpu.memref_slice %arg3[%add3A_54, %dma_wait3A_84] : memref<2560x128xi32, #tpu.memory_space<hbm>> -> memref<40x128xi32, #tpu.memory_space<hbm>>
      %dma_wait3A_86 = arith.constant 0 : i32
      %dma_wait3A_87 = tpu.memref_slice %arg3[%add3A_54, %dma_wait3A_86] : memref<2560x128xi32, #tpu.memory_space<hbm>> -> memref<40x128xi32, #tpu.memory_space<hbm>>
      tpu.wait_dma2 semaphore(%run_scoped3A : memref<!tpu.dma_semaphore, #tpu.memory_space<semaphore_mem>>) src(%dma_wait3A_87 : memref<40x128xi32, #tpu.memory_space<hbm>>) dst(%arg7 : memref<40x128xi32, #tpu.memory_space<vmem>>)
      tpu.yield
    }) : () -> ()
    %dma_start3A_55 = arith.constant 0 : i32
    %dma_start3A_56 = arith.constant 0 : i32
    %dma_start3A_57 = tpu.memref_slice %arg6[%dma_start3A_55, %dma_start3A_56] : memref<40x128xi32, #tpu.memory_space<vmem>> -> memref<1x128xi32, #tpu.memory_space<vmem>>
    %dma_start3A_58 = tpu.memref_squeeze %dma_start3A_57 : memref<1x128xi32, #tpu.memory_space<vmem>> -> memref<128xi32, #tpu.memory_space<vmem>>
    %dma_start3A_59 = arith.constant 0 : i32
    %dma_start3A_60 = arith.constant 0 : i32
    %dma_start3A_61 = tpu.memref_slice %arg4[%dma_start3A_59, %dma_start3A_60] : memref<10240x128xf32, #tpu.memory_space<hbm>> -> memref<10240x128xf32, #tpu.memory_space<hbm>>
    tpu.enqueue_indirect_dma source(%dma_start3A_61 : memref<10240x128xf32, #tpu.memory_space<hbm>>) target(%arg8 : memref<128x128xf32, #tpu.memory_space<vmem>>) offsets(%dma_start3A_58 : memref<128xi32, #tpu.memory_space<vmem>>) semaphore(%arg11 : memref<!tpu.dma_semaphore, #tpu.memory_space<semaphore_mem>>)
    %dma_wait3A_62 = arith.constant 0 : i32
    %dma_wait3A_63 = arith.constant 0 : i32
    %dma_wait3A_64 = tpu.memref_slice %arg6[%dma_wait3A_62, %dma_wait3A_63] : memref<40x128xi32, #tpu.memory_space<vmem>> -> memref<1x128xi32, #tpu.memory_space<vmem>>
    %dma_wait3A_65 = tpu.memref_squeeze %dma_wait3A_64 : memref<1x128xi32, #tpu.memory_space<vmem>> -> memref<128xi32, #tpu.memory_space<vmem>>
    %dma_wait3A_66 = arith.constant 0 : i32
    %dma_wait3A_67 = arith.constant 0 : i32
    %dma_wait3A_68 = tpu.memref_slice %arg4[%dma_wait3A_66, %dma_wait3A_67] : memref<10240x128xf32, #tpu.memory_space<hbm>> -> memref<10240x128xf32, #tpu.memory_space<hbm>>
    tpu.wait_indirect_dma semaphore(%arg11 : memref<!tpu.dma_semaphore, #tpu.memory_space<semaphore_mem>>) src(%dma_wait3A_68 : memref<10240x128xf32, #tpu.memory_space<hbm>>) dst(%arg8 : memref<128x128xf32, #tpu.memory_space<vmem>>)
    %scan3A_69 = arith.constant 0 : i32
    %scan3A_70 = arith.constant 0 : i32
    %scan3A_71 = arith.constant 20 : i32
    %scan3A_72 = arith.addi %scan3A_70, %scan3A_71 : i32
    %scan3A_73 = arith.constant 1 : i32
    scf.for %scan3A_80 = %scan3A_70 to %scan3A_72 step %scan3A_73  : i32 {
      %mul3A_81 = arith.constant 2 : i32
      %mul3A_82 = arith.muli %mul3A_81, %scan3A_80 : i32
      %add3A_83 = arith.constant 1 : i32
      %add3A_84 = arith.addi %mul3A_82, %add3A_83 : i32
      %dma_start3A_85 = arith.constant 0 : i32
      %dma_start3A_86 = tpu.memref_slice %arg6[%add3A_84, %dma_start3A_85] : memref<40x128xi32, #tpu.memory_space<vmem>> -> memref<1x128xi32, #tpu.memory_space<vmem>>
      %dma_start3A_87 = tpu.memref_squeeze %dma_start3A_86 : memref<1x128xi32, #tpu.memory_space<vmem>> -> memref<128xi32, #tpu.memory_space<vmem>>
      %dma_start3A_88 = arith.constant 0 : i32
      %dma_start3A_89 = arith.constant 0 : i32
      %dma_start3A_90 = tpu.memref_slice %arg4[%dma_start3A_88, %dma_start3A_89] : memref<10240x128xf32, #tpu.memory_space<hbm>> -> memref<10240x128xf32, #tpu.memory_space<hbm>>
      tpu.enqueue_indirect_dma source(%dma_start3A_90 : memref<10240x128xf32, #tpu.memory_space<hbm>>) target(%arg9 : memref<128x128xf32, #tpu.memory_space<vmem>>) offsets(%dma_start3A_87 : memref<128xi32, #tpu.memory_space<vmem>>) semaphore(%arg12 : memref<!tpu.dma_semaphore, #tpu.memory_space<semaphore_mem>>)
      "tpu.region"() ({
        %run_scoped3A = tpu.sem_alloc : memref<!tpu.dma_semaphore, #tpu.memory_space<semaphore_mem>>
        %dma_start3A_103 = arith.constant 0 : i32
        %dma_start3A_104 = tpu.memref_slice %arg7[%mul3A_82, %dma_start3A_103] : memref<40x128xi32, #tpu.memory_space<vmem>> -> memref<1x128xi32, #tpu.memory_space<vmem>>
        %dma_start3A_105 = tpu.memref_squeeze %dma_start3A_104 : memref<1x128xi32, #tpu.memory_space<vmem>> -> memref<128xi32, #tpu.memory_space<vmem>>
        %dma_start3A_106 = arith.constant 0 : i32
        %dma_start3A_107 = arith.constant 0 : i32
        %dma_start3A_108 = tpu.memref_slice %arg10[%dma_start3A_106, %dma_start3A_107] : memref<10240x128xf32, #tpu.memory_space<vmem_shared>> -> memref<10240x128xf32, #tpu.memory_space<vmem_shared>>
        tpu.enqueue_indirect_dma source(%arg8 : memref<128x128xf32, #tpu.memory_space<vmem>>) target(%dma_start3A_108 : memref<10240x128xf32, #tpu.memory_space<vmem_shared>>) offsets(%dma_start3A_105 : memref<128xi32, #tpu.memory_space<vmem>>) semaphore(%run_scoped3A : memref<!tpu.dma_semaphore, #tpu.memory_space<semaphore_mem>>) {add = true}
        %dma_wait3A_109 = arith.constant 0 : i32
        %dma_wait3A_110 = tpu.memref_slice %arg7[%mul3A_82, %dma_wait3A_109] : memref<40x128xi32, #tpu.memory_space<vmem>> -> memref<1x128xi32, #tpu.memory_space<vmem>>
        %dma_wait3A_111 = tpu.memref_squeeze %dma_wait3A_110 : memref<1x128xi32, #tpu.memory_space<vmem>> -> memref<128xi32, #tpu.memory_space<vmem>>
        %dma_wait3A_112 = arith.constant 0 : i32
        %dma_wait3A_113 = arith.constant 0 : i32
        %dma_wait3A_114 = tpu.memref_slice %arg10[%dma_wait3A_112, %dma_wait3A_113] : memref<10240x128xf32, #tpu.memory_space<vmem_shared>> -> memref<10240x128xf32, #tpu.memory_space<vmem_shared>>
        tpu.wait_indirect_dma semaphore(%run_scoped3A : memref<!tpu.dma_semaphore, #tpu.memory_space<semaphore_mem>>) src(%arg8 : memref<128x128xf32, #tpu.memory_space<vmem>>) dst(%dma_wait3A_114 : memref<10240x128xf32, #tpu.memory_space<vmem_shared>>)
        tpu.yield
      }) : () -> ()
      %dma_wait3A_91 = arith.constant 0 : i32
      %dma_wait3A_92 = tpu.memref_slice %arg6[%add3A_84, %dma_wait3A_91] : memref<40x128xi32, #tpu.memory_space<vmem>> -> memref<1x128xi32, #tpu.memory_space<vmem>>
      %dma_wait3A_93 = tpu.memref_squeeze %dma_wait3A_92 : memref<1x128xi32, #tpu.memory_space<vmem>> -> memref<128xi32, #tpu.memory_space<vmem>>
      %dma_wait3A_94 = arith.constant 0 : i32
      %dma_wait3A_95 = arith.constant 0 : i32
      %dma_wait3A_96 = tpu.memref_slice %arg4[%dma_wait3A_94, %dma_wait3A_95] : memref<10240x128xf32, #tpu.memory_space<hbm>> -> memref<10240x128xf32, #tpu.memory_space<hbm>>
      tpu.wait_indirect_dma semaphore(%arg12 : memref<!tpu.dma_semaphore, #tpu.memory_space<semaphore_mem>>) src(%dma_wait3A_96 : memref<10240x128xf32, #tpu.memory_space<hbm>>) dst(%arg9 : memref<128x128xf32, #tpu.memory_space<vmem>>)
      %lt3A = arith.constant 19 : i32
      %lt3A_97 = arith.cmpi slt, %scan3A_80, %lt3A : i32
      %convert_element_type3A = arith.extui %lt3A_97 : i1 to i32
      %cond3A = arith.constant 0 : i32
      %cond3A_98 = arith.cmpi ne, %convert_element_type3A, %cond3A : i32
      scf.if %cond3A_98 {
        %add3A_103 = arith.constant 2 : i32
        %add3A_104 = arith.addi %mul3A_82, %add3A_103 : i32
        %dma_start3A_105 = arith.constant 0 : i32
        %dma_start3A_106 = tpu.memref_slice %arg6[%add3A_104, %dma_start3A_105] : memref<40x128xi32, #tpu.memory_space<vmem>> -> memref<1x128xi32, #tpu.memory_space<vmem>>
        %dma_start3A_107 = tpu.memref_squeeze %dma_start3A_106 : memref<1x128xi32, #tpu.memory_space<vmem>> -> memref<128xi32, #tpu.memory_space<vmem>>
        %dma_start3A_108 = arith.constant 0 : i32
        %dma_start3A_109 = arith.constant 0 : i32
        %dma_start3A_110 = tpu.memref_slice %arg4[%dma_start3A_108, %dma_start3A_109] : memref<10240x128xf32, #tpu.memory_space<hbm>> -> memref<10240x128xf32, #tpu.memory_space<hbm>>
        tpu.enqueue_indirect_dma source(%dma_start3A_110 : memref<10240x128xf32, #tpu.memory_space<hbm>>) target(%arg8 : memref<128x128xf32, #tpu.memory_space<vmem>>) offsets(%dma_start3A_107 : memref<128xi32, #tpu.memory_space<vmem>>) semaphore(%arg11 : memref<!tpu.dma_semaphore, #tpu.memory_space<semaphore_mem>>)
        %add3A_111 = arith.constant 1 : i32
        %add3A_112 = arith.addi %mul3A_82, %add3A_111 : i32
        "tpu.region"() ({
          %run_scoped3A = tpu.sem_alloc : memref<!tpu.dma_semaphore, #tpu.memory_space<semaphore_mem>>
          %dma_start3A_119 = arith.constant 0 : i32
          %dma_start3A_120 = tpu.memref_slice %arg7[%add3A_112, %dma_start3A_119] : memref<40x128xi32, #tpu.memory_space<vmem>> -> memref<1x128xi32, #tpu.memory_space<vmem>>
          %dma_start3A_121 = tpu.memref_squeeze %dma_start3A_120 : memref<1x128xi32, #tpu.memory_space<vmem>> -> memref<128xi32, #tpu.memory_space<vmem>>
          %dma_start3A_122 = arith.constant 0 : i32
          %dma_start3A_123 = arith.constant 0 : i32
          %dma_start3A_124 = tpu.memref_slice %arg10[%dma_start3A_122, %dma_start3A_123] : memref<10240x128xf32, #tpu.memory_space<vmem_shared>> -> memref<10240x128xf32, #tpu.memory_space<vmem_shared>>
          tpu.enqueue_indirect_dma source(%arg9 : memref<128x128xf32, #tpu.memory_space<vmem>>) target(%dma_start3A_124 : memref<10240x128xf32, #tpu.memory_space<vmem_shared>>) offsets(%dma_start3A_121 : memref<128xi32, #tpu.memory_space<vmem>>) semaphore(%run_scoped3A : memref<!tpu.dma_semaphore, #tpu.memory_space<semaphore_mem>>) {add = true}
          %dma_wait3A_125 = arith.constant 0 : i32
          %dma_wait3A_126 = tpu.memref_slice %arg7[%add3A_112, %dma_wait3A_125] : memref<40x128xi32, #tpu.memory_space<vmem>> -> memref<1x128xi32, #tpu.memory_space<vmem>>
          %dma_wait3A_127 = tpu.memref_squeeze %dma_wait3A_126 : memref<1x128xi32, #tpu.memory_space<vmem>> -> memref<128xi32, #tpu.memory_space<vmem>>
          %dma_wait3A_128 = arith.constant 0 : i32
          %dma_wait3A_129 = arith.constant 0 : i32
          %dma_wait3A_130 = tpu.memref_slice %arg10[%dma_wait3A_128, %dma_wait3A_129] : memref<10240x128xf32, #tpu.memory_space<vmem_shared>> -> memref<10240x128xf32, #tpu.memory_space<vmem_shared>>
          tpu.wait_indirect_dma semaphore(%run_scoped3A : memref<!tpu.dma_semaphore, #tpu.memory_space<semaphore_mem>>) src(%arg9 : memref<128x128xf32, #tpu.memory_space<vmem>>) dst(%dma_wait3A_130 : memref<10240x128xf32, #tpu.memory_space<vmem_shared>>)
          tpu.yield
        }) : () -> ()
        %dma_wait3A_113 = arith.constant 0 : i32
        %dma_wait3A_114 = tpu.memref_slice %arg6[%add3A_104, %dma_wait3A_113] : memref<40x128xi32, #tpu.memory_space<vmem>> -> memref<1x128xi32, #tpu.memory_space<vmem>>
        %dma_wait3A_115 = tpu.memref_squeeze %dma_wait3A_114 : memref<1x128xi32, #tpu.memory_space<vmem>> -> memref<128xi32, #tpu.memory_space<vmem>>
        %dma_wait3A_116 = arith.constant 0 : i32
        %dma_wait3A_117 = arith.constant 0 : i32
        %dma_wait3A_118 = tpu.memref_slice %arg4[%dma_wait3A_116, %dma_wait3A_117] : memref<10240x128xf32, #tpu.memory_space<hbm>> -> memref<10240x128xf32, #tpu.memory_space<hbm>>
        tpu.wait_indirect_dma semaphore(%arg11 : memref<!tpu.dma_semaphore, #tpu.memory_space<semaphore_mem>>) src(%dma_wait3A_118 : memref<10240x128xf32, #tpu.memory_space<hbm>>) dst(%arg8 : memref<128x128xf32, #tpu.memory_space<vmem>>)
      } else {
      }
      %eq3A = arith.constant 19 : i32
      %eq3A_99 = arith.cmpi eq, %scan3A_80, %eq3A : i32
      %convert_element_type3A_100 = arith.extui %eq3A_99 : i1 to i32
      %cond3A_101 = arith.constant 0 : i32
      %cond3A_102 = arith.cmpi ne, %convert_element_type3A_100, %cond3A_101 : i32
      scf.if %cond3A_102 {
        %add3A_103 = arith.constant 1 : i32
        %add3A_104 = arith.addi %mul3A_82, %add3A_103 : i32
        "tpu.region"() ({
          %run_scoped3A = tpu.sem_alloc : memref<!tpu.dma_semaphore, #tpu.memory_space<semaphore_mem>>
          %dma_start3A_105 = arith.constant 0 : i32
          %dma_start3A_106 = tpu.memref_slice %arg7[%add3A_104, %dma_start3A_105] : memref<40x128xi32, #tpu.memory_space<vmem>> -> memref<1x128xi32, #tpu.memory_space<vmem>>
          %dma_start3A_107 = tpu.memref_squeeze %dma_start3A_106 : memref<1x128xi32, #tpu.memory_space<vmem>> -> memref<128xi32, #tpu.memory_space<vmem>>
          %dma_start3A_108 = arith.constant 0 : i32
          %dma_start3A_109 = arith.constant 0 : i32
          %dma_start3A_110 = tpu.memref_slice %arg10[%dma_start3A_108, %dma_start3A_109] : memref<10240x128xf32, #tpu.memory_space<vmem_shared>> -> memref<10240x128xf32, #tpu.memory_space<vmem_shared>>
          tpu.enqueue_indirect_dma source(%arg9 : memref<128x128xf32, #tpu.memory_space<vmem>>) target(%dma_start3A_110 : memref<10240x128xf32, #tpu.memory_space<vmem_shared>>) offsets(%dma_start3A_107 : memref<128xi32, #tpu.memory_space<vmem>>) semaphore(%run_scoped3A : memref<!tpu.dma_semaphore, #tpu.memory_space<semaphore_mem>>) {add = true}
          %dma_wait3A_111 = arith.constant 0 : i32
          %dma_wait3A_112 = tpu.memref_slice %arg7[%add3A_104, %dma_wait3A_111] : memref<40x128xi32, #tpu.memory_space<vmem>> -> memref<1x128xi32, #tpu.memory_space<vmem>>
          %dma_wait3A_113 = tpu.memref_squeeze %dma_wait3A_112 : memref<1x128xi32, #tpu.memory_space<vmem>> -> memref<128xi32, #tpu.memory_space<vmem>>
          %dma_wait3A_114 = arith.constant 0 : i32
          %dma_wait3A_115 = arith.constant 0 : i32
          %dma_wait3A_116 = tpu.memref_slice %arg10[%dma_wait3A_114, %dma_wait3A_115] : memref<10240x128xf32, #tpu.memory_space<vmem_shared>> -> memref<10240x128xf32, #tpu.memory_space<vmem_shared>>
          tpu.wait_indirect_dma semaphore(%run_scoped3A : memref<!tpu.dma_semaphore, #tpu.memory_space<semaphore_mem>>) src(%arg9 : memref<128x128xf32, #tpu.memory_space<vmem>>) dst(%dma_wait3A_116 : memref<10240x128xf32, #tpu.memory_space<vmem_shared>>)
          tpu.yield
        }) : () -> ()
      } else {
      }
    }
    %scan3A_74 = arith.constant 20 : i32
    %barrier3A_75 = arith.constant 0 : index
    tpu.barrier barrier_id(%barrier3A_75)
    %mul3A_76 = arith.constant 640 : i32
    %mul3A_77 = arith.muli %arg1, %mul3A_76 : i32
    %mul3A_78 = arith.constant 640 : i32
    %mul3A_79 = arith.muli %arg1, %mul3A_78 : i32
    "tpu.region"() ({
      %run_scoped3A = tpu.sem_alloc : memref<!tpu.dma_semaphore, #tpu.memory_space<semaphore_mem>>
      %dma_start3A_80 = arith.constant 0 : i32
      %dma_start3A_81 = tpu.memref_slice %arg5[%arg0, %mul3A_79, %dma_start3A_80] : memref<2x10240x128xf32, #tpu.memory_space<hbm>> -> memref<1x640x128xf32, #tpu.memory_space<hbm>>
      %dma_start3A_82 = tpu.memref_squeeze %dma_start3A_81 : memref<1x640x128xf32, #tpu.memory_space<hbm>> -> memref<640x128xf32, #tpu.memory_space<hbm>>
      %dma_start3A_83 = arith.constant 0 : i32
      %dma_start3A_84 = tpu.memref_slice %arg10[%mul3A_77, %dma_start3A_83] : memref<10240x128xf32, #tpu.memory_space<vmem_shared>> -> memref<640x128xf32, #tpu.memory_space<vmem_shared>>
      tpu.enqueue_dma source(%dma_start3A_84 : memref<640x128xf32, #tpu.memory_space<vmem_shared>>) target(%dma_start3A_82 : memref<640x128xf32, #tpu.memory_space<hbm>>) target_semaphore(%run_scoped3A : memref<!tpu.dma_semaphore, #tpu.memory_space<semaphore_mem>>)
      %dma_wait3A_85 = arith.constant 0 : i32
      %dma_wait3A_86 = tpu.memref_slice %arg5[%arg0, %mul3A_79, %dma_wait3A_85] : memref<2x10240x128xf32, #tpu.memory_space<hbm>> -> memref<1x640x128xf32, #tpu.memory_space<hbm>>
      %dma_wait3A_87 = tpu.memref_squeeze %dma_wait3A_86 : memref<1x640x128xf32, #tpu.memory_space<hbm>> -> memref<640x128xf32, #tpu.memory_space<hbm>>
      %dma_wait3A_88 = arith.constant 0 : i32
      %dma_wait3A_89 = tpu.memref_slice %arg10[%mul3A_77, %dma_wait3A_88] : memref<10240x128xf32, #tpu.memory_space<vmem_shared>> -> memref<640x128xf32, #tpu.memory_space<vmem_shared>>
      tpu.wait_dma2 semaphore(%run_scoped3A : memref<!tpu.dma_semaphore, #tpu.memory_space<semaphore_mem>>) src(%dma_wait3A_89 : memref<640x128xf32, #tpu.memory_space<vmem_shared>>) dst(%dma_wait3A_87 : memref<640x128xf32, #tpu.memory_space<hbm>>)
      tpu.yield
    }) : () -> ()
    return
  }
}

#map = affine_map<(d0, d1) -> (0, 0)>
#map1 = affine_map<(d0, d1) -> (0, 0, 0)>
module attributes {stable_mosaic.version = 14 : i64} {
  func.func @_sc_degree(%arg0: i32, %arg1: i32, %arg2: memref<2560x128xi32, #tpu.memory_space<hbm>>, %arg3: memref<2x10240x16xf32, #tpu.memory_space<hbm>>, %arg4: memref<80x128xi32, #tpu.memory_space<vmem>>, %arg5: memref<128x16xf32, #tpu.memory_space<vmem>>, %arg6: memref<10240x16xf32, #tpu.memory_space<vmem_shared>>) attributes {dimension_semantics = [#tpu.dimension_semantics<core_parallel>, #tpu.dimension_semantics<subcore_parallel>], iteration_bounds = array<i64: 2, 16>, scalar_prefetch = 0 : i64, scratch_operands = 3 : i64, tpu.core_type = #tpu.core_type<sc_vector_subcore>, window_params = [{transform_indices = #map}, {transform_indices = #map1}]} {
    %mul3A = arith.constant 16 : i32
    %mul3A_0 = arith.muli %arg0, %mul3A : i32
    %add3A = arith.addi %mul3A_0, %arg1 : i32
    %mul3A_1 = arith.constant 80 : i32
    %mul3A_2 = arith.muli %add3A, %mul3A_1 : i32
    "tpu.region"() ({
      %run_scoped3A = tpu.sem_alloc : memref<!tpu.dma_semaphore, #tpu.memory_space<semaphore_mem>>
      %dma_start3A = arith.constant 0 : i32
      %dma_start3A_48 = tpu.memref_slice %arg2[%mul3A_2, %dma_start3A] : memref<2560x128xi32, #tpu.memory_space<hbm>> -> memref<80x128xi32, #tpu.memory_space<hbm>>
      %dma_start3A_49 = arith.constant 0 : i32
      %dma_start3A_50 = tpu.memref_slice %arg2[%mul3A_2, %dma_start3A_49] : memref<2560x128xi32, #tpu.memory_space<hbm>> -> memref<80x128xi32, #tpu.memory_space<hbm>>
      tpu.enqueue_dma source(%dma_start3A_50 : memref<80x128xi32, #tpu.memory_space<hbm>>) target(%arg4 : memref<80x128xi32, #tpu.memory_space<vmem>>) target_semaphore(%run_scoped3A : memref<!tpu.dma_semaphore, #tpu.memory_space<semaphore_mem>>)
      %dma_wait3A = arith.constant 0 : i32
      %dma_wait3A_51 = tpu.memref_slice %arg2[%mul3A_2, %dma_wait3A] : memref<2560x128xi32, #tpu.memory_space<hbm>> -> memref<80x128xi32, #tpu.memory_space<hbm>>
      %dma_wait3A_52 = arith.constant 0 : i32
      %dma_wait3A_53 = tpu.memref_slice %arg2[%mul3A_2, %dma_wait3A_52] : memref<2560x128xi32, #tpu.memory_space<hbm>> -> memref<80x128xi32, #tpu.memory_space<hbm>>
      tpu.wait_dma2 semaphore(%run_scoped3A : memref<!tpu.dma_semaphore, #tpu.memory_space<semaphore_mem>>) src(%dma_wait3A_53 : memref<80x128xi32, #tpu.memory_space<hbm>>) dst(%arg4 : memref<80x128xi32, #tpu.memory_space<vmem>>)
      tpu.yield
    }) : () -> ()
    %broadcast_in_dim3A = arith.constant 0.000000e+00 : f32
    %broadcast_in_dim3A_3 = vector.broadcast %broadcast_in_dim3A : f32 to vector<16xf32>
    %scan3A = arith.constant 0 : i32
    %scan3A_4 = arith.constant 0 : i32
    %scan3A_5 = arith.constant 128 : i32
    %scan3A_6 = arith.addi %scan3A_4, %scan3A_5 : i32
    %scan3A_7 = arith.constant 1 : i32
    scf.for %scan3A_48 = %scan3A_4 to %scan3A_6 step %scan3A_7  : i32 {
      %swap3A = arith.index_cast %scan3A_48 : i32 to index
      %swap3A_49 = arith.constant 0 : index
      %swap3A_50 = tpu.vector_load %arg5[%swap3A, %swap3A_49] {strides = array<i32>} : memref<128x16xf32, #tpu.memory_space<vmem>>, vector<1x16xf32>,
      %swap3A_51 = vector.shape_cast %swap3A_50 : vector<1x16xf32> to vector<16xf32>
      %swap3A_52 = vector.shape_cast %broadcast_in_dim3A_3 : vector<16xf32> to vector<1x16xf32>
      tpu.vector_store %arg5[%swap3A, %swap3A_49], %swap3A_52 {strides = array<i32>} : memref<128x16xf32, #tpu.memory_space<vmem>>, vector<1x16xf32>,
    }
    %scan3A_8 = arith.constant 128 : i32
    %mul3A_9 = arith.constant 640 : i32
    %mul3A_10 = arith.muli %arg1, %mul3A_9 : i32
    %add3A_11 = arith.constant 0 : i32
    %add3A_12 = arith.addi %mul3A_10, %add3A_11 : i32
    "tpu.region"() ({
      %run_scoped3A = tpu.sem_alloc : memref<!tpu.dma_semaphore, #tpu.memory_space<semaphore_mem>>
      %dma_start3A = arith.constant 0 : i32
      %dma_start3A_48 = tpu.memref_slice %arg6[%add3A_12, %dma_start3A] : memref<10240x16xf32, #tpu.memory_space<vmem_shared>> -> memref<128x16xf32, #tpu.memory_space<vmem_shared>>
      %dma_start3A_49 = arith.constant 0 : i32
      %dma_start3A_50 = tpu.memref_slice %arg6[%add3A_12, %dma_start3A_49] : memref<10240x16xf32, #tpu.memory_space<vmem_shared>> -> memref<128x16xf32, #tpu.memory_space<vmem_shared>>
      tpu.enqueue_dma source(%arg5 : memref<128x16xf32, #tpu.memory_space<vmem>>) target(%dma_start3A_50 : memref<128x16xf32, #tpu.memory_space<vmem_shared>>) target_semaphore(%run_scoped3A : memref<!tpu.dma_semaphore, #tpu.memory_space<semaphore_mem>>)
      %dma_wait3A = arith.constant 0 : i32
      %dma_wait3A_51 = tpu.memref_slice %arg6[%add3A_12, %dma_wait3A] : memref<10240x16xf32, #tpu.memory_space<vmem_shared>> -> memref<128x16xf32, #tpu.memory_space<vmem_shared>>
      %dma_wait3A_52 = arith.constant 0 : i32
      %dma_wait3A_53 = tpu.memref_slice %arg6[%add3A_12, %dma_wait3A_52] : memref<10240x16xf32, #tpu.memory_space<vmem_shared>> -> memref<128x16xf32, #tpu.memory_space<vmem_shared>>
      tpu.wait_dma2 semaphore(%run_scoped3A : memref<!tpu.dma_semaphore, #tpu.memory_space<semaphore_mem>>) src(%arg5 : memref<128x16xf32, #tpu.memory_space<vmem>>) dst(%dma_wait3A_53 : memref<128x16xf32, #tpu.memory_space<vmem_shared>>)
      tpu.yield
    }) : () -> ()
    %mul3A_13 = arith.constant 640 : i32
    %mul3A_14 = arith.muli %arg1, %mul3A_13 : i32
    %add3A_15 = arith.constant 128 : i32
    %add3A_16 = arith.addi %mul3A_14, %add3A_15 : i32
    "tpu.region"() ({
      %run_scoped3A = tpu.sem_alloc : memref<!tpu.dma_semaphore, #tpu.memory_space<semaphore_mem>>
      %dma_start3A = arith.constant 0 : i32
      %dma_start3A_48 = tpu.memref_slice %arg6[%add3A_16, %dma_start3A] : memref<10240x16xf32, #tpu.memory_space<vmem_shared>> -> memref<128x16xf32, #tpu.memory_space<vmem_shared>>
      %dma_start3A_49 = arith.constant 0 : i32
      %dma_start3A_50 = tpu.memref_slice %arg6[%add3A_16, %dma_start3A_49] : memref<10240x16xf32, #tpu.memory_space<vmem_shared>> -> memref<128x16xf32, #tpu.memory_space<vmem_shared>>
      tpu.enqueue_dma source(%arg5 : memref<128x16xf32, #tpu.memory_space<vmem>>) target(%dma_start3A_50 : memref<128x16xf32, #tpu.memory_space<vmem_shared>>) target_semaphore(%run_scoped3A : memref<!tpu.dma_semaphore, #tpu.memory_space<semaphore_mem>>)
      %dma_wait3A = arith.constant 0 : i32
      %dma_wait3A_51 = tpu.memref_slice %arg6[%add3A_16, %dma_wait3A] : memref<10240x16xf32, #tpu.memory_space<vmem_shared>> -> memref<128x16xf32, #tpu.memory_space<vmem_shared>>
      %dma_wait3A_52 = arith.constant 0 : i32
      %dma_wait3A_53 = tpu.memref_slice %arg6[%add3A_16, %dma_wait3A_52] : memref<10240x16xf32, #tpu.memory_space<vmem_shared>> -> memref<128x16xf32, #tpu.memory_space<vmem_shared>>
      tpu.wait_dma2 semaphore(%run_scoped3A : memref<!tpu.dma_semaphore, #tpu.memory_space<semaphore_mem>>) src(%arg5 : memref<128x16xf32, #tpu.memory_space<vmem>>) dst(%dma_wait3A_53 : memref<128x16xf32, #tpu.memory_space<vmem_shared>>)
      tpu.yield
    }) : () -> ()
    %mul3A_17 = arith.constant 640 : i32
    %mul3A_18 = arith.muli %arg1, %mul3A_17 : i32
    %add3A_19 = arith.constant 256 : i32
    %add3A_20 = arith.addi %mul3A_18, %add3A_19 : i32
    "tpu.region"() ({
      %run_scoped3A = tpu.sem_alloc : memref<!tpu.dma_semaphore, #tpu.memory_space<semaphore_mem>>
      %dma_start3A = arith.constant 0 : i32
      %dma_start3A_48 = tpu.memref_slice %arg6[%add3A_20, %dma_start3A] : memref<10240x16xf32, #tpu.memory_space<vmem_shared>> -> memref<128x16xf32, #tpu.memory_space<vmem_shared>>
      %dma_start3A_49 = arith.constant 0 : i32
      %dma_start3A_50 = tpu.memref_slice %arg6[%add3A_20, %dma_start3A_49] : memref<10240x16xf32, #tpu.memory_space<vmem_shared>> -> memref<128x16xf32, #tpu.memory_space<vmem_shared>>
      tpu.enqueue_dma source(%arg5 : memref<128x16xf32, #tpu.memory_space<vmem>>) target(%dma_start3A_50 : memref<128x16xf32, #tpu.memory_space<vmem_shared>>) target_semaphore(%run_scoped3A : memref<!tpu.dma_semaphore, #tpu.memory_space<semaphore_mem>>)
      %dma_wait3A = arith.constant 0 : i32
      %dma_wait3A_51 = tpu.memref_slice %arg6[%add3A_20, %dma_wait3A] : memref<10240x16xf32, #tpu.memory_space<vmem_shared>> -> memref<128x16xf32, #tpu.memory_space<vmem_shared>>
      %dma_wait3A_52 = arith.constant 0 : i32
      %dma_wait3A_53 = tpu.memref_slice %arg6[%add3A_20, %dma_wait3A_52] : memref<10240x16xf32, #tpu.memory_space<vmem_shared>> -> memref<128x16xf32, #tpu.memory_space<vmem_shared>>
      tpu.wait_dma2 semaphore(%run_scoped3A : memref<!tpu.dma_semaphore, #tpu.memory_space<semaphore_mem>>) src(%arg5 : memref<128x16xf32, #tpu.memory_space<vmem>>) dst(%dma_wait3A_53 : memref<128x16xf32, #tpu.memory_space<vmem_shared>>)
      tpu.yield
    }) : () -> ()
    %mul3A_21 = arith.constant 640 : i32
    %mul3A_22 = arith.muli %arg1, %mul3A_21 : i32
    %add3A_23 = arith.constant 384 : i32
    %add3A_24 = arith.addi %mul3A_22, %add3A_23 : i32
    "tpu.region"() ({
      %run_scoped3A = tpu.sem_alloc : memref<!tpu.dma_semaphore, #tpu.memory_space<semaphore_mem>>
      %dma_start3A = arith.constant 0 : i32
      %dma_start3A_48 = tpu.memref_slice %arg6[%add3A_24, %dma_start3A] : memref<10240x16xf32, #tpu.memory_space<vmem_shared>> -> memref<128x16xf32, #tpu.memory_space<vmem_shared>>
      %dma_start3A_49 = arith.constant 0 : i32
      %dma_start3A_50 = tpu.memref_slice %arg6[%add3A_24, %dma_start3A_49] : memref<10240x16xf32, #tpu.memory_space<vmem_shared>> -> memref<128x16xf32, #tpu.memory_space<vmem_shared>>
      tpu.enqueue_dma source(%arg5 : memref<128x16xf32, #tpu.memory_space<vmem>>) target(%dma_start3A_50 : memref<128x16xf32, #tpu.memory_space<vmem_shared>>) target_semaphore(%run_scoped3A : memref<!tpu.dma_semaphore, #tpu.memory_space<semaphore_mem>>)
      %dma_wait3A = arith.constant 0 : i32
      %dma_wait3A_51 = tpu.memref_slice %arg6[%add3A_24, %dma_wait3A] : memref<10240x16xf32, #tpu.memory_space<vmem_shared>> -> memref<128x16xf32, #tpu.memory_space<vmem_shared>>
      %dma_wait3A_52 = arith.constant 0 : i32
      %dma_wait3A_53 = tpu.memref_slice %arg6[%add3A_24, %dma_wait3A_52] : memref<10240x16xf32, #tpu.memory_space<vmem_shared>> -> memref<128x16xf32, #tpu.memory_space<vmem_shared>>
      tpu.wait_dma2 semaphore(%run_scoped3A : memref<!tpu.dma_semaphore, #tpu.memory_space<semaphore_mem>>) src(%arg5 : memref<128x16xf32, #tpu.memory_space<vmem>>) dst(%dma_wait3A_53 : memref<128x16xf32, #tpu.memory_space<vmem_shared>>)
      tpu.yield
    }) : () -> ()
    %mul3A_25 = arith.constant 640 : i32
    %mul3A_26 = arith.muli %arg1, %mul3A_25 : i32
    %add3A_27 = arith.constant 512 : i32
    %add3A_28 = arith.addi %mul3A_26, %add3A_27 : i32
    "tpu.region"() ({
      %run_scoped3A = tpu.sem_alloc : memref<!tpu.dma_semaphore, #tpu.memory_space<semaphore_mem>>
      %dma_start3A = arith.constant 0 : i32
      %dma_start3A_48 = tpu.memref_slice %arg6[%add3A_28, %dma_start3A] : memref<10240x16xf32, #tpu.memory_space<vmem_shared>> -> memref<128x16xf32, #tpu.memory_space<vmem_shared>>
      %dma_start3A_49 = arith.constant 0 : i32
      %dma_start3A_50 = tpu.memref_slice %arg6[%add3A_28, %dma_start3A_49] : memref<10240x16xf32, #tpu.memory_space<vmem_shared>> -> memref<128x16xf32, #tpu.memory_space<vmem_shared>>
      tpu.enqueue_dma source(%arg5 : memref<128x16xf32, #tpu.memory_space<vmem>>) target(%dma_start3A_50 : memref<128x16xf32, #tpu.memory_space<vmem_shared>>) target_semaphore(%run_scoped3A : memref<!tpu.dma_semaphore, #tpu.memory_space<semaphore_mem>>)
      %dma_wait3A = arith.constant 0 : i32
      %dma_wait3A_51 = tpu.memref_slice %arg6[%add3A_28, %dma_wait3A] : memref<10240x16xf32, #tpu.memory_space<vmem_shared>> -> memref<128x16xf32, #tpu.memory_space<vmem_shared>>
      %dma_wait3A_52 = arith.constant 0 : i32
      %dma_wait3A_53 = tpu.memref_slice %arg6[%add3A_28, %dma_wait3A_52] : memref<10240x16xf32, #tpu.memory_space<vmem_shared>> -> memref<128x16xf32, #tpu.memory_space<vmem_shared>>
      tpu.wait_dma2 semaphore(%run_scoped3A : memref<!tpu.dma_semaphore, #tpu.memory_space<semaphore_mem>>) src(%arg5 : memref<128x16xf32, #tpu.memory_space<vmem>>) dst(%dma_wait3A_53 : memref<128x16xf32, #tpu.memory_space<vmem_shared>>)
      tpu.yield
    }) : () -> ()
    %broadcast_in_dim3A_29 = arith.constant 1.000000e+00 : f32
    %broadcast_in_dim3A_30 = vector.broadcast %broadcast_in_dim3A_29 : f32 to vector<16xf32>
    %scan3A_31 = arith.constant 0 : i32
    %scan3A_32 = arith.constant 0 : i32
    %scan3A_33 = arith.constant 128 : i32
    %scan3A_34 = arith.addi %scan3A_32, %scan3A_33 : i32
    %scan3A_35 = arith.constant 1 : i32
    scf.for %scan3A_48 = %scan3A_32 to %scan3A_34 step %scan3A_35  : i32 {
      %swap3A = arith.index_cast %scan3A_48 : i32 to index
      %swap3A_49 = arith.constant 0 : index
      %swap3A_50 = tpu.vector_load %arg5[%swap3A, %swap3A_49] {strides = array<i32>} : memref<128x16xf32, #tpu.memory_space<vmem>>, vector<1x16xf32>,
      %swap3A_51 = vector.shape_cast %swap3A_50 : vector<1x16xf32> to vector<16xf32>
      %swap3A_52 = vector.shape_cast %broadcast_in_dim3A_30 : vector<16xf32> to vector<1x16xf32>
      tpu.vector_store %arg5[%swap3A, %swap3A_49], %swap3A_52 {strides = array<i32>} : memref<128x16xf32, #tpu.memory_space<vmem>>, vector<1x16xf32>,
    }
    %scan3A_36 = arith.constant 128 : i32
    %barrier3A = arith.constant 0 : index
    tpu.barrier barrier_id(%barrier3A)
    %scan3A_37 = arith.constant 0 : i32
    %scan3A_38 = arith.constant 0 : i32
    %scan3A_39 = arith.constant 80 : i32
    %scan3A_40 = arith.addi %scan3A_38, %scan3A_39 : i32
    %scan3A_41 = arith.constant 1 : i32
    scf.for %scan3A_48 = %scan3A_38 to %scan3A_40 step %scan3A_41  : i32 {
      "tpu.region"() ({
        %run_scoped3A = tpu.sem_alloc : memref<!tpu.dma_semaphore, #tpu.memory_space<semaphore_mem>>
        %dma_start3A = arith.constant 0 : i32
        %dma_start3A_49 = tpu.memref_slice %arg4[%scan3A_48, %dma_start3A] : memref<80x128xi32, #tpu.memory_space<vmem>> -> memref<1x128xi32, #tpu.memory_space<vmem>>
        %dma_start3A_50 = tpu.memref_squeeze %dma_start3A_49 : memref<1x128xi32, #tpu.memory_space<vmem>> -> memref<128xi32, #tpu.memory_space<vmem>>
        %dma_start3A_51 = arith.constant 0 : i32
        %dma_start3A_52 = arith.constant 0 : i32
        %dma_start3A_53 = tpu.memref_slice %arg6[%dma_start3A_51, %dma_start3A_52] : memref<10240x16xf32, #tpu.memory_space<vmem_shared>> -> memref<10240x16xf32, #tpu.memory_space<vmem_shared>>
        tpu.enqueue_indirect_dma source(%arg5 : memref<128x16xf32, #tpu.memory_space<vmem>>) target(%dma_start3A_53 : memref<10240x16xf32, #tpu.memory_space<vmem_shared>>) offsets(%dma_start3A_50 : memref<128xi32, #tpu.memory_space<vmem>>) semaphore(%run_scoped3A : memref<!tpu.dma_semaphore, #tpu.memory_space<semaphore_mem>>) {add = true}
        %dma_wait3A = arith.constant 0 : i32
        %dma_wait3A_54 = tpu.memref_slice %arg4[%scan3A_48, %dma_wait3A] : memref<80x128xi32, #tpu.memory_space<vmem>> -> memref<1x128xi32, #tpu.memory_space<vmem>>
        %dma_wait3A_55 = tpu.memref_squeeze %dma_wait3A_54 : memref<1x128xi32, #tpu.memory_space<vmem>> -> memref<128xi32, #tpu.memory_space<vmem>>
        %dma_wait3A_56 = arith.constant 0 : i32
        %dma_wait3A_57 = arith.constant 0 : i32
        %dma_wait3A_58 = tpu.memref_slice %arg6[%dma_wait3A_56, %dma_wait3A_57] : memref<10240x16xf32, #tpu.memory_space<vmem_shared>> -> memref<10240x16xf32, #tpu.memory_space<vmem_shared>>
        tpu.wait_indirect_dma semaphore(%run_scoped3A : memref<!tpu.dma_semaphore, #tpu.memory_space<semaphore_mem>>) src(%arg5 : memref<128x16xf32, #tpu.memory_space<vmem>>) dst(%dma_wait3A_58 : memref<10240x16xf32, #tpu.memory_space<vmem_shared>>)
        tpu.yield
      }) : () -> ()
    }
    %scan3A_42 = arith.constant 80 : i32
    %barrier3A_43 = arith.constant 0 : index
    tpu.barrier barrier_id(%barrier3A_43)
    %mul3A_44 = arith.constant 640 : i32
    %mul3A_45 = arith.muli %arg1, %mul3A_44 : i32
    %mul3A_46 = arith.constant 640 : i32
    %mul3A_47 = arith.muli %arg1, %mul3A_46 : i32
    "tpu.region"() ({
      %run_scoped3A = tpu.sem_alloc : memref<!tpu.dma_semaphore, #tpu.memory_space<semaphore_mem>>
      %dma_start3A = arith.constant 0 : i32
      %dma_start3A_48 = tpu.memref_slice %arg3[%arg0, %mul3A_47, %dma_start3A] : memref<2x10240x16xf32, #tpu.memory_space<hbm>> -> memref<1x640x16xf32, #tpu.memory_space<hbm>>
      %dma_start3A_49 = tpu.memref_squeeze %dma_start3A_48 : memref<1x640x16xf32, #tpu.memory_space<hbm>> -> memref<640x16xf32, #tpu.memory_space<hbm>>
      %dma_start3A_50 = arith.constant 0 : i32
      %dma_start3A_51 = tpu.memref_slice %arg6[%mul3A_45, %dma_start3A_50] : memref<10240x16xf32, #tpu.memory_space<vmem_shared>> -> memref<640x16xf32, #tpu.memory_space<vmem_shared>>
      tpu.enqueue_dma source(%dma_start3A_51 : memref<640x16xf32, #tpu.memory_space<vmem_shared>>) target(%dma_start3A_49 : memref<640x16xf32, #tpu.memory_space<hbm>>) target_semaphore(%run_scoped3A : memref<!tpu.dma_semaphore, #tpu.memory_space<semaphore_mem>>)
      %dma_wait3A = arith.constant 0 : i32
      %dma_wait3A_52 = tpu.memref_slice %arg3[%arg0, %mul3A_47, %dma_wait3A] : memref<2x10240x16xf32, #tpu.memory_space<hbm>> -> memref<1x640x16xf32, #tpu.memory_space<hbm>>
      %dma_wait3A_53 = tpu.memref_squeeze %dma_wait3A_52 : memref<1x640x16xf32, #tpu.memory_space<hbm>> -> memref<640x16xf32, #tpu.memory_space<hbm>>
      %dma_wait3A_54 = arith.constant 0 : i32
      %dma_wait3A_55 = tpu.memref_slice %arg6[%mul3A_45, %dma_wait3A_54] : memref<10240x16xf32, #tpu.memory_space<vmem_shared>> -> memref<640x16xf32, #tpu.memory_space<vmem_shared>>
      tpu.wait_dma2 semaphore(%run_scoped3A : memref<!tpu.dma_semaphore, #tpu.memory_space<semaphore_mem>>) src(%dma_wait3A_55 : memref<640x16xf32, #tpu.memory_space<vmem_shared>>) dst(%dma_wait3A_53 : memref<640x16xf32, #tpu.memory_space<hbm>>)
      tpu.yield
    }) : () -> ()
    return
  }
}

#map = affine_map<(d0, d1) -> (0, 0)>
#map1 = affine_map<(d0, d1) -> (0, 0, 0)>
module attributes {stable_mosaic.version = 14 : i64} {
  func.func @_sc_conv(%arg0: i32, %arg1: i32, %arg2: memref<2560x128xi32, #tpu.memory_space<hbm>>, %arg3: memref<2560x128xi32, #tpu.memory_space<hbm>>, %arg4: memref<10240x128xf32, #tpu.memory_space<hbm>>, %arg5: memref<2x10240x128xf32, #tpu.memory_space<hbm>>, %arg6: memref<40x128xi32, #tpu.memory_space<vmem>>, %arg7: memref<40x128xi32, #tpu.memory_space<vmem>>, %arg8: memref<128x128xf32, #tpu.memory_space<vmem>>, %arg9: memref<128x128xf32, #tpu.memory_space<vmem>>, %arg10: memref<10240x128xf32, #tpu.memory_space<vmem_shared>>, %arg11: memref<!tpu.dma_semaphore, #tpu.memory_space<semaphore_mem>>, %arg12: memref<!tpu.dma_semaphore, #tpu.memory_space<semaphore_mem>>) attributes {dimension_semantics = [#tpu.dimension_semantics<core_parallel>, #tpu.dimension_semantics<subcore_parallel>], iteration_bounds = array<i64: 2, 16>, scalar_prefetch = 0 : i64, scratch_operands = 7 : i64, tpu.core_type = #tpu.core_type<sc_vector_subcore>, window_params = [{transform_indices = #map}, {transform_indices = #map}, {transform_indices = #map}, {transform_indices = #map1}]} {
    %mul3A = arith.constant 16 : i32
    %mul3A_0 = arith.muli %arg0, %mul3A : i32
    %add3A = arith.addi %mul3A_0, %arg1 : i32
    %mul3A_1 = arith.constant 80 : i32
    %mul3A_2 = arith.muli %add3A, %mul3A_1 : i32
    %broadcast_in_dim3A = arith.constant 0.000000e+00 : f32
    %broadcast_in_dim3A_3 = vector.broadcast %broadcast_in_dim3A : f32 to vector<16xf32>
    %scan3A = arith.constant 0 : i32
    %scan3A_4 = arith.constant 0 : i32
    %scan3A_5 = arith.constant 128 : i32
    %scan3A_6 = arith.addi %scan3A_4, %scan3A_5 : i32
    %scan3A_7 = arith.constant 1 : i32
    scf.for %scan3A_80 = %scan3A_4 to %scan3A_6 step %scan3A_7  : i32 {
      %swap3A = arith.index_cast %scan3A_80 : i32 to index
      %swap3A_81 = arith.constant 0 : index
      %swap3A_82 = tpu.vector_load %arg8[%swap3A, %swap3A_81] {strides = array<i32>} : memref<128x128xf32, #tpu.memory_space<vmem>>, vector<1x16xf32>,
      %swap3A_83 = vector.shape_cast %swap3A_82 : vector<1x16xf32> to vector<16xf32>
      %swap3A_84 = vector.shape_cast %broadcast_in_dim3A_3 : vector<16xf32> to vector<1x16xf32>
      tpu.vector_store %arg8[%swap3A, %swap3A_81], %swap3A_84 {strides = array<i32>} : memref<128x128xf32, #tpu.memory_space<vmem>>, vector<1x16xf32>,
      %swap3A_85 = arith.index_cast %scan3A_80 : i32 to index
      %swap3A_86 = arith.constant 16 : index
      %swap3A_87 = tpu.vector_load %arg8[%swap3A_85, %swap3A_86] {strides = array<i32>} : memref<128x128xf32, #tpu.memory_space<vmem>>, vector<1x16xf32>,
      %swap3A_88 = vector.shape_cast %swap3A_87 : vector<1x16xf32> to vector<16xf32>
      %swap3A_89 = vector.shape_cast %broadcast_in_dim3A_3 : vector<16xf32> to vector<1x16xf32>
      tpu.vector_store %arg8[%swap3A_85, %swap3A_86], %swap3A_89 {strides = array<i32>} : memref<128x128xf32, #tpu.memory_space<vmem>>, vector<1x16xf32>,
      %swap3A_90 = arith.index_cast %scan3A_80 : i32 to index
      %swap3A_91 = arith.constant 32 : index
      %swap3A_92 = tpu.vector_load %arg8[%swap3A_90, %swap3A_91] {strides = array<i32>} : memref<128x128xf32, #tpu.memory_space<vmem>>, vector<1x16xf32>,
      %swap3A_93 = vector.shape_cast %swap3A_92 : vector<1x16xf32> to vector<16xf32>
      %swap3A_94 = vector.shape_cast %broadcast_in_dim3A_3 : vector<16xf32> to vector<1x16xf32>
      tpu.vector_store %arg8[%swap3A_90, %swap3A_91], %swap3A_94 {strides = array<i32>} : memref<128x128xf32, #tpu.memory_space<vmem>>, vector<1x16xf32>,
      %swap3A_95 = arith.index_cast %scan3A_80 : i32 to index
      %swap3A_96 = arith.constant 48 : index
      %swap3A_97 = tpu.vector_load %arg8[%swap3A_95, %swap3A_96] {strides = array<i32>} : memref<128x128xf32, #tpu.memory_space<vmem>>, vector<1x16xf32>,
      %swap3A_98 = vector.shape_cast %swap3A_97 : vector<1x16xf32> to vector<16xf32>
      %swap3A_99 = vector.shape_cast %broadcast_in_dim3A_3 : vector<16xf32> to vector<1x16xf32>
      tpu.vector_store %arg8[%swap3A_95, %swap3A_96], %swap3A_99 {strides = array<i32>} : memref<128x128xf32, #tpu.memory_space<vmem>>, vector<1x16xf32>,
      %swap3A_100 = arith.index_cast %scan3A_80 : i32 to index
      %swap3A_101 = arith.constant 64 : index
      %swap3A_102 = tpu.vector_load %arg8[%swap3A_100, %swap3A_101] {strides = array<i32>} : memref<128x128xf32, #tpu.memory_space<vmem>>, vector<1x16xf32>,
      %swap3A_103 = vector.shape_cast %swap3A_102 : vector<1x16xf32> to vector<16xf32>
      %swap3A_104 = vector.shape_cast %broadcast_in_dim3A_3 : vector<16xf32> to vector<1x16xf32>
      tpu.vector_store %arg8[%swap3A_100, %swap3A_101], %swap3A_104 {strides = array<i32>} : memref<128x128xf32, #tpu.memory_space<vmem>>, vector<1x16xf32>,
      %swap3A_105 = arith.index_cast %scan3A_80 : i32 to index
      %swap3A_106 = arith.constant 80 : index
      %swap3A_107 = tpu.vector_load %arg8[%swap3A_105, %swap3A_106] {strides = array<i32>} : memref<128x128xf32, #tpu.memory_space<vmem>>, vector<1x16xf32>,
      %swap3A_108 = vector.shape_cast %swap3A_107 : vector<1x16xf32> to vector<16xf32>
      %swap3A_109 = vector.shape_cast %broadcast_in_dim3A_3 : vector<16xf32> to vector<1x16xf32>
      tpu.vector_store %arg8[%swap3A_105, %swap3A_106], %swap3A_109 {strides = array<i32>} : memref<128x128xf32, #tpu.memory_space<vmem>>, vector<1x16xf32>,
      %swap3A_110 = arith.index_cast %scan3A_80 : i32 to index
      %swap3A_111 = arith.constant 96 : index
      %swap3A_112 = tpu.vector_load %arg8[%swap3A_110, %swap3A_111] {strides = array<i32>} : memref<128x128xf32, #tpu.memory_space<vmem>>, vector<1x16xf32>,
      %swap3A_113 = vector.shape_cast %swap3A_112 : vector<1x16xf32> to vector<16xf32>
      %swap3A_114 = vector.shape_cast %broadcast_in_dim3A_3 : vector<16xf32> to vector<1x16xf32>
      tpu.vector_store %arg8[%swap3A_110, %swap3A_111], %swap3A_114 {strides = array<i32>} : memref<128x128xf32, #tpu.memory_space<vmem>>, vector<1x16xf32>,
      %swap3A_115 = arith.index_cast %scan3A_80 : i32 to index
      %swap3A_116 = arith.constant 112 : index
      %swap3A_117 = tpu.vector_load %arg8[%swap3A_115, %swap3A_116] {strides = array<i32>} : memref<128x128xf32, #tpu.memory_space<vmem>>, vector<1x16xf32>,
      %swap3A_118 = vector.shape_cast %swap3A_117 : vector<1x16xf32> to vector<16xf32>
      %swap3A_119 = vector.shape_cast %broadcast_in_dim3A_3 : vector<16xf32> to vector<1x16xf32>
      tpu.vector_store %arg8[%swap3A_115, %swap3A_116], %swap3A_119 {strides = array<i32>} : memref<128x128xf32, #tpu.memory_space<vmem>>, vector<1x16xf32>,
    }
    %scan3A_8 = arith.constant 128 : i32
    %mul3A_9 = arith.constant 640 : i32
    %mul3A_10 = arith.muli %arg1, %mul3A_9 : i32
    %add3A_11 = arith.constant 0 : i32
    %add3A_12 = arith.addi %mul3A_10, %add3A_11 : i32
    "tpu.region"() ({
      %run_scoped3A = tpu.sem_alloc : memref<!tpu.dma_semaphore, #tpu.memory_space<semaphore_mem>>
      %dma_start3A_80 = arith.constant 0 : i32
      %dma_start3A_81 = tpu.memref_slice %arg10[%add3A_12, %dma_start3A_80] : memref<10240x128xf32, #tpu.memory_space<vmem_shared>> -> memref<128x128xf32, #tpu.memory_space<vmem_shared>>
      %dma_start3A_82 = arith.constant 0 : i32
      %dma_start3A_83 = tpu.memref_slice %arg10[%add3A_12, %dma_start3A_82] : memref<10240x128xf32, #tpu.memory_space<vmem_shared>> -> memref<128x128xf32, #tpu.memory_space<vmem_shared>>
      tpu.enqueue_dma source(%arg8 : memref<128x128xf32, #tpu.memory_space<vmem>>) target(%dma_start3A_83 : memref<128x128xf32, #tpu.memory_space<vmem_shared>>) target_semaphore(%run_scoped3A : memref<!tpu.dma_semaphore, #tpu.memory_space<semaphore_mem>>)
      %dma_wait3A_84 = arith.constant 0 : i32
      %dma_wait3A_85 = tpu.memref_slice %arg10[%add3A_12, %dma_wait3A_84] : memref<10240x128xf32, #tpu.memory_space<vmem_shared>> -> memref<128x128xf32, #tpu.memory_space<vmem_shared>>
      %dma_wait3A_86 = arith.constant 0 : i32
      %dma_wait3A_87 = tpu.memref_slice %arg10[%add3A_12, %dma_wait3A_86] : memref<10240x128xf32, #tpu.memory_space<vmem_shared>> -> memref<128x128xf32, #tpu.memory_space<vmem_shared>>
      tpu.wait_dma2 semaphore(%run_scoped3A : memref<!tpu.dma_semaphore, #tpu.memory_space<semaphore_mem>>) src(%arg8 : memref<128x128xf32, #tpu.memory_space<vmem>>) dst(%dma_wait3A_87 : memref<128x128xf32, #tpu.memory_space<vmem_shared>>)
      tpu.yield
    }) : () -> ()
    %mul3A_13 = arith.constant 640 : i32
    %mul3A_14 = arith.muli %arg1, %mul3A_13 : i32
    %add3A_15 = arith.constant 128 : i32
    %add3A_16 = arith.addi %mul3A_14, %add3A_15 : i32
    "tpu.region"() ({
      %run_scoped3A = tpu.sem_alloc : memref<!tpu.dma_semaphore, #tpu.memory_space<semaphore_mem>>
      %dma_start3A_80 = arith.constant 0 : i32
      %dma_start3A_81 = tpu.memref_slice %arg10[%add3A_16, %dma_start3A_80] : memref<10240x128xf32, #tpu.memory_space<vmem_shared>> -> memref<128x128xf32, #tpu.memory_space<vmem_shared>>
      %dma_start3A_82 = arith.constant 0 : i32
      %dma_start3A_83 = tpu.memref_slice %arg10[%add3A_16, %dma_start3A_82] : memref<10240x128xf32, #tpu.memory_space<vmem_shared>> -> memref<128x128xf32, #tpu.memory_space<vmem_shared>>
      tpu.enqueue_dma source(%arg8 : memref<128x128xf32, #tpu.memory_space<vmem>>) target(%dma_start3A_83 : memref<128x128xf32, #tpu.memory_space<vmem_shared>>) target_semaphore(%run_scoped3A : memref<!tpu.dma_semaphore, #tpu.memory_space<semaphore_mem>>)
      %dma_wait3A_84 = arith.constant 0 : i32
      %dma_wait3A_85 = tpu.memref_slice %arg10[%add3A_16, %dma_wait3A_84] : memref<10240x128xf32, #tpu.memory_space<vmem_shared>> -> memref<128x128xf32, #tpu.memory_space<vmem_shared>>
      %dma_wait3A_86 = arith.constant 0 : i32
      %dma_wait3A_87 = tpu.memref_slice %arg10[%add3A_16, %dma_wait3A_86] : memref<10240x128xf32, #tpu.memory_space<vmem_shared>> -> memref<128x128xf32, #tpu.memory_space<vmem_shared>>
      tpu.wait_dma2 semaphore(%run_scoped3A : memref<!tpu.dma_semaphore, #tpu.memory_space<semaphore_mem>>) src(%arg8 : memref<128x128xf32, #tpu.memory_space<vmem>>) dst(%dma_wait3A_87 : memref<128x128xf32, #tpu.memory_space<vmem_shared>>)
      tpu.yield
    }) : () -> ()
    %mul3A_17 = arith.constant 640 : i32
    %mul3A_18 = arith.muli %arg1, %mul3A_17 : i32
    %add3A_19 = arith.constant 256 : i32
    %add3A_20 = arith.addi %mul3A_18, %add3A_19 : i32
    "tpu.region"() ({
      %run_scoped3A = tpu.sem_alloc : memref<!tpu.dma_semaphore, #tpu.memory_space<semaphore_mem>>
      %dma_start3A_80 = arith.constant 0 : i32
      %dma_start3A_81 = tpu.memref_slice %arg10[%add3A_20, %dma_start3A_80] : memref<10240x128xf32, #tpu.memory_space<vmem_shared>> -> memref<128x128xf32, #tpu.memory_space<vmem_shared>>
      %dma_start3A_82 = arith.constant 0 : i32
      %dma_start3A_83 = tpu.memref_slice %arg10[%add3A_20, %dma_start3A_82] : memref<10240x128xf32, #tpu.memory_space<vmem_shared>> -> memref<128x128xf32, #tpu.memory_space<vmem_shared>>
      tpu.enqueue_dma source(%arg8 : memref<128x128xf32, #tpu.memory_space<vmem>>) target(%dma_start3A_83 : memref<128x128xf32, #tpu.memory_space<vmem_shared>>) target_semaphore(%run_scoped3A : memref<!tpu.dma_semaphore, #tpu.memory_space<semaphore_mem>>)
      %dma_wait3A_84 = arith.constant 0 : i32
      %dma_wait3A_85 = tpu.memref_slice %arg10[%add3A_20, %dma_wait3A_84] : memref<10240x128xf32, #tpu.memory_space<vmem_shared>> -> memref<128x128xf32, #tpu.memory_space<vmem_shared>>
      %dma_wait3A_86 = arith.constant 0 : i32
      %dma_wait3A_87 = tpu.memref_slice %arg10[%add3A_20, %dma_wait3A_86] : memref<10240x128xf32, #tpu.memory_space<vmem_shared>> -> memref<128x128xf32, #tpu.memory_space<vmem_shared>>
      tpu.wait_dma2 semaphore(%run_scoped3A : memref<!tpu.dma_semaphore, #tpu.memory_space<semaphore_mem>>) src(%arg8 : memref<128x128xf32, #tpu.memory_space<vmem>>) dst(%dma_wait3A_87 : memref<128x128xf32, #tpu.memory_space<vmem_shared>>)
      tpu.yield
    }) : () -> ()
    %mul3A_21 = arith.constant 640 : i32
    %mul3A_22 = arith.muli %arg1, %mul3A_21 : i32
    %add3A_23 = arith.constant 384 : i32
    %add3A_24 = arith.addi %mul3A_22, %add3A_23 : i32
    "tpu.region"() ({
      %run_scoped3A = tpu.sem_alloc : memref<!tpu.dma_semaphore, #tpu.memory_space<semaphore_mem>>
      %dma_start3A_80 = arith.constant 0 : i32
      %dma_start3A_81 = tpu.memref_slice %arg10[%add3A_24, %dma_start3A_80] : memref<10240x128xf32, #tpu.memory_space<vmem_shared>> -> memref<128x128xf32, #tpu.memory_space<vmem_shared>>
      %dma_start3A_82 = arith.constant 0 : i32
      %dma_start3A_83 = tpu.memref_slice %arg10[%add3A_24, %dma_start3A_82] : memref<10240x128xf32, #tpu.memory_space<vmem_shared>> -> memref<128x128xf32, #tpu.memory_space<vmem_shared>>
      tpu.enqueue_dma source(%arg8 : memref<128x128xf32, #tpu.memory_space<vmem>>) target(%dma_start3A_83 : memref<128x128xf32, #tpu.memory_space<vmem_shared>>) target_semaphore(%run_scoped3A : memref<!tpu.dma_semaphore, #tpu.memory_space<semaphore_mem>>)
      %dma_wait3A_84 = arith.constant 0 : i32
      %dma_wait3A_85 = tpu.memref_slice %arg10[%add3A_24, %dma_wait3A_84] : memref<10240x128xf32, #tpu.memory_space<vmem_shared>> -> memref<128x128xf32, #tpu.memory_space<vmem_shared>>
      %dma_wait3A_86 = arith.constant 0 : i32
      %dma_wait3A_87 = tpu.memref_slice %arg10[%add3A_24, %dma_wait3A_86] : memref<10240x128xf32, #tpu.memory_space<vmem_shared>> -> memref<128x128xf32, #tpu.memory_space<vmem_shared>>
      tpu.wait_dma2 semaphore(%run_scoped3A : memref<!tpu.dma_semaphore, #tpu.memory_space<semaphore_mem>>) src(%arg8 : memref<128x128xf32, #tpu.memory_space<vmem>>) dst(%dma_wait3A_87 : memref<128x128xf32, #tpu.memory_space<vmem_shared>>)
      tpu.yield
    }) : () -> ()
    %mul3A_25 = arith.constant 640 : i32
    %mul3A_26 = arith.muli %arg1, %mul3A_25 : i32
    %add3A_27 = arith.constant 512 : i32
    %add3A_28 = arith.addi %mul3A_26, %add3A_27 : i32
    "tpu.region"() ({
      %run_scoped3A = tpu.sem_alloc : memref<!tpu.dma_semaphore, #tpu.memory_space<semaphore_mem>>
      %dma_start3A_80 = arith.constant 0 : i32
      %dma_start3A_81 = tpu.memref_slice %arg10[%add3A_28, %dma_start3A_80] : memref<10240x128xf32, #tpu.memory_space<vmem_shared>> -> memref<128x128xf32, #tpu.memory_space<vmem_shared>>
      %dma_start3A_82 = arith.constant 0 : i32
      %dma_start3A_83 = tpu.memref_slice %arg10[%add3A_28, %dma_start3A_82] : memref<10240x128xf32, #tpu.memory_space<vmem_shared>> -> memref<128x128xf32, #tpu.memory_space<vmem_shared>>
      tpu.enqueue_dma source(%arg8 : memref<128x128xf32, #tpu.memory_space<vmem>>) target(%dma_start3A_83 : memref<128x128xf32, #tpu.memory_space<vmem_shared>>) target_semaphore(%run_scoped3A : memref<!tpu.dma_semaphore, #tpu.memory_space<semaphore_mem>>)
      %dma_wait3A_84 = arith.constant 0 : i32
      %dma_wait3A_85 = tpu.memref_slice %arg10[%add3A_28, %dma_wait3A_84] : memref<10240x128xf32, #tpu.memory_space<vmem_shared>> -> memref<128x128xf32, #tpu.memory_space<vmem_shared>>
      %dma_wait3A_86 = arith.constant 0 : i32
      %dma_wait3A_87 = tpu.memref_slice %arg10[%add3A_28, %dma_wait3A_86] : memref<10240x128xf32, #tpu.memory_space<vmem_shared>> -> memref<128x128xf32, #tpu.memory_space<vmem_shared>>
      tpu.wait_dma2 semaphore(%run_scoped3A : memref<!tpu.dma_semaphore, #tpu.memory_space<semaphore_mem>>) src(%arg8 : memref<128x128xf32, #tpu.memory_space<vmem>>) dst(%dma_wait3A_87 : memref<128x128xf32, #tpu.memory_space<vmem_shared>>)
      tpu.yield
    }) : () -> ()
    %barrier3A = arith.constant 0 : index
    tpu.barrier barrier_id(%barrier3A)
    %add3A_29 = arith.constant 0 : i32
    %add3A_30 = arith.addi %mul3A_2, %add3A_29 : i32
    "tpu.region"() ({
      %run_scoped3A = tpu.sem_alloc : memref<!tpu.dma_semaphore, #tpu.memory_space<semaphore_mem>>
      %dma_start3A_80 = arith.constant 0 : i32
      %dma_start3A_81 = tpu.memref_slice %arg2[%add3A_30, %dma_start3A_80] : memref<2560x128xi32, #tpu.memory_space<hbm>> -> memref<40x128xi32, #tpu.memory_space<hbm>>
      %dma_start3A_82 = arith.constant 0 : i32
      %dma_start3A_83 = tpu.memref_slice %arg2[%add3A_30, %dma_start3A_82] : memref<2560x128xi32, #tpu.memory_space<hbm>> -> memref<40x128xi32, #tpu.memory_space<hbm>>
      tpu.enqueue_dma source(%dma_start3A_83 : memref<40x128xi32, #tpu.memory_space<hbm>>) target(%arg6 : memref<40x128xi32, #tpu.memory_space<vmem>>) target_semaphore(%run_scoped3A : memref<!tpu.dma_semaphore, #tpu.memory_space<semaphore_mem>>)
      %dma_wait3A_84 = arith.constant 0 : i32
      %dma_wait3A_85 = tpu.memref_slice %arg2[%add3A_30, %dma_wait3A_84] : memref<2560x128xi32, #tpu.memory_space<hbm>> -> memref<40x128xi32, #tpu.memory_space<hbm>>
      %dma_wait3A_86 = arith.constant 0 : i32
      %dma_wait3A_87 = tpu.memref_slice %arg2[%add3A_30, %dma_wait3A_86] : memref<2560x128xi32, #tpu.memory_space<hbm>> -> memref<40x128xi32, #tpu.memory_space<hbm>>
      tpu.wait_dma2 semaphore(%run_scoped3A : memref<!tpu.dma_semaphore, #tpu.memory_space<semaphore_mem>>) src(%dma_wait3A_87 : memref<40x128xi32, #tpu.memory_space<hbm>>) dst(%arg6 : memref<40x128xi32, #tpu.memory_space<vmem>>)
      tpu.yield
    }) : () -> ()
    %add3A_31 = arith.constant 0 : i32
    %add3A_32 = arith.addi %mul3A_2, %add3A_31 : i32
    "tpu.region"() ({
      %run_scoped3A = tpu.sem_alloc : memref<!tpu.dma_semaphore, #tpu.memory_space<semaphore_mem>>
      %dma_start3A_80 = arith.constant 0 : i32
      %dma_start3A_81 = tpu.memref_slice %arg3[%add3A_32, %dma_start3A_80] : memref<2560x128xi32, #tpu.memory_space<hbm>> -> memref<40x128xi32, #tpu.memory_space<hbm>>
      %dma_start3A_82 = arith.constant 0 : i32
      %dma_start3A_83 = tpu.memref_slice %arg3[%add3A_32, %dma_start3A_82] : memref<2560x128xi32, #tpu.memory_space<hbm>> -> memref<40x128xi32, #tpu.memory_space<hbm>>
      tpu.enqueue_dma source(%dma_start3A_83 : memref<40x128xi32, #tpu.memory_space<hbm>>) target(%arg7 : memref<40x128xi32, #tpu.memory_space<vmem>>) target_semaphore(%run_scoped3A : memref<!tpu.dma_semaphore, #tpu.memory_space<semaphore_mem>>)
      %dma_wait3A_84 = arith.constant 0 : i32
      %dma_wait3A_85 = tpu.memref_slice %arg3[%add3A_32, %dma_wait3A_84] : memref<2560x128xi32, #tpu.memory_space<hbm>> -> memref<40x128xi32, #tpu.memory_space<hbm>>
      %dma_wait3A_86 = arith.constant 0 : i32
      %dma_wait3A_87 = tpu.memref_slice %arg3[%add3A_32, %dma_wait3A_86] : memref<2560x128xi32, #tpu.memory_space<hbm>> -> memref<40x128xi32, #tpu.memory_space<hbm>>
      tpu.wait_dma2 semaphore(%run_scoped3A : memref<!tpu.dma_semaphore, #tpu.memory_space<semaphore_mem>>) src(%dma_wait3A_87 : memref<40x128xi32, #tpu.memory_space<hbm>>) dst(%arg7 : memref<40x128xi32, #tpu.memory_space<vmem>>)
      tpu.yield
    }) : () -> ()
    %dma_start3A = arith.constant 0 : i32
    %dma_start3A_33 = arith.constant 0 : i32
    %dma_start3A_34 = tpu.memref_slice %arg6[%dma_start3A, %dma_start3A_33] : memref<40x128xi32, #tpu.memory_space<vmem>> -> memref<1x128xi32, #tpu.memory_space<vmem>>
    %dma_start3A_35 = tpu.memref_squeeze %dma_start3A_34 : memref<1x128xi32, #tpu.memory_space<vmem>> -> memref<128xi32, #tpu.memory_space<vmem>>
    %dma_start3A_36 = arith.constant 0 : i32
    %dma_start3A_37 = arith.constant 0 : i32
    %dma_start3A_38 = tpu.memref_slice %arg4[%dma_start3A_36, %dma_start3A_37] : memref<10240x128xf32, #tpu.memory_space<hbm>> -> memref<10240x128xf32, #tpu.memory_space<hbm>>
    tpu.enqueue_indirect_dma source(%dma_start3A_38 : memref<10240x128xf32, #tpu.memory_space<hbm>>) target(%arg8 : memref<128x128xf32, #tpu.memory_space<vmem>>) offsets(%dma_start3A_35 : memref<128xi32, #tpu.memory_space<vmem>>) semaphore(%arg11 : memref<!tpu.dma_semaphore, #tpu.memory_space<semaphore_mem>>)
    %dma_wait3A = arith.constant 0 : i32
    %dma_wait3A_39 = arith.constant 0 : i32
    %dma_wait3A_40 = tpu.memref_slice %arg6[%dma_wait3A, %dma_wait3A_39] : memref<40x128xi32, #tpu.memory_space<vmem>> -> memref<1x128xi32, #tpu.memory_space<vmem>>
    %dma_wait3A_41 = tpu.memref_squeeze %dma_wait3A_40 : memref<1x128xi32, #tpu.memory_space<vmem>> -> memref<128xi32, #tpu.memory_space<vmem>>
    %dma_wait3A_42 = arith.constant 0 : i32
    %dma_wait3A_43 = arith.constant 0 : i32
    %dma_wait3A_44 = tpu.memref_slice %arg4[%dma_wait3A_42, %dma_wait3A_43] : memref<10240x128xf32, #tpu.memory_space<hbm>> -> memref<10240x128xf32, #tpu.memory_space<hbm>>
    tpu.wait_indirect_dma semaphore(%arg11 : memref<!tpu.dma_semaphore, #tpu.memory_space<semaphore_mem>>) src(%dma_wait3A_44 : memref<10240x128xf32, #tpu.memory_space<hbm>>) dst(%arg8 : memref<128x128xf32, #tpu.memory_space<vmem>>)
    %scan3A_45 = arith.constant 0 : i32
    %scan3A_46 = arith.constant 0 : i32
    %scan3A_47 = arith.constant 20 : i32
    %scan3A_48 = arith.addi %scan3A_46, %scan3A_47 : i32
    %scan3A_49 = arith.constant 1 : i32
    scf.for %scan3A_80 = %scan3A_46 to %scan3A_48 step %scan3A_49  : i32 {
      %mul3A_81 = arith.constant 2 : i32
      %mul3A_82 = arith.muli %mul3A_81, %scan3A_80 : i32
      %add3A_83 = arith.constant 1 : i32
      %add3A_84 = arith.addi %mul3A_82, %add3A_83 : i32
      %dma_start3A_85 = arith.constant 0 : i32
      %dma_start3A_86 = tpu.memref_slice %arg6[%add3A_84, %dma_start3A_85] : memref<40x128xi32, #tpu.memory_space<vmem>> -> memref<1x128xi32, #tpu.memory_space<vmem>>
      %dma_start3A_87 = tpu.memref_squeeze %dma_start3A_86 : memref<1x128xi32, #tpu.memory_space<vmem>> -> memref<128xi32, #tpu.memory_space<vmem>>
      %dma_start3A_88 = arith.constant 0 : i32
      %dma_start3A_89 = arith.constant 0 : i32
      %dma_start3A_90 = tpu.memref_slice %arg4[%dma_start3A_88, %dma_start3A_89] : memref<10240x128xf32, #tpu.memory_space<hbm>> -> memref<10240x128xf32, #tpu.memory_space<hbm>>
      tpu.enqueue_indirect_dma source(%dma_start3A_90 : memref<10240x128xf32, #tpu.memory_space<hbm>>) target(%arg9 : memref<128x128xf32, #tpu.memory_space<vmem>>) offsets(%dma_start3A_87 : memref<128xi32, #tpu.memory_space<vmem>>) semaphore(%arg12 : memref<!tpu.dma_semaphore, #tpu.memory_space<semaphore_mem>>)
      "tpu.region"() ({
        %run_scoped3A = tpu.sem_alloc : memref<!tpu.dma_semaphore, #tpu.memory_space<semaphore_mem>>
        %dma_start3A_103 = arith.constant 0 : i32
        %dma_start3A_104 = tpu.memref_slice %arg7[%mul3A_82, %dma_start3A_103] : memref<40x128xi32, #tpu.memory_space<vmem>> -> memref<1x128xi32, #tpu.memory_space<vmem>>
        %dma_start3A_105 = tpu.memref_squeeze %dma_start3A_104 : memref<1x128xi32, #tpu.memory_space<vmem>> -> memref<128xi32, #tpu.memory_space<vmem>>
        %dma_start3A_106 = arith.constant 0 : i32
        %dma_start3A_107 = arith.constant 0 : i32
        %dma_start3A_108 = tpu.memref_slice %arg10[%dma_start3A_106, %dma_start3A_107] : memref<10240x128xf32, #tpu.memory_space<vmem_shared>> -> memref<10240x128xf32, #tpu.memory_space<vmem_shared>>
        tpu.enqueue_indirect_dma source(%arg8 : memref<128x128xf32, #tpu.memory_space<vmem>>) target(%dma_start3A_108 : memref<10240x128xf32, #tpu.memory_space<vmem_shared>>) offsets(%dma_start3A_105 : memref<128xi32, #tpu.memory_space<vmem>>) semaphore(%run_scoped3A : memref<!tpu.dma_semaphore, #tpu.memory_space<semaphore_mem>>) {add = true}
        %dma_wait3A_109 = arith.constant 0 : i32
        %dma_wait3A_110 = tpu.memref_slice %arg7[%mul3A_82, %dma_wait3A_109] : memref<40x128xi32, #tpu.memory_space<vmem>> -> memref<1x128xi32, #tpu.memory_space<vmem>>
        %dma_wait3A_111 = tpu.memref_squeeze %dma_wait3A_110 : memref<1x128xi32, #tpu.memory_space<vmem>> -> memref<128xi32, #tpu.memory_space<vmem>>
        %dma_wait3A_112 = arith.constant 0 : i32
        %dma_wait3A_113 = arith.constant 0 : i32
        %dma_wait3A_114 = tpu.memref_slice %arg10[%dma_wait3A_112, %dma_wait3A_113] : memref<10240x128xf32, #tpu.memory_space<vmem_shared>> -> memref<10240x128xf32, #tpu.memory_space<vmem_shared>>
        tpu.wait_indirect_dma semaphore(%run_scoped3A : memref<!tpu.dma_semaphore, #tpu.memory_space<semaphore_mem>>) src(%arg8 : memref<128x128xf32, #tpu.memory_space<vmem>>) dst(%dma_wait3A_114 : memref<10240x128xf32, #tpu.memory_space<vmem_shared>>)
        tpu.yield
      }) : () -> ()
      %dma_wait3A_91 = arith.constant 0 : i32
      %dma_wait3A_92 = tpu.memref_slice %arg6[%add3A_84, %dma_wait3A_91] : memref<40x128xi32, #tpu.memory_space<vmem>> -> memref<1x128xi32, #tpu.memory_space<vmem>>
      %dma_wait3A_93 = tpu.memref_squeeze %dma_wait3A_92 : memref<1x128xi32, #tpu.memory_space<vmem>> -> memref<128xi32, #tpu.memory_space<vmem>>
      %dma_wait3A_94 = arith.constant 0 : i32
      %dma_wait3A_95 = arith.constant 0 : i32
      %dma_wait3A_96 = tpu.memref_slice %arg4[%dma_wait3A_94, %dma_wait3A_95] : memref<10240x128xf32, #tpu.memory_space<hbm>> -> memref<10240x128xf32, #tpu.memory_space<hbm>>
      tpu.wait_indirect_dma semaphore(%arg12 : memref<!tpu.dma_semaphore, #tpu.memory_space<semaphore_mem>>) src(%dma_wait3A_96 : memref<10240x128xf32, #tpu.memory_space<hbm>>) dst(%arg9 : memref<128x128xf32, #tpu.memory_space<vmem>>)
      %lt3A = arith.constant 19 : i32
      %lt3A_97 = arith.cmpi slt, %scan3A_80, %lt3A : i32
      %convert_element_type3A = arith.extui %lt3A_97 : i1 to i32
      %cond3A = arith.constant 0 : i32
      %cond3A_98 = arith.cmpi ne, %convert_element_type3A, %cond3A : i32
      scf.if %cond3A_98 {
        %add3A_103 = arith.constant 2 : i32
        %add3A_104 = arith.addi %mul3A_82, %add3A_103 : i32
        %dma_start3A_105 = arith.constant 0 : i32
        %dma_start3A_106 = tpu.memref_slice %arg6[%add3A_104, %dma_start3A_105] : memref<40x128xi32, #tpu.memory_space<vmem>> -> memref<1x128xi32, #tpu.memory_space<vmem>>
        %dma_start3A_107 = tpu.memref_squeeze %dma_start3A_106 : memref<1x128xi32, #tpu.memory_space<vmem>> -> memref<128xi32, #tpu.memory_space<vmem>>
        %dma_start3A_108 = arith.constant 0 : i32
        %dma_start3A_109 = arith.constant 0 : i32
        %dma_start3A_110 = tpu.memref_slice %arg4[%dma_start3A_108, %dma_start3A_109] : memref<10240x128xf32, #tpu.memory_space<hbm>> -> memref<10240x128xf32, #tpu.memory_space<hbm>>
        tpu.enqueue_indirect_dma source(%dma_start3A_110 : memref<10240x128xf32, #tpu.memory_space<hbm>>) target(%arg8 : memref<128x128xf32, #tpu.memory_space<vmem>>) offsets(%dma_start3A_107 : memref<128xi32, #tpu.memory_space<vmem>>) semaphore(%arg11 : memref<!tpu.dma_semaphore, #tpu.memory_space<semaphore_mem>>)
        %add3A_111 = arith.constant 1 : i32
        %add3A_112 = arith.addi %mul3A_82, %add3A_111 : i32
        "tpu.region"() ({
          %run_scoped3A = tpu.sem_alloc : memref<!tpu.dma_semaphore, #tpu.memory_space<semaphore_mem>>
          %dma_start3A_119 = arith.constant 0 : i32
          %dma_start3A_120 = tpu.memref_slice %arg7[%add3A_112, %dma_start3A_119] : memref<40x128xi32, #tpu.memory_space<vmem>> -> memref<1x128xi32, #tpu.memory_space<vmem>>
          %dma_start3A_121 = tpu.memref_squeeze %dma_start3A_120 : memref<1x128xi32, #tpu.memory_space<vmem>> -> memref<128xi32, #tpu.memory_space<vmem>>
          %dma_start3A_122 = arith.constant 0 : i32
          %dma_start3A_123 = arith.constant 0 : i32
          %dma_start3A_124 = tpu.memref_slice %arg10[%dma_start3A_122, %dma_start3A_123] : memref<10240x128xf32, #tpu.memory_space<vmem_shared>> -> memref<10240x128xf32, #tpu.memory_space<vmem_shared>>
          tpu.enqueue_indirect_dma source(%arg9 : memref<128x128xf32, #tpu.memory_space<vmem>>) target(%dma_start3A_124 : memref<10240x128xf32, #tpu.memory_space<vmem_shared>>) offsets(%dma_start3A_121 : memref<128xi32, #tpu.memory_space<vmem>>) semaphore(%run_scoped3A : memref<!tpu.dma_semaphore, #tpu.memory_space<semaphore_mem>>) {add = true}
          %dma_wait3A_125 = arith.constant 0 : i32
          %dma_wait3A_126 = tpu.memref_slice %arg7[%add3A_112, %dma_wait3A_125] : memref<40x128xi32, #tpu.memory_space<vmem>> -> memref<1x128xi32, #tpu.memory_space<vmem>>
          %dma_wait3A_127 = tpu.memref_squeeze %dma_wait3A_126 : memref<1x128xi32, #tpu.memory_space<vmem>> -> memref<128xi32, #tpu.memory_space<vmem>>
          %dma_wait3A_128 = arith.constant 0 : i32
          %dma_wait3A_129 = arith.constant 0 : i32
          %dma_wait3A_130 = tpu.memref_slice %arg10[%dma_wait3A_128, %dma_wait3A_129] : memref<10240x128xf32, #tpu.memory_space<vmem_shared>> -> memref<10240x128xf32, #tpu.memory_space<vmem_shared>>
          tpu.wait_indirect_dma semaphore(%run_scoped3A : memref<!tpu.dma_semaphore, #tpu.memory_space<semaphore_mem>>) src(%arg9 : memref<128x128xf32, #tpu.memory_space<vmem>>) dst(%dma_wait3A_130 : memref<10240x128xf32, #tpu.memory_space<vmem_shared>>)
          tpu.yield
        }) : () -> ()
        %dma_wait3A_113 = arith.constant 0 : i32
        %dma_wait3A_114 = tpu.memref_slice %arg6[%add3A_104, %dma_wait3A_113] : memref<40x128xi32, #tpu.memory_space<vmem>> -> memref<1x128xi32, #tpu.memory_space<vmem>>
        %dma_wait3A_115 = tpu.memref_squeeze %dma_wait3A_114 : memref<1x128xi32, #tpu.memory_space<vmem>> -> memref<128xi32, #tpu.memory_space<vmem>>
        %dma_wait3A_116 = arith.constant 0 : i32
        %dma_wait3A_117 = arith.constant 0 : i32
        %dma_wait3A_118 = tpu.memref_slice %arg4[%dma_wait3A_116, %dma_wait3A_117] : memref<10240x128xf32, #tpu.memory_space<hbm>> -> memref<10240x128xf32, #tpu.memory_space<hbm>>
        tpu.wait_indirect_dma semaphore(%arg11 : memref<!tpu.dma_semaphore, #tpu.memory_space<semaphore_mem>>) src(%dma_wait3A_118 : memref<10240x128xf32, #tpu.memory_space<hbm>>) dst(%arg8 : memref<128x128xf32, #tpu.memory_space<vmem>>)
      } else {
      }
      %eq3A = arith.constant 19 : i32
      %eq3A_99 = arith.cmpi eq, %scan3A_80, %eq3A : i32
      %convert_element_type3A_100 = arith.extui %eq3A_99 : i1 to i32
      %cond3A_101 = arith.constant 0 : i32
      %cond3A_102 = arith.cmpi ne, %convert_element_type3A_100, %cond3A_101 : i32
      scf.if %cond3A_102 {
        %add3A_103 = arith.constant 1 : i32
        %add3A_104 = arith.addi %mul3A_82, %add3A_103 : i32
        "tpu.region"() ({
          %run_scoped3A = tpu.sem_alloc : memref<!tpu.dma_semaphore, #tpu.memory_space<semaphore_mem>>
          %dma_start3A_105 = arith.constant 0 : i32
          %dma_start3A_106 = tpu.memref_slice %arg7[%add3A_104, %dma_start3A_105] : memref<40x128xi32, #tpu.memory_space<vmem>> -> memref<1x128xi32, #tpu.memory_space<vmem>>
          %dma_start3A_107 = tpu.memref_squeeze %dma_start3A_106 : memref<1x128xi32, #tpu.memory_space<vmem>> -> memref<128xi32, #tpu.memory_space<vmem>>
          %dma_start3A_108 = arith.constant 0 : i32
          %dma_start3A_109 = arith.constant 0 : i32
          %dma_start3A_110 = tpu.memref_slice %arg10[%dma_start3A_108, %dma_start3A_109] : memref<10240x128xf32, #tpu.memory_space<vmem_shared>> -> memref<10240x128xf32, #tpu.memory_space<vmem_shared>>
          tpu.enqueue_indirect_dma source(%arg9 : memref<128x128xf32, #tpu.memory_space<vmem>>) target(%dma_start3A_110 : memref<10240x128xf32, #tpu.memory_space<vmem_shared>>) offsets(%dma_start3A_107 : memref<128xi32, #tpu.memory_space<vmem>>) semaphore(%run_scoped3A : memref<!tpu.dma_semaphore, #tpu.memory_space<semaphore_mem>>) {add = true}
          %dma_wait3A_111 = arith.constant 0 : i32
          %dma_wait3A_112 = tpu.memref_slice %arg7[%add3A_104, %dma_wait3A_111] : memref<40x128xi32, #tpu.memory_space<vmem>> -> memref<1x128xi32, #tpu.memory_space<vmem>>
          %dma_wait3A_113 = tpu.memref_squeeze %dma_wait3A_112 : memref<1x128xi32, #tpu.memory_space<vmem>> -> memref<128xi32, #tpu.memory_space<vmem>>
          %dma_wait3A_114 = arith.constant 0 : i32
          %dma_wait3A_115 = arith.constant 0 : i32
          %dma_wait3A_116 = tpu.memref_slice %arg10[%dma_wait3A_114, %dma_wait3A_115] : memref<10240x128xf32, #tpu.memory_space<vmem_shared>> -> memref<10240x128xf32, #tpu.memory_space<vmem_shared>>
          tpu.wait_indirect_dma semaphore(%run_scoped3A : memref<!tpu.dma_semaphore, #tpu.memory_space<semaphore_mem>>) src(%arg9 : memref<128x128xf32, #tpu.memory_space<vmem>>) dst(%dma_wait3A_116 : memref<10240x128xf32, #tpu.memory_space<vmem_shared>>)
          tpu.yield
        }) : () -> ()
      } else {
      }
    }
    %scan3A_50 = arith.constant 20 : i32
    %add3A_51 = arith.constant 40 : i32
    %add3A_52 = arith.addi %mul3A_2, %add3A_51 : i32
    "tpu.region"() ({
      %run_scoped3A = tpu.sem_alloc : memref<!tpu.dma_semaphore, #tpu.memory_space<semaphore_mem>>
      %dma_start3A_80 = arith.constant 0 : i32
      %dma_start3A_81 = tpu.memref_slice %arg2[%add3A_52, %dma_start3A_80] : memref<2560x128xi32, #tpu.memory_space<hbm>> -> memref<40x128xi32, #tpu.memory_space<hbm>>
      %dma_start3A_82 = arith.constant 0 : i32
      %dma_start3A_83 = tpu.memref_slice %arg2[%add3A_52, %dma_start3A_82] : memref<2560x128xi32, #tpu.memory_space<hbm>> -> memref<40x128xi32, #tpu.memory_space<hbm>>
      tpu.enqueue_dma source(%dma_start3A_83 : memref<40x128xi32, #tpu.memory_space<hbm>>) target(%arg6 : memref<40x128xi32, #tpu.memory_space<vmem>>) target_semaphore(%run_scoped3A : memref<!tpu.dma_semaphore, #tpu.memory_space<semaphore_mem>>)
      %dma_wait3A_84 = arith.constant 0 : i32
      %dma_wait3A_85 = tpu.memref_slice %arg2[%add3A_52, %dma_wait3A_84] : memref<2560x128xi32, #tpu.memory_space<hbm>> -> memref<40x128xi32, #tpu.memory_space<hbm>>
      %dma_wait3A_86 = arith.constant 0 : i32
      %dma_wait3A_87 = tpu.memref_slice %arg2[%add3A_52, %dma_wait3A_86] : memref<2560x128xi32, #tpu.memory_space<hbm>> -> memref<40x128xi32, #tpu.memory_space<hbm>>
      tpu.wait_dma2 semaphore(%run_scoped3A : memref<!tpu.dma_semaphore, #tpu.memory_space<semaphore_mem>>) src(%dma_wait3A_87 : memref<40x128xi32, #tpu.memory_space<hbm>>) dst(%arg6 : memref<40x128xi32, #tpu.memory_space<vmem>>)
      tpu.yield
    }) : () -> ()
    %add3A_53 = arith.constant 40 : i32
    %add3A_54 = arith.addi %mul3A_2, %add3A_53 : i32
    "tpu.region"() ({
      %run_scoped3A = tpu.sem_alloc : memref<!tpu.dma_semaphore, #tpu.memory_space<semaphore_mem>>
      %dma_start3A_80 = arith.constant 0 : i32
      %dma_start3A_81 = tpu.memref_slice %arg3[%add3A_54, %dma_start3A_80] : memref<2560x128xi32, #tpu.memory_space<hbm>> -> memref<40x128xi32, #tpu.memory_space<hbm>>
      %dma_start3A_82 = arith.constant 0 : i32
      %dma_start3A_83 = tpu.memref_slice %arg3[%add3A_54, %dma_start3A_82] : memref<2560x128xi32, #tpu.memory_space<hbm>> -> memref<40x128xi32, #tpu.memory_space<hbm>>
      tpu.enqueue_dma source(%dma_start3A_83 : memref<40x128xi32, #tpu.memory_space<hbm>>) target(%arg7 : memref<40x128xi32, #tpu.memory_space<vmem>>) target_semaphore(%run_scoped3A : memref<!tpu.dma_semaphore, #tpu.memory_space<semaphore_mem>>)
      %dma_wait3A_84 = arith.constant 0 : i32
      %dma_wait3A_85 = tpu.memref_slice %arg3[%add3A_54, %dma_wait3A_84] : memref<2560x128xi32, #tpu.memory_space<hbm>> -> memref<40x128xi32, #tpu.memory_space<hbm>>
      %dma_wait3A_86 = arith.constant 0 : i32
      %dma_wait3A_87 = tpu.memref_slice %arg3[%add3A_54, %dma_wait3A_86] : memref<2560x128xi32, #tpu.memory_space<hbm>> -> memref<40x128xi32, #tpu.memory_space<hbm>>
      tpu.wait_dma2 semaphore(%run_scoped3A : memref<!tpu.dma_semaphore, #tpu.memory_space<semaphore_mem>>) src(%dma_wait3A_87 : memref<40x128xi32, #tpu.memory_space<hbm>>) dst(%arg7 : memref<40x128xi32, #tpu.memory_space<vmem>>)
      tpu.yield
    }) : () -> ()
    %dma_start3A_55 = arith.constant 0 : i32
    %dma_start3A_56 = arith.constant 0 : i32
    %dma_start3A_57 = tpu.memref_slice %arg6[%dma_start3A_55, %dma_start3A_56] : memref<40x128xi32, #tpu.memory_space<vmem>> -> memref<1x128xi32, #tpu.memory_space<vmem>>
    %dma_start3A_58 = tpu.memref_squeeze %dma_start3A_57 : memref<1x128xi32, #tpu.memory_space<vmem>> -> memref<128xi32, #tpu.memory_space<vmem>>
    %dma_start3A_59 = arith.constant 0 : i32
    %dma_start3A_60 = arith.constant 0 : i32
    %dma_start3A_61 = tpu.memref_slice %arg4[%dma_start3A_59, %dma_start3A_60] : memref<10240x128xf32, #tpu.memory_space<hbm>> -> memref<10240x128xf32, #tpu.memory_space<hbm>>
    tpu.enqueue_indirect_dma source(%dma_start3A_61 : memref<10240x128xf32, #tpu.memory_space<hbm>>) target(%arg8 : memref<128x128xf32, #tpu.memory_space<vmem>>) offsets(%dma_start3A_58 : memref<128xi32, #tpu.memory_space<vmem>>) semaphore(%arg11 : memref<!tpu.dma_semaphore, #tpu.memory_space<semaphore_mem>>)
    %dma_wait3A_62 = arith.constant 0 : i32
    %dma_wait3A_63 = arith.constant 0 : i32
    %dma_wait3A_64 = tpu.memref_slice %arg6[%dma_wait3A_62, %dma_wait3A_63] : memref<40x128xi32, #tpu.memory_space<vmem>> -> memref<1x128xi32, #tpu.memory_space<vmem>>
    %dma_wait3A_65 = tpu.memref_squeeze %dma_wait3A_64 : memref<1x128xi32, #tpu.memory_space<vmem>> -> memref<128xi32, #tpu.memory_space<vmem>>
    %dma_wait3A_66 = arith.constant 0 : i32
    %dma_wait3A_67 = arith.constant 0 : i32
    %dma_wait3A_68 = tpu.memref_slice %arg4[%dma_wait3A_66, %dma_wait3A_67] : memref<10240x128xf32, #tpu.memory_space<hbm>> -> memref<10240x128xf32, #tpu.memory_space<hbm>>
    tpu.wait_indirect_dma semaphore(%arg11 : memref<!tpu.dma_semaphore, #tpu.memory_space<semaphore_mem>>) src(%dma_wait3A_68 : memref<10240x128xf32, #tpu.memory_space<hbm>>) dst(%arg8 : memref<128x128xf32, #tpu.memory_space<vmem>>)
    %scan3A_69 = arith.constant 0 : i32
    %scan3A_70 = arith.constant 0 : i32
    %scan3A_71 = arith.constant 20 : i32
    %scan3A_72 = arith.addi %scan3A_70, %scan3A_71 : i32
    %scan3A_73 = arith.constant 1 : i32
    scf.for %scan3A_80 = %scan3A_70 to %scan3A_72 step %scan3A_73  : i32 {
      %mul3A_81 = arith.constant 2 : i32
      %mul3A_82 = arith.muli %mul3A_81, %scan3A_80 : i32
      %add3A_83 = arith.constant 1 : i32
      %add3A_84 = arith.addi %mul3A_82, %add3A_83 : i32
      %dma_start3A_85 = arith.constant 0 : i32
      %dma_start3A_86 = tpu.memref_slice %arg6[%add3A_84, %dma_start3A_85] : memref<40x128xi32, #tpu.memory_space<vmem>> -> memref<1x128xi32, #tpu.memory_space<vmem>>
      %dma_start3A_87 = tpu.memref_squeeze %dma_start3A_86 : memref<1x128xi32, #tpu.memory_space<vmem>> -> memref<128xi32, #tpu.memory_space<vmem>>
      %dma_start3A_88 = arith.constant 0 : i32
      %dma_start3A_89 = arith.constant 0 : i32
      %dma_start3A_90 = tpu.memref_slice %arg4[%dma_start3A_88, %dma_start3A_89] : memref<10240x128xf32, #tpu.memory_space<hbm>> -> memref<10240x128xf32, #tpu.memory_space<hbm>>
      tpu.enqueue_indirect_dma source(%dma_start3A_90 : memref<10240x128xf32, #tpu.memory_space<hbm>>) target(%arg9 : memref<128x128xf32, #tpu.memory_space<vmem>>) offsets(%dma_start3A_87 : memref<128xi32, #tpu.memory_space<vmem>>) semaphore(%arg12 : memref<!tpu.dma_semaphore, #tpu.memory_space<semaphore_mem>>)
      "tpu.region"() ({
        %run_scoped3A = tpu.sem_alloc : memref<!tpu.dma_semaphore, #tpu.memory_space<semaphore_mem>>
        %dma_start3A_103 = arith.constant 0 : i32
        %dma_start3A_104 = tpu.memref_slice %arg7[%mul3A_82, %dma_start3A_103] : memref<40x128xi32, #tpu.memory_space<vmem>> -> memref<1x128xi32, #tpu.memory_space<vmem>>
        %dma_start3A_105 = tpu.memref_squeeze %dma_start3A_104 : memref<1x128xi32, #tpu.memory_space<vmem>> -> memref<128xi32, #tpu.memory_space<vmem>>
        %dma_start3A_106 = arith.constant 0 : i32
        %dma_start3A_107 = arith.constant 0 : i32
        %dma_start3A_108 = tpu.memref_slice %arg10[%dma_start3A_106, %dma_start3A_107] : memref<10240x128xf32, #tpu.memory_space<vmem_shared>> -> memref<10240x128xf32, #tpu.memory_space<vmem_shared>>
        tpu.enqueue_indirect_dma source(%arg8 : memref<128x128xf32, #tpu.memory_space<vmem>>) target(%dma_start3A_108 : memref<10240x128xf32, #tpu.memory_space<vmem_shared>>) offsets(%dma_start3A_105 : memref<128xi32, #tpu.memory_space<vmem>>) semaphore(%run_scoped3A : memref<!tpu.dma_semaphore, #tpu.memory_space<semaphore_mem>>) {add = true}
        %dma_wait3A_109 = arith.constant 0 : i32
        %dma_wait3A_110 = tpu.memref_slice %arg7[%mul3A_82, %dma_wait3A_109] : memref<40x128xi32, #tpu.memory_space<vmem>> -> memref<1x128xi32, #tpu.memory_space<vmem>>
        %dma_wait3A_111 = tpu.memref_squeeze %dma_wait3A_110 : memref<1x128xi32, #tpu.memory_space<vmem>> -> memref<128xi32, #tpu.memory_space<vmem>>
        %dma_wait3A_112 = arith.constant 0 : i32
        %dma_wait3A_113 = arith.constant 0 : i32
        %dma_wait3A_114 = tpu.memref_slice %arg10[%dma_wait3A_112, %dma_wait3A_113] : memref<10240x128xf32, #tpu.memory_space<vmem_shared>> -> memref<10240x128xf32, #tpu.memory_space<vmem_shared>>
        tpu.wait_indirect_dma semaphore(%run_scoped3A : memref<!tpu.dma_semaphore, #tpu.memory_space<semaphore_mem>>) src(%arg8 : memref<128x128xf32, #tpu.memory_space<vmem>>) dst(%dma_wait3A_114 : memref<10240x128xf32, #tpu.memory_space<vmem_shared>>)
        tpu.yield
      }) : () -> ()
      %dma_wait3A_91 = arith.constant 0 : i32
      %dma_wait3A_92 = tpu.memref_slice %arg6[%add3A_84, %dma_wait3A_91] : memref<40x128xi32, #tpu.memory_space<vmem>> -> memref<1x128xi32, #tpu.memory_space<vmem>>
      %dma_wait3A_93 = tpu.memref_squeeze %dma_wait3A_92 : memref<1x128xi32, #tpu.memory_space<vmem>> -> memref<128xi32, #tpu.memory_space<vmem>>
      %dma_wait3A_94 = arith.constant 0 : i32
      %dma_wait3A_95 = arith.constant 0 : i32
      %dma_wait3A_96 = tpu.memref_slice %arg4[%dma_wait3A_94, %dma_wait3A_95] : memref<10240x128xf32, #tpu.memory_space<hbm>> -> memref<10240x128xf32, #tpu.memory_space<hbm>>
      tpu.wait_indirect_dma semaphore(%arg12 : memref<!tpu.dma_semaphore, #tpu.memory_space<semaphore_mem>>) src(%dma_wait3A_96 : memref<10240x128xf32, #tpu.memory_space<hbm>>) dst(%arg9 : memref<128x128xf32, #tpu.memory_space<vmem>>)
      %lt3A = arith.constant 19 : i32
      %lt3A_97 = arith.cmpi slt, %scan3A_80, %lt3A : i32
      %convert_element_type3A = arith.extui %lt3A_97 : i1 to i32
      %cond3A = arith.constant 0 : i32
      %cond3A_98 = arith.cmpi ne, %convert_element_type3A, %cond3A : i32
      scf.if %cond3A_98 {
        %add3A_103 = arith.constant 2 : i32
        %add3A_104 = arith.addi %mul3A_82, %add3A_103 : i32
        %dma_start3A_105 = arith.constant 0 : i32
        %dma_start3A_106 = tpu.memref_slice %arg6[%add3A_104, %dma_start3A_105] : memref<40x128xi32, #tpu.memory_space<vmem>> -> memref<1x128xi32, #tpu.memory_space<vmem>>
        %dma_start3A_107 = tpu.memref_squeeze %dma_start3A_106 : memref<1x128xi32, #tpu.memory_space<vmem>> -> memref<128xi32, #tpu.memory_space<vmem>>
        %dma_start3A_108 = arith.constant 0 : i32
        %dma_start3A_109 = arith.constant 0 : i32
        %dma_start3A_110 = tpu.memref_slice %arg4[%dma_start3A_108, %dma_start3A_109] : memref<10240x128xf32, #tpu.memory_space<hbm>> -> memref<10240x128xf32, #tpu.memory_space<hbm>>
        tpu.enqueue_indirect_dma source(%dma_start3A_110 : memref<10240x128xf32, #tpu.memory_space<hbm>>) target(%arg8 : memref<128x128xf32, #tpu.memory_space<vmem>>) offsets(%dma_start3A_107 : memref<128xi32, #tpu.memory_space<vmem>>) semaphore(%arg11 : memref<!tpu.dma_semaphore, #tpu.memory_space<semaphore_mem>>)
        %add3A_111 = arith.constant 1 : i32
        %add3A_112 = arith.addi %mul3A_82, %add3A_111 : i32
        "tpu.region"() ({
          %run_scoped3A = tpu.sem_alloc : memref<!tpu.dma_semaphore, #tpu.memory_space<semaphore_mem>>
          %dma_start3A_119 = arith.constant 0 : i32
          %dma_start3A_120 = tpu.memref_slice %arg7[%add3A_112, %dma_start3A_119] : memref<40x128xi32, #tpu.memory_space<vmem>> -> memref<1x128xi32, #tpu.memory_space<vmem>>
          %dma_start3A_121 = tpu.memref_squeeze %dma_start3A_120 : memref<1x128xi32, #tpu.memory_space<vmem>> -> memref<128xi32, #tpu.memory_space<vmem>>
          %dma_start3A_122 = arith.constant 0 : i32
          %dma_start3A_123 = arith.constant 0 : i32
          %dma_start3A_124 = tpu.memref_slice %arg10[%dma_start3A_122, %dma_start3A_123] : memref<10240x128xf32, #tpu.memory_space<vmem_shared>> -> memref<10240x128xf32, #tpu.memory_space<vmem_shared>>
          tpu.enqueue_indirect_dma source(%arg9 : memref<128x128xf32, #tpu.memory_space<vmem>>) target(%dma_start3A_124 : memref<10240x128xf32, #tpu.memory_space<vmem_shared>>) offsets(%dma_start3A_121 : memref<128xi32, #tpu.memory_space<vmem>>) semaphore(%run_scoped3A : memref<!tpu.dma_semaphore, #tpu.memory_space<semaphore_mem>>) {add = true}
          %dma_wait3A_125 = arith.constant 0 : i32
          %dma_wait3A_126 = tpu.memref_slice %arg7[%add3A_112, %dma_wait3A_125] : memref<40x128xi32, #tpu.memory_space<vmem>> -> memref<1x128xi32, #tpu.memory_space<vmem>>
          %dma_wait3A_127 = tpu.memref_squeeze %dma_wait3A_126 : memref<1x128xi32, #tpu.memory_space<vmem>> -> memref<128xi32, #tpu.memory_space<vmem>>
          %dma_wait3A_128 = arith.constant 0 : i32
          %dma_wait3A_129 = arith.constant 0 : i32
          %dma_wait3A_130 = tpu.memref_slice %arg10[%dma_wait3A_128, %dma_wait3A_129] : memref<10240x128xf32, #tpu.memory_space<vmem_shared>> -> memref<10240x128xf32, #tpu.memory_space<vmem_shared>>
          tpu.wait_indirect_dma semaphore(%run_scoped3A : memref<!tpu.dma_semaphore, #tpu.memory_space<semaphore_mem>>) src(%arg9 : memref<128x128xf32, #tpu.memory_space<vmem>>) dst(%dma_wait3A_130 : memref<10240x128xf32, #tpu.memory_space<vmem_shared>>)
          tpu.yield
        }) : () -> ()
        %dma_wait3A_113 = arith.constant 0 : i32
        %dma_wait3A_114 = tpu.memref_slice %arg6[%add3A_104, %dma_wait3A_113] : memref<40x128xi32, #tpu.memory_space<vmem>> -> memref<1x128xi32, #tpu.memory_space<vmem>>
        %dma_wait3A_115 = tpu.memref_squeeze %dma_wait3A_114 : memref<1x128xi32, #tpu.memory_space<vmem>> -> memref<128xi32, #tpu.memory_space<vmem>>
        %dma_wait3A_116 = arith.constant 0 : i32
        %dma_wait3A_117 = arith.constant 0 : i32
        %dma_wait3A_118 = tpu.memref_slice %arg4[%dma_wait3A_116, %dma_wait3A_117] : memref<10240x128xf32, #tpu.memory_space<hbm>> -> memref<10240x128xf32, #tpu.memory_space<hbm>>
        tpu.wait_indirect_dma semaphore(%arg11 : memref<!tpu.dma_semaphore, #tpu.memory_space<semaphore_mem>>) src(%dma_wait3A_118 : memref<10240x128xf32, #tpu.memory_space<hbm>>) dst(%arg8 : memref<128x128xf32, #tpu.memory_space<vmem>>)
      } else {
      }
      %eq3A = arith.constant 19 : i32
      %eq3A_99 = arith.cmpi eq, %scan3A_80, %eq3A : i32
      %convert_element_type3A_100 = arith.extui %eq3A_99 : i1 to i32
      %cond3A_101 = arith.constant 0 : i32
      %cond3A_102 = arith.cmpi ne, %convert_element_type3A_100, %cond3A_101 : i32
      scf.if %cond3A_102 {
        %add3A_103 = arith.constant 1 : i32
        %add3A_104 = arith.addi %mul3A_82, %add3A_103 : i32
        "tpu.region"() ({
          %run_scoped3A = tpu.sem_alloc : memref<!tpu.dma_semaphore, #tpu.memory_space<semaphore_mem>>
          %dma_start3A_105 = arith.constant 0 : i32
          %dma_start3A_106 = tpu.memref_slice %arg7[%add3A_104, %dma_start3A_105] : memref<40x128xi32, #tpu.memory_space<vmem>> -> memref<1x128xi32, #tpu.memory_space<vmem>>
          %dma_start3A_107 = tpu.memref_squeeze %dma_start3A_106 : memref<1x128xi32, #tpu.memory_space<vmem>> -> memref<128xi32, #tpu.memory_space<vmem>>
          %dma_start3A_108 = arith.constant 0 : i32
          %dma_start3A_109 = arith.constant 0 : i32
          %dma_start3A_110 = tpu.memref_slice %arg10[%dma_start3A_108, %dma_start3A_109] : memref<10240x128xf32, #tpu.memory_space<vmem_shared>> -> memref<10240x128xf32, #tpu.memory_space<vmem_shared>>
          tpu.enqueue_indirect_dma source(%arg9 : memref<128x128xf32, #tpu.memory_space<vmem>>) target(%dma_start3A_110 : memref<10240x128xf32, #tpu.memory_space<vmem_shared>>) offsets(%dma_start3A_107 : memref<128xi32, #tpu.memory_space<vmem>>) semaphore(%run_scoped3A : memref<!tpu.dma_semaphore, #tpu.memory_space<semaphore_mem>>) {add = true}
          %dma_wait3A_111 = arith.constant 0 : i32
          %dma_wait3A_112 = tpu.memref_slice %arg7[%add3A_104, %dma_wait3A_111] : memref<40x128xi32, #tpu.memory_space<vmem>> -> memref<1x128xi32, #tpu.memory_space<vmem>>
          %dma_wait3A_113 = tpu.memref_squeeze %dma_wait3A_112 : memref<1x128xi32, #tpu.memory_space<vmem>> -> memref<128xi32, #tpu.memory_space<vmem>>
          %dma_wait3A_114 = arith.constant 0 : i32
          %dma_wait3A_115 = arith.constant 0 : i32
          %dma_wait3A_116 = tpu.memref_slice %arg10[%dma_wait3A_114, %dma_wait3A_115] : memref<10240x128xf32, #tpu.memory_space<vmem_shared>> -> memref<10240x128xf32, #tpu.memory_space<vmem_shared>>
          tpu.wait_indirect_dma semaphore(%run_scoped3A : memref<!tpu.dma_semaphore, #tpu.memory_space<semaphore_mem>>) src(%arg9 : memref<128x128xf32, #tpu.memory_space<vmem>>) dst(%dma_wait3A_116 : memref<10240x128xf32, #tpu.memory_space<vmem_shared>>)
          tpu.yield
        }) : () -> ()
      } else {
      }
    }
    %scan3A_74 = arith.constant 20 : i32
    %barrier3A_75 = arith.constant 0 : index
    tpu.barrier barrier_id(%barrier3A_75)
    %mul3A_76 = arith.constant 640 : i32
    %mul3A_77 = arith.muli %arg1, %mul3A_76 : i32
    %mul3A_78 = arith.constant 640 : i32
    %mul3A_79 = arith.muli %arg1, %mul3A_78 : i32
    "tpu.region"() ({
      %run_scoped3A = tpu.sem_alloc : memref<!tpu.dma_semaphore, #tpu.memory_space<semaphore_mem>>
      %dma_start3A_80 = arith.constant 0 : i32
      %dma_start3A_81 = tpu.memref_slice %arg5[%arg0, %mul3A_79, %dma_start3A_80] : memref<2x10240x128xf32, #tpu.memory_space<hbm>> -> memref<1x640x128xf32, #tpu.memory_space<hbm>>
      %dma_start3A_82 = tpu.memref_squeeze %dma_start3A_81 : memref<1x640x128xf32, #tpu.memory_space<hbm>> -> memref<640x128xf32, #tpu.memory_space<hbm>>
      %dma_start3A_83 = arith.constant 0 : i32
      %dma_start3A_84 = tpu.memref_slice %arg10[%mul3A_77, %dma_start3A_83] : memref<10240x128xf32, #tpu.memory_space<vmem_shared>> -> memref<640x128xf32, #tpu.memory_space<vmem_shared>>
      tpu.enqueue_dma source(%dma_start3A_84 : memref<640x128xf32, #tpu.memory_space<vmem_shared>>) target(%dma_start3A_82 : memref<640x128xf32, #tpu.memory_space<hbm>>) target_semaphore(%run_scoped3A : memref<!tpu.dma_semaphore, #tpu.memory_space<semaphore_mem>>)
      %dma_wait3A_85 = arith.constant 0 : i32
      %dma_wait3A_86 = tpu.memref_slice %arg5[%arg0, %mul3A_79, %dma_wait3A_85] : memref<2x10240x128xf32, #tpu.memory_space<hbm>> -> memref<1x640x128xf32, #tpu.memory_space<hbm>>
      %dma_wait3A_87 = tpu.memref_squeeze %dma_wait3A_86 : memref<1x640x128xf32, #tpu.memory_space<hbm>> -> memref<640x128xf32, #tpu.memory_space<hbm>>
      %dma_wait3A_88 = arith.constant 0 : i32
      %dma_wait3A_89 = tpu.memref_slice %arg10[%mul3A_77, %dma_wait3A_88] : memref<10240x128xf32, #tpu.memory_space<vmem_shared>> -> memref<640x128xf32, #tpu.memory_space<vmem_shared>>
      tpu.wait_dma2 semaphore(%run_scoped3A : memref<!tpu.dma_semaphore, #tpu.memory_space<semaphore_mem>>) src(%dma_wait3A_89 : memref<640x128xf32, #tpu.memory_space<vmem_shared>>) dst(%dma_wait3A_87 : memref<640x128xf32, #tpu.memory_space<hbm>>)
      tpu.yield
    }) : () -> ()
    return
  }
}

module attributes {stable_mosaic.version = 14 : i64} {
  func.func @body(%arg0: i32, %arg1: memref<1280x518xf32, #tpu.memory_space<vmem>>, %arg2: memref<518x128xf32, #tpu.memory_space<vmem>>, %arg3: memref<1x128xf32, #tpu.memory_space<vmem>>, %arg4: memref<128x128xf32, #tpu.memory_space<vmem>>, %arg5: memref<1x128xf32, #tpu.memory_space<vmem>>, %arg6: memref<128x128xf32, #tpu.memory_space<vmem>>, %arg7: memref<2x1280x16xf32, #tpu.memory_space<vmem>>, %arg8: memref<1280x128xf32, #tpu.memory_space<vmem>>) attributes {dimension_semantics = [#tpu.dimension_semantics<arbitrary>], iteration_bounds = array<i64: 8>, scalar_prefetch = 0 : i64, scratch_operands = 0 : i64, tpu.core_type = #tpu.core_type<tc>, window_params = [{transform_indices = @transform_0, window_bounds = array<i64: 1280, 518>}, {pipeline_mode = #tpu.pipeline_mode<synchronous>, transform_indices = @transform_1, window_bounds = array<i64: 518, 128>}, {pipeline_mode = #tpu.pipeline_mode<synchronous>, transform_indices = @transform_2, window_bounds = array<i64: 1, 128>}, {pipeline_mode = #tpu.pipeline_mode<synchronous>, transform_indices = @transform_3, window_bounds = array<i64: 128, 128>}, {pipeline_mode = #tpu.pipeline_mode<synchronous>, transform_indices = @transform_4, window_bounds = array<i64: 1, 128>}, {pipeline_mode = #tpu.pipeline_mode<synchronous>, transform_indices = @transform_5, window_bounds = array<i64: 128, 128>}, {transform_indices = @transform_6, window_bounds = array<i64: 2, 1280, 16>}, {transform_indices = @transform_7, window_bounds = array<i64: 1280, 128>}]} {
    %get3A = arith.constant 0 : index
    %get3A_0 = arith.constant 0 : index
    %get3A_1 = vector.load %arg1[%get3A, %get3A_0] : memref<1280x518xf32, #tpu.memory_space<vmem>>, vector<1280x518xf32>
    %get3A_2 = arith.constant 0 : index
    %get3A_3 = arith.constant 0 : index
    %get3A_4 = vector.load %arg2[%get3A_2, %get3A_3] : memref<518x128xf32, #tpu.memory_space<vmem>>, vector<518x128xf32>
    %dot_general3A = arith.constant dense<0.000000e+00> : vector<1280x128xf32>
    %dot_general3A_5 = tpu.matmul %get3A_1, %get3A_4, %dot_general3A {dimension_numbers = #tpu.dot_dimension_numbers<[1], [0], [0], [1], [0, 0, 1, 1], [], []>, transpose_lhs_hint = false} : vector<1280x518xf32>, vector<518x128xf32>, vector<1280x128xf32> -> vector<1280x128xf32>
    %get3A_6 = arith.constant 0 : index
    %get3A_7 = arith.constant 0 : index
    %get3A_8 = vector.load %arg3[%get3A_6, %get3A_7] : memref<1x128xf32, #tpu.memory_space<vmem>>, vector<1x128xf32>
    %add3A = vector.broadcast %get3A_8 : vector<1x128xf32> to vector<1280x128xf32>
    %add3A_9 = arith.addf %dot_general3A_5, %add3A : vector<1280x128xf32>
    %max3A = arith.constant 0.000000e+00 : f32
    %max3A_10 = vector.broadcast %max3A : f32 to vector<1280x128xf32>
    %max3A_11 = arith.maximumf %add3A_9, %max3A_10 : vector<1280x128xf32>
    %get3A_12 = arith.constant 0 : index
    %get3A_13 = arith.constant 0 : index
    %get3A_14 = vector.load %arg4[%get3A_12, %get3A_13] : memref<128x128xf32, #tpu.memory_space<vmem>>, vector<128x128xf32>
    %dot_general3A_15 = arith.constant dense<0.000000e+00> : vector<1280x128xf32>
    %dot_general3A_16 = tpu.matmul %max3A_11, %get3A_14, %dot_general3A_15 {dimension_numbers = #tpu.dot_dimension_numbers<[1], [0], [0], [1], [0, 0, 1, 1], [], []>, transpose_lhs_hint = false} : vector<1280x128xf32>, vector<128x128xf32>, vector<1280x128xf32> -> vector<1280x128xf32>
    %get3A_17 = arith.constant 0 : index
    %get3A_18 = arith.constant 0 : index
    %get3A_19 = vector.load %arg5[%get3A_17, %get3A_18] : memref<1x128xf32, #tpu.memory_space<vmem>>, vector<1x128xf32>
    %add3A_20 = vector.broadcast %get3A_19 : vector<1x128xf32> to vector<1280x128xf32>
    %add3A_21 = arith.addf %dot_general3A_16, %add3A_20 : vector<1280x128xf32>
    %get3A_22 = arith.constant 0 : index
    %get3A_23 = arith.constant 0 : index
    %get3A_24 = vector.load %arg6[%get3A_22, %get3A_23] : memref<128x128xf32, #tpu.memory_space<vmem>>, vector<128x128xf32>
    %dot_general3A_25 = arith.constant dense<0.000000e+00> : vector<1280x128xf32>
    %dot_general3A_26 = tpu.matmul %add3A_21, %get3A_24, %dot_general3A_25 {dimension_numbers = #tpu.dot_dimension_numbers<[1], [0], [0], [1], [0, 0, 1, 1], [], []>, transpose_lhs_hint = false} : vector<1280x128xf32>, vector<128x128xf32>, vector<1280x128xf32> -> vector<1280x128xf32>
    %get3A_27 = arith.constant 0 : index
    %get3A_28 = arith.constant 0 : index
    %get3A_29 = arith.constant 0 : index
    %get3A_30 = vector.load %arg7[%get3A_27, %get3A_28, %get3A_29] : memref<2x1280x16xf32, #tpu.memory_space<vmem>>, vector<1x1280x16xf32>
    %get3A_31 = vector.shape_cast %get3A_30 : vector<1x1280x16xf32> to vector<1280x16xf32>
    %get3A_32 = arith.constant 1 : index
    %get3A_33 = arith.constant 0 : index
    %get3A_34 = arith.constant 0 : index
    %get3A_35 = vector.load %arg7[%get3A_32, %get3A_33, %get3A_34] : memref<2x1280x16xf32, #tpu.memory_space<vmem>>, vector<1x1280x16xf32>
    %get3A_36 = vector.shape_cast %get3A_35 : vector<1x1280x16xf32> to vector<1280x16xf32>
    %add3A_37 = arith.addf %get3A_31, %get3A_36 : vector<1280x16xf32>
    %slice3A = vector.extract_strided_slice %add3A_37 {offsets = [0, 0], sizes = [1280, 1], strides = [1, 1]} : vector<1280x16xf32> to vector<1280x1xf32>
    %add3A_38 = arith.constant 1.000000e+00 : f32
    %add3A_39 = vector.broadcast %add3A_38 : f32 to vector<1280x1xf32>
    %add3A_40 = arith.addf %slice3A, %add3A_39 : vector<1280x1xf32>
    %rsqrt3A = math.rsqrt %add3A_40 : vector<1280x1xf32>
    %mul3A = vector.broadcast %rsqrt3A : vector<1280x1xf32> to vector<1280x128xf32>
    %mul3A_41 = arith.mulf %dot_general3A_26, %mul3A : vector<1280x128xf32>
    %swap3A = arith.constant 0 : index
    %swap3A_42 = arith.constant 0 : index
    %swap3A_43 = vector.load %arg8[%swap3A, %swap3A_42] : memref<1280x128xf32, #tpu.memory_space<vmem>>, vector<1280x128xf32>
    tpu.vector_store %arg8[%swap3A, %swap3A_42], %mul3A_41 {strides = array<i32>} : memref<1280x128xf32, #tpu.memory_space<vmem>>, vector<1280x128xf32>,
    return
  }
  func.func @transform_0(%arg0: i32) -> (i32, i32) {
    %c0_i32 = arith.constant 0 : i32
    %c0_i32_0 = arith.constant 0 : i32
    return %arg0, %c0_i32 : i32, i32
  }
  func.func @transform_1(%arg0: i32) -> (i32, i32) {
    %c0_i32 = arith.constant 0 : i32
    %c0_i32_0 = arith.constant 0 : i32
    %c0_i32_1 = arith.constant 0 : i32
    return %c0_i32, %c0_i32_0 : i32, i32
  }
  func.func @transform_2(%arg0: i32) -> (i32, i32) {
    %c0_i32 = arith.constant 0 : i32
    %c0_i32_0 = arith.constant 0 : i32
    %c0_i32_1 = arith.constant 0 : i32
    return %c0_i32, %c0_i32_0 : i32, i32
  }
  func.func @transform_3(%arg0: i32) -> (i32, i32) {
    %c0_i32 = arith.constant 0 : i32
    %c0_i32_0 = arith.constant 0 : i32
    %c0_i32_1 = arith.constant 0 : i32
    return %c0_i32, %c0_i32_0 : i32, i32
  }
  func.func @transform_4(%arg0: i32) -> (i32, i32) {
    %c0_i32 = arith.constant 0 : i32
    %c0_i32_0 = arith.constant 0 : i32
    %c0_i32_1 = arith.constant 0 : i32
    return %c0_i32, %c0_i32_0 : i32, i32
  }
  func.func @transform_5(%arg0: i32) -> (i32, i32) {
    %c0_i32 = arith.constant 0 : i32
    %c0_i32_0 = arith.constant 0 : i32
    %c0_i32_1 = arith.constant 0 : i32
    return %c0_i32, %c0_i32_0 : i32, i32
  }
  func.func @transform_6(%arg0: i32) -> (i32, i32, i32) {
    %c0_i32 = arith.constant 0 : i32
    %c0_i32_0 = arith.constant 0 : i32
    %c0_i32_1 = arith.constant 0 : i32
    return %c0_i32, %arg0, %c0_i32_0 : i32, i32, i32
  }
  func.func @transform_7(%arg0: i32) -> (i32, i32) {
    %c0_i32 = arith.constant 0 : i32
    %c0_i32_0 = arith.constant 0 : i32
    return %arg0, %c0_i32 : i32, i32
  }
}

module attributes {stable_mosaic.version = 14 : i64} {
  func.func @body(%arg0: i32, %arg1: memref<2x1280x128xf32, #tpu.memory_space<vmem>>, %arg2: memref<1280x128xf32, #tpu.memory_space<vmem>>, %arg3: memref<2x1280x16xf32, #tpu.memory_space<vmem>>, %arg4: memref<1x128xf32, #tpu.memory_space<vmem>>, %arg5: memref<128x128xf32, #tpu.memory_space<vmem>>, %arg6: memref<1280x128xf32, #tpu.memory_space<vmem>>) attributes {dimension_semantics = [#tpu.dimension_semantics<arbitrary>], iteration_bounds = array<i64: 8>, scalar_prefetch = 0 : i64, scratch_operands = 0 : i64, tpu.core_type = #tpu.core_type<tc>, window_params = [{transform_indices = @transform_0, window_bounds = array<i64: 2, 1280, 128>}, {transform_indices = @transform_1, window_bounds = array<i64: 1280, 128>}, {transform_indices = @transform_2, window_bounds = array<i64: 2, 1280, 16>}, {pipeline_mode = #tpu.pipeline_mode<synchronous>, transform_indices = @transform_3, window_bounds = array<i64: 1, 128>}, {pipeline_mode = #tpu.pipeline_mode<synchronous>, transform_indices = @transform_4, window_bounds = array<i64: 128, 128>}, {transform_indices = @transform_5, window_bounds = array<i64: 1280, 128>}]} {
    %get3A = arith.constant 0 : index
    %get3A_0 = arith.constant 0 : index
    %get3A_1 = arith.constant 0 : index
    %get3A_2 = vector.load %arg3[%get3A, %get3A_0, %get3A_1] : memref<2x1280x16xf32, #tpu.memory_space<vmem>>, vector<1x1280x16xf32>
    %get3A_3 = vector.shape_cast %get3A_2 : vector<1x1280x16xf32> to vector<1280x16xf32>
    %get3A_4 = arith.constant 1 : index
    %get3A_5 = arith.constant 0 : index
    %get3A_6 = arith.constant 0 : index
    %get3A_7 = vector.load %arg3[%get3A_4, %get3A_5, %get3A_6] : memref<2x1280x16xf32, #tpu.memory_space<vmem>>, vector<1x1280x16xf32>
    %get3A_8 = vector.shape_cast %get3A_7 : vector<1x1280x16xf32> to vector<1280x16xf32>
    %add3A = arith.addf %get3A_3, %get3A_8 : vector<1280x16xf32>
    %slice3A = vector.extract_strided_slice %add3A {offsets = [0, 0], sizes = [1280, 1], strides = [1, 1]} : vector<1280x16xf32> to vector<1280x1xf32>
    %add3A_9 = arith.constant 1.000000e+00 : f32
    %add3A_10 = vector.broadcast %add3A_9 : f32 to vector<1280x1xf32>
    %add3A_11 = arith.addf %slice3A, %add3A_10 : vector<1280x1xf32>
    %rsqrt3A = math.rsqrt %add3A_11 : vector<1280x1xf32>
    %get3A_12 = arith.constant 0 : index
    %get3A_13 = arith.constant 0 : index
    %get3A_14 = arith.constant 0 : index
    %get3A_15 = vector.load %arg1[%get3A_12, %get3A_13, %get3A_14] : memref<2x1280x128xf32, #tpu.memory_space<vmem>>, vector<1x1280x128xf32>
    %get3A_16 = vector.shape_cast %get3A_15 : vector<1x1280x128xf32> to vector<1280x128xf32>
    %get3A_17 = arith.constant 1 : index
    %get3A_18 = arith.constant 0 : index
    %get3A_19 = arith.constant 0 : index
    %get3A_20 = vector.load %arg1[%get3A_17, %get3A_18, %get3A_19] : memref<2x1280x128xf32, #tpu.memory_space<vmem>>, vector<1x1280x128xf32>
    %get3A_21 = vector.shape_cast %get3A_20 : vector<1x1280x128xf32> to vector<1280x128xf32>
    %add3A_22 = arith.addf %get3A_16, %get3A_21 : vector<1280x128xf32>
    %get3A_23 = arith.constant 0 : index
    %get3A_24 = arith.constant 0 : index
    %get3A_25 = vector.load %arg2[%get3A_23, %get3A_24] : memref<1280x128xf32, #tpu.memory_space<vmem>>, vector<1280x128xf32>
    %add3A_26 = arith.addf %add3A_22, %get3A_25 : vector<1280x128xf32>
    %mul3A = vector.broadcast %rsqrt3A : vector<1280x1xf32> to vector<1280x128xf32>
    %mul3A_27 = arith.mulf %mul3A, %add3A_26 : vector<1280x128xf32>
    %get3A_28 = arith.constant 0 : index
    %get3A_29 = arith.constant 0 : index
    %get3A_30 = vector.load %arg4[%get3A_28, %get3A_29] : memref<1x128xf32, #tpu.memory_space<vmem>>, vector<1x128xf32>
    %add3A_31 = vector.broadcast %get3A_30 : vector<1x128xf32> to vector<1280x128xf32>
    %add3A_32 = arith.addf %mul3A_27, %add3A_31 : vector<1280x128xf32>
    %max3A = arith.constant 0.000000e+00 : f32
    %max3A_33 = vector.broadcast %max3A : f32 to vector<1280x128xf32>
    %max3A_34 = arith.maximumf %add3A_32, %max3A_33 : vector<1280x128xf32>
    %get3A_35 = arith.constant 0 : index
    %get3A_36 = arith.constant 0 : index
    %get3A_37 = vector.load %arg5[%get3A_35, %get3A_36] : memref<128x128xf32, #tpu.memory_space<vmem>>, vector<128x128xf32>
    %dot_general3A = arith.constant dense<0.000000e+00> : vector<1280x128xf32>
    %dot_general3A_38 = tpu.matmul %max3A_34, %get3A_37, %dot_general3A {dimension_numbers = #tpu.dot_dimension_numbers<[1], [0], [0], [1], [0, 0, 1, 1], [], []>, transpose_lhs_hint = false} : vector<1280x128xf32>, vector<128x128xf32>, vector<1280x128xf32> -> vector<1280x128xf32>
    %mul3A_39 = vector.broadcast %rsqrt3A : vector<1280x1xf32> to vector<1280x128xf32>
    %mul3A_40 = arith.mulf %dot_general3A_38, %mul3A_39 : vector<1280x128xf32>
    %swap3A = arith.constant 0 : index
    %swap3A_41 = arith.constant 0 : index
    %swap3A_42 = vector.load %arg6[%swap3A, %swap3A_41] : memref<1280x128xf32, #tpu.memory_space<vmem>>, vector<1280x128xf32>
    tpu.vector_store %arg6[%swap3A, %swap3A_41], %mul3A_40 {strides = array<i32>} : memref<1280x128xf32, #tpu.memory_space<vmem>>, vector<1280x128xf32>,
    return
  }
  func.func @transform_0(%arg0: i32) -> (i32, i32, i32) {
    %c0_i32 = arith.constant 0 : i32
    %c0_i32_0 = arith.constant 0 : i32
    %c0_i32_1 = arith.constant 0 : i32
    return %c0_i32, %arg0, %c0_i32_0 : i32, i32, i32
  }
  func.func @transform_1(%arg0: i32) -> (i32, i32) {
    %c0_i32 = arith.constant 0 : i32
    %c0_i32_0 = arith.constant 0 : i32
    return %arg0, %c0_i32 : i32, i32
  }
  func.func @transform_2(%arg0: i32) -> (i32, i32, i32) {
    %c0_i32 = arith.constant 0 : i32
    %c0_i32_0 = arith.constant 0 : i32
    %c0_i32_1 = arith.constant 0 : i32
    return %c0_i32, %arg0, %c0_i32_0 : i32, i32, i32
  }
  func.func @transform_3(%arg0: i32) -> (i32, i32) {
    %c0_i32 = arith.constant 0 : i32
    %c0_i32_0 = arith.constant 0 : i32
    %c0_i32_1 = arith.constant 0 : i32
    return %c0_i32, %c0_i32_0 : i32, i32
  }
  func.func @transform_4(%arg0: i32) -> (i32, i32) {
    %c0_i32 = arith.constant 0 : i32
    %c0_i32_0 = arith.constant 0 : i32
    %c0_i32_1 = arith.constant 0 : i32
    return %c0_i32, %c0_i32_0 : i32, i32
  }
  func.func @transform_5(%arg0: i32) -> (i32, i32) {
    %c0_i32 = arith.constant 0 : i32
    %c0_i32_0 = arith.constant 0 : i32
    return %arg0, %c0_i32 : i32, i32
  }
}

module attributes {stable_mosaic.version = 14 : i64} {
  func.func @body(%arg0: memref<2x10240x128xf32, #tpu.memory_space<vmem>>, %arg1: memref<10240x128xf32, #tpu.memory_space<vmem>>, %arg2: memref<2x10240x16xf32, #tpu.memory_space<vmem>>, %arg3: memref<1x128xf32, #tpu.memory_space<vmem>>, %arg4: memref<128x64xf32, #tpu.memory_space<vmem>>, %arg5: memref<1x64xf32, #tpu.memory_space<vmem>>, %arg6: memref<64x64xf32, #tpu.memory_space<vmem>>, %arg7: memref<1x64xf32, #tpu.memory_space<vmem>>, %arg8: memref<1x64xf32, #tpu.memory_space<vmem>>) attributes {dimension_semantics = [], scalar_prefetch = 0 : i64, scratch_operands = 0 : i64, tpu.core_type = #tpu.core_type<tc>} {
    %get3A = arith.constant 0 : index
    %get3A_0 = arith.constant 0 : index
    %get3A_1 = arith.constant 0 : index
    %get3A_2 = vector.load %arg2[%get3A, %get3A_0, %get3A_1] : memref<2x10240x16xf32, #tpu.memory_space<vmem>>, vector<1x10240x16xf32>
    %get3A_3 = vector.shape_cast %get3A_2 : vector<1x10240x16xf32> to vector<10240x16xf32>
    %get3A_4 = arith.constant 1 : index
    %get3A_5 = arith.constant 0 : index
    %get3A_6 = arith.constant 0 : index
    %get3A_7 = vector.load %arg2[%get3A_4, %get3A_5, %get3A_6] : memref<2x10240x16xf32, #tpu.memory_space<vmem>>, vector<1x10240x16xf32>
    %get3A_8 = vector.shape_cast %get3A_7 : vector<1x10240x16xf32> to vector<10240x16xf32>
    %add3A = arith.addf %get3A_3, %get3A_8 : vector<10240x16xf32>
    %slice3A = vector.extract_strided_slice %add3A {offsets = [0, 0], sizes = [10240, 1], strides = [1, 1]} : vector<10240x16xf32> to vector<10240x1xf32>
    %add3A_9 = arith.constant 1.000000e+00 : f32
    %add3A_10 = vector.broadcast %add3A_9 : f32 to vector<10240x1xf32>
    %add3A_11 = arith.addf %slice3A, %add3A_10 : vector<10240x1xf32>
    %rsqrt3A = math.rsqrt %add3A_11 : vector<10240x1xf32>
    %get3A_12 = arith.constant 0 : index
    %get3A_13 = arith.constant 0 : index
    %get3A_14 = arith.constant 0 : index
    %get3A_15 = vector.load %arg0[%get3A_12, %get3A_13, %get3A_14] : memref<2x10240x128xf32, #tpu.memory_space<vmem>>, vector<1x10240x128xf32>
    %get3A_16 = vector.shape_cast %get3A_15 : vector<1x10240x128xf32> to vector<10240x128xf32>
    %get3A_17 = arith.constant 1 : index
    %get3A_18 = arith.constant 0 : index
    %get3A_19 = arith.constant 0 : index
    %get3A_20 = vector.load %arg0[%get3A_17, %get3A_18, %get3A_19] : memref<2x10240x128xf32, #tpu.memory_space<vmem>>, vector<1x10240x128xf32>
    %get3A_21 = vector.shape_cast %get3A_20 : vector<1x10240x128xf32> to vector<10240x128xf32>
    %add3A_22 = arith.addf %get3A_16, %get3A_21 : vector<10240x128xf32>
    %get3A_23 = arith.constant 0 : index
    %get3A_24 = arith.constant 0 : index
    %get3A_25 = vector.load %arg1[%get3A_23, %get3A_24] : memref<10240x128xf32, #tpu.memory_space<vmem>>, vector<10240x128xf32>
    %add3A_26 = arith.addf %add3A_22, %get3A_25 : vector<10240x128xf32>
    %mul3A = vector.broadcast %rsqrt3A : vector<10240x1xf32> to vector<10240x128xf32>
    %mul3A_27 = arith.mulf %mul3A, %add3A_26 : vector<10240x128xf32>
    %get3A_28 = arith.constant 0 : index
    %get3A_29 = arith.constant 0 : index
    %get3A_30 = vector.load %arg3[%get3A_28, %get3A_29] : memref<1x128xf32, #tpu.memory_space<vmem>>, vector<1x128xf32>
    %add3A_31 = vector.broadcast %get3A_30 : vector<1x128xf32> to vector<10240x128xf32>
    %add3A_32 = arith.addf %mul3A_27, %add3A_31 : vector<10240x128xf32>
    %max3A = arith.constant 0.000000e+00 : f32
    %max3A_33 = vector.broadcast %max3A : f32 to vector<10240x128xf32>
    %max3A_34 = arith.maximumf %add3A_32, %max3A_33 : vector<10240x128xf32>
    %iota3A = tpu.iota {dimensions = array<i32: 0>} : vector<10240x128xi32>
    %lt3A = arith.constant 10000 : i32
    %lt3A_35 = vector.broadcast %lt3A : i32 to vector<10240x128xi32>
    %lt3A_36 = arith.cmpi slt, %iota3A, %lt3A_35 : vector<10240x128xi32>
    %jit3A = arith.constant 0.000000e+00 : f32
    %broadcast_in_dim3A = vector.broadcast %jit3A : f32 to vector<10240x128xf32>
    %select_n3A = arith.select %lt3A_36, %max3A_34, %broadcast_in_dim3A : vector<10240x128xi1>, vector<10240x128xf32>
    %reduce_sum3A = arith.constant dense<0.000000e+00> : vector<128xf32>
    %reduce_sum3A_37 = vector.multi_reduction <add>, %select_n3A, %reduce_sum3A [0] : vector<10240x128xf32> to vector<128xf32>
    %broadcast_in_dim3A_38 = vector.shape_cast %reduce_sum3A_37 : vector<128xf32> to vector<1x128xf32>
    %mul3A_39 = arith.constant 9.99999974E-5 : f32
    %mul3A_40 = vector.broadcast %mul3A_39 : f32 to vector<1x128xf32>
    %mul3A_41 = arith.mulf %broadcast_in_dim3A_38, %mul3A_40 : vector<1x128xf32>
    %get3A_42 = arith.constant 0 : index
    %get3A_43 = arith.constant 0 : index
    %get3A_44 = vector.load %arg4[%get3A_42, %get3A_43] : memref<128x64xf32, #tpu.memory_space<vmem>>, vector<128x64xf32>
    %dot_general3A = arith.constant dense<0.000000e+00> : vector<1x64xf32>
    %dot_general3A_45 = tpu.matmul %mul3A_41, %get3A_44, %dot_general3A {dimension_numbers = #tpu.dot_dimension_numbers<[1], [0], [0], [1], [0, 0, 1, 1], [], []>, transpose_lhs_hint = false} : vector<1x128xf32>, vector<128x64xf32>, vector<1x64xf32> -> vector<1x64xf32>
    %get3A_46 = arith.constant 0 : index
    %get3A_47 = arith.constant 0 : index
    %get3A_48 = vector.load %arg5[%get3A_46, %get3A_47] : memref<1x64xf32, #tpu.memory_space<vmem>>, vector<1x64xf32>
    %add3A_49 = arith.addf %dot_general3A_45, %get3A_48 : vector<1x64xf32>
    %max3A_50 = arith.constant 0.000000e+00 : f32
    %max3A_51 = vector.broadcast %max3A_50 : f32 to vector<1x64xf32>
    %max3A_52 = arith.maximumf %add3A_49, %max3A_51 : vector<1x64xf32>
    %get3A_53 = arith.constant 0 : index
    %get3A_54 = arith.constant 0 : index
    %get3A_55 = vector.load %arg6[%get3A_53, %get3A_54] : memref<64x64xf32, #tpu.memory_space<vmem>>, vector<64x64xf32>
    %dot_general3A_56 = arith.constant dense<0.000000e+00> : vector<1x64xf32>
    %dot_general3A_57 = tpu.matmul %max3A_52, %get3A_55, %dot_general3A_56 {dimension_numbers = #tpu.dot_dimension_numbers<[1], [0], [0], [1], [0, 0, 1, 1], [], []>, transpose_lhs_hint = false} : vector<1x64xf32>, vector<64x64xf32>, vector<1x64xf32> -> vector<1x64xf32>
    %get3A_58 = arith.constant 0 : index
    %get3A_59 = arith.constant 0 : index
    %get3A_60 = vector.load %arg7[%get3A_58, %get3A_59] : memref<1x64xf32, #tpu.memory_space<vmem>>, vector<1x64xf32>
    %add3A_61 = arith.addf %dot_general3A_57, %get3A_60 : vector<1x64xf32>
    %swap3A = arith.constant 0 : index
    %swap3A_62 = arith.constant 0 : index
    %swap3A_63 = vector.load %arg8[%swap3A, %swap3A_62] : memref<1x64xf32, #tpu.memory_space<vmem>>, vector<1x64xf32>
    tpu.vector_store %arg8[%swap3A, %swap3A_62], %add3A_61 {strides = array<i32>} : memref<1x64xf32, #tpu.memory_space<vmem>>, vector<1x64xf32>,
    return
  }
}

</mosaic_0001>

<sc_bundles>
// kernel: kernel.10.cloned.1.call-start
scs
__scs_entry_jumppad:
0x0: {  	(pc) =	sbr.rel $0x88, $3  }
0x1: {  	(tag) =	ssettag $0x0;
	lr =	simm.s32 $0x1  }
0x2: {  	[smem:$0x3F91] =	sst lr;
	_ =	strace $0xD0000000  }
0x3: {  	_ = 	snop  }
0x4: {  	_ = 	snop  }
0x5: {  	_ = 	snop  }
0x6: {  	_ = 	snop  }
0x7: {  	_ = 	snop  }
__scs_overlays_trampoline_lowered:
0x8: {  	[smem:$0x3FA0] =	sst s0  }
0x9: {  	[smem:$0x3FA1] =	sst s1  }
0xa: {  	[smem:$0x3FA2] =	sst s2  }
0xb: {  	[smem:$0x3FA3] =	sst s3  }
0xc: {  	[smem:$0x3FA4] =	sst s4  }
0xd: {  	[smem:$0x3FA5] =	sst s5  }
0xe: {  	[smem:$0x3FA6] =	sst s6  }
0xf: {  	[smem:$0x3FA7] =	sst s7  }
0x10: {  	[smem:$0x3FA8] =	sst s8  }
0x11: {  	[smem:$0x3FA9] =	sst s9;
	s0 =	simm.s32 @!p0 $0x0  }
0x12: {  	s1 =	sld [smem:$0x3F8F];
	s0 =	simm.s32 @p0 $0x1  }
0x13: {  	[smem:$0x3FAA] =	sst s0;
	s0 =	simm.s32 @!p1 $0x0  }
0x14: {  	s2 =	sld [smem:$0x3F8E];
	s0 =	simm.s32 @p1 $0x1  }
0x15: {  	[smem:$0x3FAB] =	sst s0;
	s0 =	simm.s32 @!p2 $0x0  }
0x16: {  	s3 =	sld [smem:$0x3FDB];
	s0 =	simm.s32 @p2 $0x1  }
0x17: {  	s4 =	simm.s32 $0x1BF5;
	[smem:$0x3FAD] =	sst s0  }
0x18: {  	s0 =	sld [smem:$0x3F90];
	_ =	swait.ge [sflag:s4], $0x0  }
0x19: {  	s7 =	sld [smem:$0x3F91]  }
0x1a: {  	s8 =	sadd.s32 $0xFFFFE003, lr  }
0x1b: {  	s9 =	sadd.s32 $0xFFFFFEF7, lr;
	s5 =	simm.s32 $0xFFFFFFFF;
	p2 =	slt.u32 s8, $0xFFFFF086  }
0x1c: {  	p1 =	slt.u32 s9, $0xF7A;
	s5 =	simm.s32 @!p2 $0x0  }
0x1d: {  	s5 =	simm.s32 @p1 $0x1;
	p0 =	seq.s32 s7, s2  }
0x1e: {  	s7 =	smul.u32 @!p0 $0xF7A, s2;
	p2 =	seq.s32 @!p0 s5, $0x0  }
0x1f: {  	s9 =	smul.u32 $0xF7A, s1;
	s8 =	simm.s32 @!p0 $0x1BF5;
	p2 =	por !p2, p0  }
0x20: {  	[sflag:s8] =	ssyncset.s32 @!p0 $0xFFFFF086;
	s6 =	sadd.s32 @!p0 s3, s7;
	s7 =	simm.s32 @!p0 $0x108  }
0x21: {  	s3 =	sadd.s32 s3, s9;
	s6 =	sadd.s32 @!p0 $0x88, s6;
	s7 =	simm.s32 @p2 $0x1082  }
0x22: {  	[simem:s7], [sflag:s8] =	dma.local @!p0 [hbm:s6], $0xF7A  }
0x23: {  	s9 =	sor.u32 $0xD0000000, s2;
	s6 =	simm.s32 $0x108;
	_ =	swait.ge @!p0 [sflag:s8], $0x0  }
0x24: {  	s3 =	sadd.s32 $0x88, s3;
	s6 =	simm.s32 @!p1 $0x1082;
	[sflag:s4] =	ssyncset.s32 $0xFFFFF086  }
0x25: {  	[simem:s6], [sflag:s4] =	dma.local [hbm:s3], $0xF7A  }
0x26: {  	[smem:$0x3F91] =	sst s1;
	(tag) =	ssettag s2;
	_ =	strace s9  }
0x27: {  	s1 =	sld [smem:$0x3FA1]  }
0x28: {  	s2 =	sld [smem:$0x3FA2]  }
0x29: {  	s4 =	sld [smem:$0x3FA4]  }
0x2a: {  	p0 =	seq.s32 s5, $0x0;
	s5 =	sld [smem:$0x3FA5]  }
0x2b: {  	s6 =	sld [smem:$0x3FA6]  }
0x2c: {  	s7 =	sld [smem:$0x3FA7]  }
0x2d: {  	s3 =	simm.s32 $0x108;
	s8 =	sld [smem:$0x3FA8]  }
0x2e: {  	s3 =	simm.s32 @!p0 $0x1082;
	s9 =	sld [smem:$0x3FA9]  }
0x2f: {  	lr =	sadd.s32 s0, s3;
	s0 =	sld [smem:$0x3FA0]  }
0x30: {  	s3 =	sld [smem:$0x3FA3]  }
0x31: {  	[smem:$0x3FAC] =	sst s10  }
0x32: {  	s10 =	sld [smem:$0x3FAA];
	_ =	sdelay $0x3  }
0x33: {  	p0 =	seq.s32 s10, $0x1;
	s10 =	sld [smem:$0x3FAC];
	_ =	sdelay $0x3  }
0x34: {  	[smem:$0x3FAC] =	sst s10  }
0x35: {  	s10 =	sld [smem:$0x3FAB];
	_ =	sdelay $0x3  }
0x36: {  	p1 =	seq.s32 s10, $0x1;
	s10 =	sld [smem:$0x3FAC];
	_ =	sdelay $0x3  }
0x37: {  	[smem:$0x3FAC] =	sst s10  }
0x38: {  	s10 =	sld [smem:$0x3FAD]  }
0x39: {  	_ = 	snop;
	(pc) =	sbr.ind lr, $3  }
0x3a: {  	_ = 	snop  }
0x3b: {  	_ = 	snop  }
0x3c: {  	p2 =	seq.s32 s10, $0x1;
	s10 =	sld [smem:$0x3FAC]  }
0x3d: {  	_ =	shalt  }
0x3e: {  	_ =	shalt  }
0x3f: {  	_ =	shalt  }
0x40: {  	_ =	shalt  }
0x41: {  	_ =	shalt  }
0x42: {  	_ =	shalt  }
0x43: {  	_ =	shalt  }
0x44: {  	_ =	shalt  }
0x45: {  	_ =	shalt  }
0x46: {  	_ =	shalt  }
0x47: {  	_ =	shalt  }
0x48: {  	_ =	shalt  }
0x49: {  	_ =	shalt  }
0x4a: {  	_ =	shalt  }
0x4b: {  	_ =	shalt  }
0x4c: {  	_ =	shalt  }
0x4d: {  	_ =	shalt  }
0x4e: {  	_ =	shalt  }
0x4f: {  	_ =	shalt  }
0x50: {  	_ =	shalt  }
0x51: {  	_ =	shalt  }
0x52: {  	_ =	shalt  }
0x53: {  	_ =	shalt  }
0x54: {  	_ =	shalt  }
0x55: {  	_ =	shalt  }
0x56: {  	_ =	shalt  }
0x57: {  	_ =	shalt  }
0x58: {  	_ =	shalt  }
0x59: {  	_ =	shalt  }
0x5a: {  	_ =	shalt  }
0x5b: {  	_ =	shalt  }
0x5c: {  	_ =	shalt  }
0x5d: {  	_ =	shalt  }
0x5e: {  	_ =	shalt  }
0x5f: {  	_ =	shalt  }
0x60: {  	_ =	shalt  }
0x61: {  	_ =	shalt  }
0x62: {  	_ =	shalt  }
0x63: {  	_ =	shalt  }
0x64: {  	_ =	shalt  }
0x65: {  	_ =	shalt  }
0x66: {  	_ =	shalt  }
0x67: {  	_ =	shalt  }
0x68: {  	_ =	shalt  }
0x69: {  	_ =	shalt  }
0x6a: {  	_ =	shalt  }
0x6b: {  	_ =	shalt  }
0x6c: {  	_ =	shalt  }
0x6d: {  	_ =	shalt  }
0x6e: {  	_ =	shalt  }
0x6f: {  	_ =	shalt  }
0x70: {  	_ =	shalt  }
0x71: {  	_ =	shalt  }
0x72: {  	_ =	shalt  }
0x73: {  	_ =	shalt  }
0x74: {  	_ =	shalt  }
0x75: {  	_ =	shalt  }
0x76: {  	_ =	shalt  }
0x77: {  	_ =	shalt  }
0x78: {  	_ =	shalt  }
0x79: {  	_ =	shalt  }
0x7a: {  	_ =	shalt  }
0x7b: {  	_ =	shalt  }
0x7c: {  	_ =	shalt  }
0x7d: {  	_ =	shalt  }
0x7e: {  	_ =	shalt  }
0x7f: {  	_ =	shalt  }
0x80: {  	_ =	shalt  }
0x81: {  	_ =	shalt  }
0x82: {  	_ =	shalt  }
0x83: {  	_ =	shalt  }
0x84: {  	_ =	shalt  }
0x85: {  	_ =	shalt  }
0x86: {  	_ =	shalt  }
0x87: {  	_ =	shalt  }
.Lfunc_end0:
.L_simem_size_0:
called_computation_lowered:
.L_overlay_start_0:
0x88: {  	s2 =	sld [smem:$0x3FD9]  }
0x89: {  	s3 =	sld [smem:$0x3FFE];
	_ =	sdelay $0x1  }
0x8a: {  	s1 =	srdreg.scid  }
0x8b: {  	s0 =	sand.u32 $0x1, s1  }
0x8c: {  	s16 =	sshll.u32 s0, $0xA;
	s2 =	sadd.s32 s3, s2  }
0x8d: {  	s2 =	sadd.s32 s2, s16  }
0x8e: {  	[smem:$0x3FB8] =	sst s2  }
0x8f: {  	_ = 	snop  }
0x90: {  	(tm) =	ssettm $0x1  }
0x91: {  	s17 =	sld [smem:$0x3FFB];
	_ =	sdelay $0x3  }
0x92: {  	_ =	strace s17  }
0x93: {  	s2 =	sld [smem:$0x3FFC];
	_ =	sdelay $0x3  }
0x94: {  	_ =	strace s2  }
0x95: {  	s2 =	sld [smem:$0x3FFD];
	_ =	sdelay $0x3  }
0x96: {  	_ =	strace s2  }
0x97: {  	_ =	strace $0x8FFFFFFF  }
0x98: {  	s18 =	sld [smem:$0x3FDB];
	_ =	sdelay $0x1  }
0x99: {  	s19 =	simm.s32 $_scs_section_size  }
0x9a: {  	s4 =	simm.s32 $_size__tile_overlayer_lowered;
	s5 =	simm.s32 $_tile_overlayer_lowered  }
0x9b: {  	s22 =	simm.s32 $0x1BFF;
	s21 =	sshll.u32 s5, $0x1;
	s2 =	sadd.s32 s19, s18  }
0x9c: {  	s6 =	simm.s32 $0x0;
	s20 =	sshll.u32 s4, $0x1;
	s4 =	sadd.s32 s21, s2  }
0x9d: {  	[timem:s6], [sflag:s22] =	dma.local [hbm:s4], s20  }
0x9e: {  	_ =	swait.ge [sflag:s22], s20  }
0x9f: {  	s3 =	ssub.s32 $0x0, s20;
	[sflag:s22] =	ssyncset.done $0x0  }
0xa0: {  	[sflag:s22] =	ssyncadd.s32 s3;
	_ =	sdelay $0x1  }
0xa1: {  	s23 =	simm.s32 $0x1B8B  }
0xa2: {  	_ =	swait.ge [sflag:s23], $0x1  }
0xa3: {  	[sflag:s23] =	ssyncset.done $0x0  }
0xa4: {  	s25 =	simm.s32 $0x1B8E;
	s24 =	sld [smem:$0x3FFE];
	[sflag:s23] =	ssyncadd.s32 $0xFFFFFFFF  }
0xa5: {  	s26 =	simm.s32 $execute0_lowered;
	[smem:$0x3FD2] =	sst s25  }
0xa6: {  	s4 =	sshll.u32 s26, $0x1;
	_ =	strace $0x80000046;
	[dreg:$0x1] =	wrdreg $0xFFFFFFFF  }
0xa7: {  	s28 =	simm.s32 $_size_execute0_lowered;
	s2 =	sadd.s32 s2, s4;
	[dreg:$0x0] =	wrdreg $0x0  }
0xa8: {  	s4 =	sshll.u32 s28, $0x1;
	[dreg:$0x2] =	wrdreg s2  }
0xa9: {  	[dreg:$0x3] =	wrdreg s4  }
0xaa: {  	[dreg:$0x4] =	wrdreg $0xC0  }
0xab: {  	_ =	task [dreg:s6], $0x5FFFF  }
0xac: {  	[dreg:$0x1] =	wrdreg $0xFFFFFFFF  }
0xad: {  	[dreg:$0x0] =	wrdreg $0x60  }
0xae: {  	[dreg:$0x2] =	wrdreg s24  }
0xaf: {  	[dreg:$0x3] =	wrdreg $0x68000  }
0xb0: {  	[dreg:$0x4] =	wrdreg $0x9  }
0xb1: {  	_ =	task.clear_ibuf [dreg:s6], $0x5FFFF;
	_ =	strace $0x90000046  }
0xb2: {  	s29 =	simm.s32 $0x9;
	_ =	strace $0x80000048  }
0xb3: {  	_ =	swait.ge [sflag:s29], $0x1  }
0xb4: {  	[sflag:s29] =	ssyncadd.s32 $0xFFFFFFFF  }
0xb5: {  	_ =	strace $0x90000048  }
0xb6: {  	_ =	sfence  }
0xb7: {  	s30 =	sld [smem:$0x0];
	_ =	sdelay $0x2  }
0xb8: {  	s31 =	sshll.u32 s1, $0xD;
	s1 =	sshrl.u32 s1, $0x2  }
0xb9: {  	s3 =	sand.u32 $0x4000, s31;
	s1 =	sadd.s32 s1, s30  }
0xba: {  	s0 =	sor.u32 s3, s0;
	s1 =	sshll.u32 s1, $0x11  }
0xbb: {  	s0 =	sor.u32 s1, s0  }
0xbc: {  	s0 =	sadd.s32 $0x8F2B, s0  }
0xbd: {  	[sflag:s0] =	ssyncadd.remote.s32 $0x1  }
0xbe: {  	_ =	sfence.sel $0xFFFF  }
0xbf: {  	[dreg:$0x0] =	wrdreg $0xFFFFFFFF;
	(pc) =	sbr.abs _section_cstart, $3  }
0xc0: {  	[dreg:$0x1] =	wrdreg $0xFFFFFFFF  }
0xc1: {  	_ =	task.clear_ibuf [dreg:s6], $0x2FFFF;
	_ =	strace $0x9FFFFFFF  }
0xc2: {  	(tm) =	ssettm $0x7FFFFFFF  }
0xc3: {  	_ =	shalt  }
tec
execute0_lowered:
.L_overlay_start_1:
0x0: {  	(tag) =	ssettag $0x1  }
0x1: {  	s0 =	srdreg.scid;
	s5 =	rddreg [dreg:$0x0]  }
0x2: {  	s2 =	rddreg [dreg:$0x1];
	s3 =	simm.s32 $0x0;
	s12 =	simm.s32 $0x1  }
0x3: {  	s13 =	simm.s32 $0x2800;
	s14 =	simm.s32 $0x80;
	s4 =	sand.u32 $0x1, s0  }
0x4: {  	s17 =	simm.s32 $0x0;
	s0 =	stileid.u32;
	s7 =	smul.u32 $0x140000, s4  }
0x5: {  	[smem:$0x7FF] =	sst s3;
	s1 =	sshll.u32 s4, $0x4;
	s8 =	smul.u32 $0x14000, s0  }
0x6: {  	s9 =	smul.u32 $0x50000, s0;
	s29 =	ssub.s32 $0x2, s4;
	s15 =	sshll.u32 s0, $0x6  }
0x7: {  	s1 =	sor.u32 s0, s1;
	s31 =	sshrl.u32 s29, $0x1;
	s15 =	sor.u32 $0x1C01, s15  }
0x8: {  	s6 =	smul.u32 $0x500, s1;
	s1 =	rddreg [dreg:$0x2];
	_ =	strace $0x80000047  }
0x9: {  	s7 =	sadd.s32 s8, s7;
	s30 =	sshrl.u32 s9, $0x2;
	s11 =	ssub.s32 s29, s31  }
0xa: {  	s7 =	sshrl.u32 s7, $0x3;
	s4 =	sadd.s32 s30, s2;
	s11 =	smax.u32 s11, $0x1  }
0xb: {  	s6 =	sadd.s32 s6, s5;
	s10 =	sadd.s32 s7, s5;
	s7 =	sadd.s32 $0x8000, s4  }
0xc: {  	s8 =	sadd.s32 $0xC000, s4;
	s9 =	sadd.s32 $0x10000, s4;
	s16 =	sshrl.u32 s4, $0x3  }
0xd: {  	v0 =	vimm.f32 $0.0e+00;
	v1 =	vimm.f32 $1.000000000e+00;
	s5 =	sadd.s32 $0xF800, s6;
	s6 =	sadd.s32 $0x4000, s4;
	s10 =	sadd.s32 $0x19800, s10  }
.LBB2_1:
0xe: {  	[tilespmem:s3], [sflag:$0x1] =	stream.linear.gather [hbm4b:s5+s3], $0x2800, $0x38;
	[tilespmem:$0x9000] =	vst v63  }
0xf: {  	_ =	swait.ge [sflag:s12], $0x2800  }
0x10: {  	[sflag:s12] =	ssyncset.done $0x0  }
0x11: {  	s18 =	simm.s32 $0x200;
	s19 =	simm.s32 $0x0;
	[sflag:s12] =	ssyncadd.s32 $0xFFFFD800  }
.LBB2_2:
0x12: {  	p0 =	sne.s32 s18, $0xFE00;
	[tilespmem:s19+$0x2800] =	vst v0;
	s19 =	smov.u32 s18;
	s18 =	sadd.s32 $0x200, s18  }
.Ltmp0:
0x13: {  	(pc) =	sbr.rel @p0 .LBB2_2-.Ltmp0, $2  }
0x14: {  	_ =	sdelay $0x2  }
0x15: {  	s19 =	sshra.s32 s19, $0x2  }
0x16: {  	[tilespmem:s19+$0x2800] =	vst v0  }
0x17: {  	[spmem:s4] =	stream.linear.scatter [tilespmem:s13], [sflag:$0x1], $0x4000, $0x38;
	[tilespmem:$0x9000] =	vst v63  }
0x18: {  	_ =	swait.ge [sflag:s12], $0x4000  }
0x19: {  	[sflag:s12] =	ssyncset.done $0x0  }
0x1a: {  	[sflag:s12] =	ssyncadd.s32 $0xFFFFC000  }
0x1b: {  	[spmem:s6] =	stream.linear.scatter [tilespmem:s13], [sflag:$0x1], $0x4000, $0x38;
	[tilespmem:$0x9000] =	vst v63  }
0x1c: {  	_ =	swait.ge [sflag:s12], $0x4000  }
0x1d: {  	[sflag:s12] =	ssyncset.done $0x0  }
0x1e: {  	[sflag:s12] =	ssyncadd.s32 $0xFFFFC000  }
0x1f: {  	[spmem:s7] =	stream.linear.scatter [tilespmem:s13], [sflag:$0x1], $0x4000, $0x38;
	[tilespmem:$0x9000] =	vst v63  }
0x20: {  	_ =	swait.ge [sflag:s12], $0x4000  }
0x21: {  	[sflag:s12] =	ssyncset.done $0x0  }
0x22: {  	[sflag:s12] =	ssyncadd.s32 $0xFFFFC000  }
0x23: {  	[spmem:s8] =	stream.linear.scatter [tilespmem:s13], [sflag:$0x1], $0x4000, $0x38;
	[tilespmem:$0x9000] =	vst v63  }
0x24: {  	_ =	swait.ge [sflag:s12], $0x4000  }
0x25: {  	[sflag:s12] =	ssyncset.done $0x0  }
0x26: {  	[sflag:s12] =	ssyncadd.s32 $0xFFFFC000  }
0x27: {  	[spmem:s9] =	stream.linear.scatter [tilespmem:s13], [sflag:$0x1], $0x4000, $0x38;
	[tilespmem:$0x9000] =	vst v63  }
0x28: {  	_ =	swait.ge [sflag:s12], $0x4000  }
0x29: {  	[sflag:s12] =	ssyncset.done $0x0  }
0x2a: {  	s18 =	simm.s32 $0x200;
	s19 =	simm.s32 $0x0;
	[sflag:s12] =	ssyncadd.s32 $0xFFFFC000  }
.LBB2_4:
0x2b: {  	p0 =	sne.s32 s18, $0xFE00;
	[tilespmem:s19+$0x2800] =	vst v1;
	s19 =	smov.u32 s18;
	s18 =	sadd.s32 $0x200, s18  }
.Ltmp1:
0x2c: {  	(pc) =	sbr.rel @p0 .LBB2_4-.Ltmp1, $2  }
0x2d: {  	_ =	sdelay $0x2  }
0x2e: {  	s19 =	sshra.s32 s19, $0x2  }
0x2f: {  	[tilespmem:s19+$0x2800] =	vst v1  }
0x30: {  	s18 =	simm.s32 $0x0;
	[bflag:$0x0] =	sbarrier.arrive $0xFFFF  }
0x31: {  	[spmem:s2] =	stream.indirect.scatter.add.f32 [tilespmem:s13], [sflag:$0x1], $0x10, s18, s14, $0xb8;
	[tilespmem:$0x9000] =	vst v63  }
0x32: {  	_ =	swait.ge [sflag:s12], $0x800  }
0x33: {  	s18 =	simm.s32 $0x200;
	[sflag:s12] =	ssyncset.done $0x0  }
.LBB2_6:
0x34: {  	s19 =	sshra.s32 s18, $0x2;
	[sflag:s12] =	ssyncadd.s32 $0xFFFFF800;
	p0 =	sne.s32 s18, $0x9E00  }
0x35: {  	[spmem:s2] =	stream.indirect.scatter.add.f32 [tilespmem:s13], [sflag:$0x1], $0x10, s19, s14, $0xb8;
	[tilespmem:$0x9000] =	vst v63  }
.Ltmp2:
0x36: {  	_ = 	snop;
	(pc) =	sbr.rel @p0 .LBB2_6-.Ltmp2, $4  }
0x37: {  	_ = 	snop  }
0x38: {  	s18 =	sadd.s32 $0x200, s18  }
0x39: {  	_ =	swait.ge [sflag:s12], $0x800  }
0x3a: {  	[sflag:s12] =	ssyncset.done $0x0  }
0x3b: {  	s17 =	sadd.s32 $0x1, s17  }
0x3c: {  	[sflag:s12] =	ssyncadd.s32 $0xFFFFF800;
	p0 =	sne.s32 s17, s11  }
.Ltmp3:
0x3d: {  	[bflag:$0x0] =	sbarrier.arrive $0xFFFF;
	(pc) =	sbr.rel @p0 .LBB2_1-.Ltmp3, $4  }
0x3e: {  	[hbm:s10], [sflag:s15] =	dma.local [spmem:s16], $0x2800  }
0x3f: {  	_ =	swait.ge [sflag:s12], $0x2800  }
0x40: {  	[sflag:s12] =	ssyncset.done $0x0  }
0x41: {  	[sflag:s12] =	ssyncadd.s32 $0xFFFFD800  }
0x42: {  	_ =	sfence.sel $0x180000  }
0x43: {  	[bflag:$0x0] =	sbarrier.arrive $0xFFFF  }
0x44: {  	p0 =	sne.s32 s0, $0x0;
	_ =	strace $0x90000047  }
0x45: {  	s0 =	sadd.s32 @!p0 $0x100000, s1;
	[bflag:$0x2] =	sbarrier.arrive $0xFFFF  }
0x46: {  	[sflag:s0] =	ssyncadd.tile.s32 @!p0 $0x1;
	_ =	shalt  }
.Lfunc_end2:
_tile_overlayer_lowered:
.L_overlay_start_2:
0x47: {  	(tag) =	ssettag $0x2  }
0x48: {  	s0 =	rddreg [dreg:$0x0];
	s2 =	stileid.u32  }
0x49: {  	s1 =	rddreg [dreg:$0x1];
	p0 =	sne.s32 s2, $0x0  }
0x4a: {  	s3 =	rddreg [dreg:$0x2];
	[bflag:$0x3] =	sbarrier.arrive $0xFFFF;
	s2 =	simm.s32 @!p0 $0x1C01  }
0x4b: {  	[timem:s3], [sflag:s2] =	dma.local @!p0 [hbm:s0], s1  }
0x4c: {  	s0 =	simm.s32 @!p0 $0x1  }
0x4d: {  	_ =	swait.ge @!p0 [sflag:s0], s1  }
0x4e: {  	s1 =	ssub.s32 @!p0 $0x0, s1;
	[sflag:s0] =	ssyncset.done @!p0 $0x0  }
0x4f: {  	[sflag:s0] =	ssyncadd.s32 @!p0 s1  }
0x50: {  	[bflag:$0x3] =	sbarrier.arrive $0xFFFF  }
0x51: {  	_ =	shalt  }

// kernel: kernel.13.cloned.1.call-start
scs
__scs_entry_jumppad:
0x0: {  	(pc) =	sbr.rel $0x88, $3  }
0x1: {  	(tag) =	ssettag $0x0;
	lr =	simm.s32 $0x1  }
0x2: {  	[smem:$0x3F91] =	sst lr;
	_ =	strace $0xD0000000  }
0x3: {  	_ = 	snop  }
0x4: {  	_ = 	snop  }
0x5: {  	_ = 	snop  }
0x6: {  	_ = 	snop  }
0x7: {  	_ = 	snop  }
__scs_overlays_trampoline_lowered:
0x8: {  	[smem:$0x3FA0] =	sst s0  }
0x9: {  	[smem:$0x3FA1] =	sst s1  }
0xa: {  	[smem:$0x3FA2] =	sst s2  }
0xb: {  	[smem:$0x3FA3] =	sst s3  }
0xc: {  	[smem:$0x3FA4] =	sst s4  }
0xd: {  	[smem:$0x3FA5] =	sst s5  }
0xe: {  	[smem:$0x3FA6] =	sst s6  }
0xf: {  	[smem:$0x3FA7] =	sst s7  }
0x10: {  	[smem:$0x3FA8] =	sst s8  }
0x11: {  	[smem:$0x3FA9] =	sst s9;
	s0 =	simm.s32 @!p0 $0x0  }
0x12: {  	s1 =	sld [smem:$0x3F8F];
	s0 =	simm.s32 @p0 $0x1  }
0x13: {  	[smem:$0x3FAA] =	sst s0;
	s0 =	simm.s32 @!p1 $0x0  }
0x14: {  	s2 =	sld [smem:$0x3F8E];
	s0 =	simm.s32 @p1 $0x1  }
0x15: {  	[smem:$0x3FAB] =	sst s0;
	s0 =	simm.s32 @!p2 $0x0  }
0x16: {  	s3 =	sld [smem:$0x3FDB];
	s0 =	simm.s32 @p2 $0x1  }
0x17: {  	s4 =	simm.s32 $0x1BF5;
	[smem:$0x3FAD] =	sst s0  }
0x18: {  	s0 =	sld [smem:$0x3F90];
	_ =	swait.ge [sflag:s4], $0x0  }
0x19: {  	s7 =	sld [smem:$0x3F91]  }
0x1a: {  	s8 =	sadd.s32 $0xFFFFE003, lr  }
0x1b: {  	s9 =	sadd.s32 $0xFFFFFEF7, lr;
	s5 =	simm.s32 $0xFFFFFFFF;
	p2 =	slt.u32 s8, $0xFFFFF086  }
0x1c: {  	p1 =	slt.u32 s9, $0xF7A;
	s5 =	simm.s32 @!p2 $0x0  }
0x1d: {  	s5 =	simm.s32 @p1 $0x1;
	p0 =	seq.s32 s7, s2  }
0x1e: {  	s7 =	smul.u32 @!p0 $0xF7A, s2;
	p2 =	seq.s32 @!p0 s5, $0x0  }
0x1f: {  	s9 =	smul.u32 $0xF7A, s1;
	s8 =	simm.s32 @!p0 $0x1BF5;
	p2 =	por !p2, p0  }
0x20: {  	[sflag:s8] =	ssyncset.s32 @!p0 $0xFFFFF086;
	s6 =	sadd.s32 @!p0 s3, s7;
	s7 =	simm.s32 @!p0 $0x108  }
0x21: {  	s3 =	sadd.s32 s3, s9;
	s6 =	sadd.s32 @!p0 $0x88, s6;
	s7 =	simm.s32 @p2 $0x1082  }
0x22: {  	[simem:s7], [sflag:s8] =	dma.local @!p0 [hbm:s6], $0xF7A  }
0x23: {  	s9 =	sor.u32 $0xD0000000, s2;
	s6 =	simm.s32 $0x108;
	_ =	swait.ge @!p0 [sflag:s8], $0x0  }
0x24: {  	s3 =	sadd.s32 $0x88, s3;
	s6 =	simm.s32 @!p1 $0x1082;
	[sflag:s4] =	ssyncset.s32 $0xFFFFF086  }
0x25: {  	[simem:s6], [sflag:s4] =	dma.local [hbm:s3], $0xF7A  }
0x26: {  	[smem:$0x3F91] =	sst s1;
	(tag) =	ssettag s2;
	_ =	strace s9  }
0x27: {  	s1 =	sld [smem:$0x3FA1]  }
0x28: {  	s2 =	sld [smem:$0x3FA2]  }
0x29: {  	s4 =	sld [smem:$0x3FA4]  }
0x2a: {  	p0 =	seq.s32 s5, $0x0;
	s5 =	sld [smem:$0x3FA5]  }
0x2b: {  	s6 =	sld [smem:$0x3FA6]  }
0x2c: {  	s7 =	sld [smem:$0x3FA7]  }
0x2d: {  	s3 =	simm.s32 $0x108;
	s8 =	sld [smem:$0x3FA8]  }
0x2e: {  	s3 =	simm.s32 @!p0 $0x1082;
	s9 =	sld [smem:$0x3FA9]  }
0x2f: {  	lr =	sadd.s32 s0, s3;
	s0 =	sld [smem:$0x3FA0]  }
0x30: {  	s3 =	sld [smem:$0x3FA3]  }
0x31: {  	[smem:$0x3FAC] =	sst s10  }
0x32: {  	s10 =	sld [smem:$0x3FAA];
	_ =	sdelay $0x3  }
0x33: {  	p0 =	seq.s32 s10, $0x1;
	s10 =	sld [smem:$0x3FAC];
	_ =	sdelay $0x3  }
0x34: {  	[smem:$0x3FAC] =	sst s10  }
0x35: {  	s10 =	sld [smem:$0x3FAB];
	_ =	sdelay $0x3  }
0x36: {  	p1 =	seq.s32 s10, $0x1;
	s10 =	sld [smem:$0x3FAC];
	_ =	sdelay $0x3  }
0x37: {  	[smem:$0x3FAC] =	sst s10  }
0x38: {  	s10 =	sld [smem:$0x3FAD]  }
0x39: {  	_ = 	snop;
	(pc) =	sbr.ind lr, $3  }
0x3a: {  	_ = 	snop  }
0x3b: {  	_ = 	snop  }
0x3c: {  	p2 =	seq.s32 s10, $0x1;
	s10 =	sld [smem:$0x3FAC]  }
0x3d: {  	_ =	shalt  }
0x3e: {  	_ =	shalt  }
0x3f: {  	_ =	shalt  }
0x40: {  	_ =	shalt  }
0x41: {  	_ =	shalt  }
0x42: {  	_ =	shalt  }
0x43: {  	_ =	shalt  }
0x44: {  	_ =	shalt  }
0x45: {  	_ =	shalt  }
0x46: {  	_ =	shalt  }
0x47: {  	_ =	shalt  }
0x48: {  	_ =	shalt  }
0x49: {  	_ =	shalt  }
0x4a: {  	_ =	shalt  }
0x4b: {  	_ =	shalt  }
0x4c: {  	_ =	shalt  }
0x4d: {  	_ =	shalt  }
0x4e: {  	_ =	shalt  }
0x4f: {  	_ =	shalt  }
0x50: {  	_ =	shalt  }
0x51: {  	_ =	shalt  }
0x52: {  	_ =	shalt  }
0x53: {  	_ =	shalt  }
0x54: {  	_ =	shalt  }
0x55: {  	_ =	shalt  }
0x56: {  	_ =	shalt  }
0x57: {  	_ =	shalt  }
0x58: {  	_ =	shalt  }
0x59: {  	_ =	shalt  }
0x5a: {  	_ =	shalt  }
0x5b: {  	_ =	shalt  }
0x5c: {  	_ =	shalt  }
0x5d: {  	_ =	shalt  }
0x5e: {  	_ =	shalt  }
0x5f: {  	_ =	shalt  }
0x60: {  	_ =	shalt  }
0x61: {  	_ =	shalt  }
0x62: {  	_ =	shalt  }
0x63: {  	_ =	shalt  }
0x64: {  	_ =	shalt  }
0x65: {  	_ =	shalt  }
0x66: {  	_ =	shalt  }
0x67: {  	_ =	shalt  }
0x68: {  	_ =	shalt  }
0x69: {  	_ =	shalt  }
0x6a: {  	_ =	shalt  }
0x6b: {  	_ =	shalt  }
0x6c: {  	_ =	shalt  }
0x6d: {  	_ =	shalt  }
0x6e: {  	_ =	shalt  }
0x6f: {  	_ =	shalt  }
0x70: {  	_ =	shalt  }
0x71: {  	_ =	shalt  }
0x72: {  	_ =	shalt  }
0x73: {  	_ =	shalt  }
0x74: {  	_ =	shalt  }
0x75: {  	_ =	shalt  }
0x76: {  	_ =	shalt  }
0x77: {  	_ =	shalt  }
0x78: {  	_ =	shalt  }
0x79: {  	_ =	shalt  }
0x7a: {  	_ =	shalt  }
0x7b: {  	_ =	shalt  }
0x7c: {  	_ =	shalt  }
0x7d: {  	_ =	shalt  }
0x7e: {  	_ =	shalt  }
0x7f: {  	_ =	shalt  }
0x80: {  	_ =	shalt  }
0x81: {  	_ =	shalt  }
0x82: {  	_ =	shalt  }
0x83: {  	_ =	shalt  }
0x84: {  	_ =	shalt  }
0x85: {  	_ =	shalt  }
0x86: {  	_ =	shalt  }
0x87: {  	_ =	shalt  }
.Lfunc_end0:
.L_simem_size_0:
called_computation.1_lowered:
.L_overlay_start_0:
0x88: {  	s2 =	sld [smem:$0x3FD9]  }
0x89: {  	s3 =	sld [smem:$0x3FFE];
	_ =	sdelay $0x1  }
0x8a: {  	s1 =	srdreg.scid  }
0x8b: {  	s0 =	sand.u32 $0x1, s1  }
0x8c: {  	s16 =	sshll.u32 s0, $0xA;
	s2 =	sadd.s32 s3, s2  }
0x8d: {  	s2 =	sadd.s32 s2, s16  }
0x8e: {  	[smem:$0x3FB8] =	sst s2  }
0x8f: {  	_ = 	snop  }
0x90: {  	(tm) =	ssettm $0x1  }
0x91: {  	s17 =	sld [smem:$0x3FFB];
	_ =	sdelay $0x3  }
0x92: {  	_ =	strace s17  }
0x93: {  	s2 =	sld [smem:$0x3FFC];
	_ =	sdelay $0x3  }
0x94: {  	_ =	strace s2  }
0x95: {  	s2 =	sld [smem:$0x3FFD];
	_ =	sdelay $0x3  }
0x96: {  	_ =	strace s2  }
0x97: {  	_ =	strace $0x8FFFFFFF  }
0x98: {  	s18 =	sld [smem:$0x3FDB];
	_ =	sdelay $0x1  }
0x99: {  	s19 =	simm.s32 $_scs_section_size  }
0x9a: {  	s4 =	simm.s32 $_size__tile_overlayer_lowered;
	s5 =	simm.s32 $_tile_overlayer_lowered  }
0x9b: {  	s22 =	simm.s32 $0x1BFF;
	s21 =	sshll.u32 s5, $0x1;
	s2 =	sadd.s32 s19, s18  }
0x9c: {  	s6 =	simm.s32 $0x0;
	s20 =	sshll.u32 s4, $0x1;
	s4 =	sadd.s32 s21, s2  }
0x9d: {  	[timem:s6], [sflag:s22] =	dma.local [hbm:s4], s20  }
0x9e: {  	_ =	swait.ge [sflag:s22], s20  }
0x9f: {  	s3 =	ssub.s32 $0x0, s20;
	[sflag:s22] =	ssyncset.done $0x0  }
0xa0: {  	[sflag:s22] =	ssyncadd.s32 s3;
	_ =	sdelay $0x1  }
0xa1: {  	s23 =	simm.s32 $0x1B8B  }
0xa2: {  	_ =	swait.ge [sflag:s23], $0x1  }
0xa3: {  	[sflag:s23] =	ssyncset.done $0x0  }
0xa4: {  	s25 =	simm.s32 $0x1B8E;
	s24 =	sld [smem:$0x3FFE];
	[sflag:s23] =	ssyncadd.s32 $0xFFFFFFFF  }
0xa5: {  	s26 =	simm.s32 $execute0_lowered;
	[smem:$0x3FD2] =	sst s25  }
0xa6: {  	s4 =	sshll.u32 s26, $0x1;
	_ =	strace $0x80000049;
	[dreg:$0x1] =	wrdreg $0xFFFFFFFF  }
0xa7: {  	s28 =	simm.s32 $_size_execute0_lowered;
	s2 =	sadd.s32 s2, s4;
	[dreg:$0x0] =	wrdreg $0x0  }
0xa8: {  	s4 =	sshll.u32 s28, $0x1;
	[dreg:$0x2] =	wrdreg s2  }
0xa9: {  	[dreg:$0x3] =	wrdreg s4  }
0xaa: {  	[dreg:$0x4] =	wrdreg $0xC0  }
0xab: {  	_ =	task [dreg:s6], $0x5FFFF  }
0xac: {  	[dreg:$0x1] =	wrdreg $0xFFFFFFFF  }
0xad: {  	[dreg:$0x0] =	wrdreg $0x60  }
0xae: {  	[dreg:$0x2] =	wrdreg s24  }
0xaf: {  	[dreg:$0x3] =	wrdreg $0xA8000  }
0xb0: {  	[dreg:$0x4] =	wrdreg $0x9  }
0xb1: {  	_ =	task.clear_ibuf [dreg:s6], $0x5FFFF;
	_ =	strace $0x90000049  }
0xb2: {  	s29 =	simm.s32 $0x9;
	_ =	strace $0x8000004B  }
0xb3: {  	_ =	swait.ge [sflag:s29], $0x1  }
0xb4: {  	[sflag:s29] =	ssyncadd.s32 $0xFFFFFFFF  }
0xb5: {  	_ =	strace $0x9000004B  }
0xb6: {  	_ =	sfence  }
0xb7: {  	s30 =	sld [smem:$0x0];
	_ =	sdelay $0x2  }
0xb8: {  	s31 =	sshll.u32 s1, $0xD;
	s1 =	sshrl.u32 s1, $0x2  }
0xb9: {  	s3 =	sand.u32 $0x4000, s31;
	s1 =	sadd.s32 s1, s30  }
0xba: {  	s0 =	sor.u32 s3, s0;
	s1 =	sshll.u32 s1, $0x11  }
0xbb: {  	s0 =	sor.u32 s1, s0  }
0xbc: {  	s0 =	sadd.s32 $0x8F2B, s0  }
0xbd: {  	[sflag:s0] =	ssyncadd.remote.s32 $0x1  }
0xbe: {  	_ =	sfence.sel $0xFFFF  }
0xbf: {  	[dreg:$0x0] =	wrdreg $0xFFFFFFFF;
	(pc) =	sbr.abs _section_cstart, $3  }
0xc0: {  	[dreg:$0x1] =	wrdreg $0xFFFFFFFF  }
0xc1: {  	_ =	task.clear_ibuf [dreg:s6], $0x2FFFF;
	_ =	strace $0x9FFFFFFF  }
0xc2: {  	(tm) =	ssettm $0x7FFFFFFF  }
0xc3: {  	_ =	shalt  }
tec
execute0_lowered:
.L_overlay_start_1:
0x0: {  	(tag) =	ssettag $0x1  }
0x1: {  	s5 =	rddreg [dreg:$0x0]  }
0x2: {  	s1 =	rddreg [dreg:$0x1];
	s2 =	srdreg.scid;
	s3 =	simm.s32 $0x0  }
0x3: {  	s17 =	simm.s32 $0x3;
	s18 =	simm.s32 $0x1400;
	s19 =	simm.s32 $0x80  }
0x4: {  	s20 =	simm.s32 $0x1;
	s21 =	simm.s32 $0x6800;
	s22 =	simm.s32 $0x4  }
0x5: {  	s23 =	simm.s32 $0x2;
	s24 =	simm.s32 $0x1380;
	s25 =	simm.s32 $0x2700  }
0x6: {  	s26 =	simm.s32 $0x2780;
	s6 =	sand.u32 $0x1, s2;
	s2 =	stileid.u32  }
0x7: {  	[smem:$0x7FF] =	sst s3;
	s12 =	sadd.s32 $0x5800, s5;
	s4 =	smul.u32 $0x140000, s6  }
0x8: {  	s13 =	sadd.s32 $0xF800, s5;
	s7 =	smul.u32 $0x14000, s2;
	_ =	strace $0x8000004A  }
0x9: {  	s8 =	smul.u32 $0x50000, s2;
	s29 =	ssub.s32 $0x2, s6;
	s6 =	sshll.u32 s6, $0x4  }
0xa: {  	s30 =	sshrl.u32 s29, $0x1;
	s9 =	sor.u32 s2, s6;
	s7 =	sadd.s32 s7, s4  }
0xb: {  	s4 =	sadd.s32 $0x69800, s5;
	s31 =	sshrl.u32 s8, $0x2;
	s10 =	smul.u32 $0x2800, s9  }
0xc: {  	s15 =	ssub.s32 s29, s30;
	s11 =	smul.u32 $0x500, s9;
	s7 =	sshrl.u32 s7, $0x3  }
0xd: {  	s15 =	smax.u32 s15, $0x1;
	s14 =	sadd.s32 s7, s5;
	s5 =	sadd.s32 s31, s1  }
0xe: {  	s16 =	sshrl.u32 s10, $0x3;
	s10 =	sadd.s32 s12, s11;
	s11 =	sadd.s32 s13, s11  }
0xf: {  	s6 =	sadd.s32 $0x4000, s5;
	s7 =	sadd.s32 $0x8000, s5;
	s8 =	sadd.s32 $0xC000, s5  }
0x10: {  	s9 =	sadd.s32 $0x10000, s5;
	s16 =	sadd.s32 $0x280, s16;
	s14 =	sadd.s32 $0x91800, s14  }
0x11: {  	v0 =	vimm.f32 $0.0e+00;
	s12 =	sadd.s32 s12, s16;
	s13 =	sadd.s32 s13, s16;
	s16 =	simm.s32 $0x2800  }
.LBB2_1:
0x12: {  	s28 =	simm.s32 $0x0;
	s29 =	simm.s32 $0x200  }
.LBB2_2:
0x13: {  	p0 =	sne.s32 s29, $0xFE00;
	[tilespmem:s28+$0x2870] =	vst v0  }
0x14: {  	[tilespmem:s28+$0x2800] =	vst v0  }
0x15: {  	[tilespmem:s28+$0x2810] =	vst v0  }
.Ltmp0:
0x16: {  	[tilespmem:s28+$0x2820] =	vst v0;
	(pc) =	sbr.rel @p0 .LBB2_2-.Ltmp0, $4  }
0x17: {  	[tilespmem:s28+$0x2830] =	vst v0  }
0x18: {  	[tilespmem:s28+$0x2840] =	vst v0  }
0x19: {  	[tilespmem:s28+$0x2850] =	vst v0  }
0x1a: {  	[tilespmem:s28+$0x2860] =	vst v0;
	s28 =	sshra.s32 s29, $0x2;
	s29 =	sadd.s32 $0x200, s29  }
0x1b: {  	[tilespmem:s28+$0x2870] =	vst v0  }
0x1c: {  	[tilespmem:s28+$0x2800] =	vst v0  }
0x1d: {  	[tilespmem:s28+$0x2810] =	vst v0  }
0x1e: {  	[tilespmem:s28+$0x2820] =	vst v0  }
0x1f: {  	[tilespmem:s28+$0x2830] =	vst v0  }
0x20: {  	[tilespmem:s28+$0x2840] =	vst v0  }
0x21: {  	[tilespmem:s28+$0x2850] =	vst v0  }
0x22: {  	[tilespmem:s28+$0x2860] =	vst v0  }
0x23: {  	[spmem:s5] =	stream.linear.scatter [tilespmem:s16], [sflag:$0x3], $0x4000, $0x38;
	[tilespmem:$0x1E800] =	vst v63  }
0x24: {  	_ =	swait.ge [sflag:s17], $0x4000  }
0x25: {  	[sflag:s17] =	ssyncset.done $0x0  }
0x26: {  	[sflag:s17] =	ssyncadd.s32 $0xFFFFC000  }
0x27: {  	[spmem:s6] =	stream.linear.scatter [tilespmem:s16], [sflag:$0x3], $0x4000, $0x38;
	[tilespmem:$0x1E800] =	vst v63  }
0x28: {  	_ =	swait.ge [sflag:s17], $0x4000  }
0x29: {  	[sflag:s17] =	ssyncset.done $0x0  }
0x2a: {  	[sflag:s17] =	ssyncadd.s32 $0xFFFFC000  }
0x2b: {  	[spmem:s7] =	stream.linear.scatter [tilespmem:s16], [sflag:$0x3], $0x4000, $0x38;
	[tilespmem:$0x1E800] =	vst v63  }
0x2c: {  	_ =	swait.ge [sflag:s17], $0x4000  }
0x2d: {  	[sflag:s17] =	ssyncset.done $0x0  }
0x2e: {  	[sflag:s17] =	ssyncadd.s32 $0xFFFFC000  }
0x2f: {  	[spmem:s8] =	stream.linear.scatter [tilespmem:s16], [sflag:$0x3], $0x4000, $0x38;
	[tilespmem:$0x1E800] =	vst v63  }
0x30: {  	_ =	swait.ge [sflag:s17], $0x4000  }
0x31: {  	[sflag:s17] =	ssyncset.done $0x0  }
0x32: {  	[sflag:s17] =	ssyncadd.s32 $0xFFFFC000  }
0x33: {  	[spmem:s9] =	stream.linear.scatter [tilespmem:s16], [sflag:$0x3], $0x4000, $0x38;
	[tilespmem:$0x1E800] =	vst v63  }
0x34: {  	_ =	swait.ge [sflag:s17], $0x4000  }
0x35: {  	[sflag:s17] =	ssyncset.done $0x0  }
0x36: {  	[sflag:s17] =	ssyncadd.s32 $0xFFFFC000  }
0x37: {  	s28 =	simm.s32 $0x0;
	[bflag:$0x0] =	sbarrier.arrive $0xFFFF  }
0x38: {  	[tilespmem:s28], [sflag:$0x3] =	stream.linear.gather [hbm4b:s10+s28], $0x1400, $0x38;
	[tilespmem:$0x1E800] =	vst v63  }
0x39: {  	_ =	swait.ge [sflag:s17], $0x1400  }
0x3a: {  	[sflag:s17] =	ssyncset.done $0x0  }
0x3b: {  	[sflag:s17] =	ssyncadd.s32 $0xFFFFEC00  }
0x3c: {  	[tilespmem:s18], [sflag:$0x3] =	stream.linear.gather [hbm4b:s11+s28], $0x1400, $0x38;
	[tilespmem:$0x1E800] =	vst v63  }
0x3d: {  	_ =	swait.ge [sflag:s17], $0x1400  }
0x3e: {  	[sflag:s17] =	ssyncset.done $0x0  }
0x3f: {  	[sflag:s17] =	ssyncadd.s32 $0xFFFFEC00  }
0x40: {  	[tilespmem:s16], [sflag:$0x1] =	stream.indirect.gather [hbm4b:s4+s19], $0x80, s28, s19, $0xb8;
	[tilespmem:$0x1E800] =	vst v63  }
0x41: {  	_ =	swait.ge [sflag:s20], $0x4000  }
0x42: {  	[sflag:s20] =	ssyncset.done $0x0  }
0x43: {  	s28 =	simm.s32 $0x80;
	[sflag:s20] =	ssyncadd.s32 $0xFFFFC000  }
0x44: {  	[tilespmem:s21], [sflag:$0x2] =	stream.indirect.gather [hbm4b:s4+s19], $0x80, s28, s19, $0xb8;
	[tilespmem:$0x1E800] =	vst v63  }
0x45: {  	s28 =	simm.s32 $0x1400  }
0x46: {  	[spmem:s1] =	stream.indirect.scatter.add.f32 [tilespmem:s16], [sflag:$0x4], $0x80, s28, s19, $0xb8;
	[tilespmem:$0x1E800] =	vst v63  }
0x47: {  	_ =	swait.ge [sflag:s22], $0x4000  }
0x48: {  	[sflag:s22] =	ssyncset.done $0x0  }
0x49: {  	[sflag:s22] =	ssyncadd.s32 $0xFFFFC000  }
0x4a: {  	_ =	swait.ge [sflag:s23], $0x4000  }
0x4b: {  	[sflag:s23] =	ssyncset.done $0x0  }
0x4c: {  	s28 =	simm.s32 $0x100;
	[sflag:s23] =	ssyncadd.s32 $0xFFFFC000  }
0x4d: {  	[tilespmem:s16], [sflag:$0x1] =	stream.indirect.gather [hbm4b:s4+s19], $0x80, s28, s19, $0xb8;
	[tilespmem:$0x1E800] =	vst v63  }
0x4e: {  	s28 =	simm.s32 $0x1480  }
0x4f: {  	[spmem:s1] =	stream.indirect.scatter.add.f32 [tilespmem:s21], [sflag:$0x4], $0x80, s28, s19, $0xb8;
	[tilespmem:$0x1E800] =	vst v63  }
0x50: {  	_ =	swait.ge [sflag:s22], $0x4000  }
0x51: {  	[sflag:s22] =	ssyncset.done $0x0  }
0x52: {  	[sflag:s22] =	ssyncadd.s32 $0xFFFFC000  }
0x53: {  	_ =	swait.ge [sflag:s20], $0x4000  }
0x54: {  	s29 =	simm.s32 $0x800;
	s28 =	simm.s32 $0x100;
	[sflag:s20] =	ssyncset.done $0x0  }
.LBB2_4:
0x55: {  	s30 =	sadd.s32 $0x80, s28  }
0x56: {  	[sflag:s20] =	ssyncadd.s32 $0xFFFFC000;
	s31 =	smov.u32 s29;
	s0 =	sadd.s32 $0x400, s29  }
0x57: {  	[tilespmem:s21], [sflag:$0x2] =	stream.indirect.gather [hbm4b:s4+s19], $0x80, s30, s19, $0xb8;
	[tilespmem:$0x1E800] =	vst v63  }
0x58: {  	p0 =	sne.s32 s29, $0x4800;
	s29 =	sadd.s32 $0x1400, s28  }
0x59: {  	[spmem:s1] =	stream.indirect.scatter.add.f32 [tilespmem:s16], [sflag:$0x4], $0x80, s29, s19, $0xb8;
	[tilespmem:$0x1E800] =	vst v63  }
0x5a: {  	_ =	swait.ge [sflag:s22], $0x4000  }
0x5b: {  	[sflag:s22] =	ssyncset.done $0x0  }
0x5c: {  	[sflag:s22] =	ssyncadd.s32 $0xFFFFC000  }
0x5d: {  	_ =	swait.ge [sflag:s23], $0x4000  }
0x5e: {  	[sflag:s23] =	ssyncset.done $0x0  }
0x5f: {  	s29 =	sadd.s32 $0x100, s28;
	[sflag:s23] =	ssyncadd.s32 $0xFFFFC000  }
0x60: {  	[tilespmem:s16], [sflag:$0x1] =	stream.indirect.gather [hbm4b:s4+s19], $0x80, s29, s19, $0xb8;
	[tilespmem:$0x1E800] =	vst v63  }
0x61: {  	s28 =	sadd.s32 $0x1480, s28  }
0x62: {  	[spmem:s1] =	stream.indirect.scatter.add.f32 [tilespmem:s21], [sflag:$0x4], $0x80, s28, s19, $0xb8;
	[tilespmem:$0x1E800] =	vst v63  }
.Ltmp1:
0x63: {  	_ =	swait.ge [sflag:s22], $0x4000;
	(pc) =	sbr.rel @p0 .LBB2_4-.Ltmp1, $4  }
0x64: {  	[sflag:s22] =	ssyncset.done $0x0  }
0x65: {  	[sflag:s22] =	ssyncadd.s32 $0xFFFFC000  }
0x66: {  	_ =	swait.ge [sflag:s20], $0x4000  }
0x67: {  	s29 =	smov.u32 s0;
	s28 =	sshra.s32 s31, $0x2;
	[sflag:s20] =	ssyncset.done $0x0  }
0x68: {  	s0 =	sadd.s32 $0x80, s28;
	[sflag:s20] =	ssyncadd.s32 $0xFFFFC000  }
0x69: {  	[tilespmem:s21], [sflag:$0x2] =	stream.indirect.gather [hbm4b:s4+s19], $0x80, s0, s19, $0xb8;
	[tilespmem:$0x1E800] =	vst v63  }
0x6a: {  	s30 =	sadd.s32 $0x1400, s28  }
0x6b: {  	[spmem:s1] =	stream.indirect.scatter.add.f32 [tilespmem:s16], [sflag:$0x4], $0x80, s30, s19, $0xb8;
	[tilespmem:$0x1E800] =	vst v63  }
0x6c: {  	_ =	swait.ge [sflag:s22], $0x4000  }
0x6d: {  	[sflag:s22] =	ssyncset.done $0x0  }
0x6e: {  	[sflag:s22] =	ssyncadd.s32 $0xFFFFC000  }
0x6f: {  	_ =	swait.ge [sflag:s23], $0x4000  }
0x70: {  	[sflag:s23] =	ssyncset.done $0x0  }
0x71: {  	s31 =	sadd.s32 $0x100, s28;
	[sflag:s23] =	ssyncadd.s32 $0xFFFFC000  }
0x72: {  	[tilespmem:s16], [sflag:$0x1] =	stream.indirect.gather [hbm4b:s4+s19], $0x80, s31, s19, $0xb8;
	[tilespmem:$0x1E800] =	vst v63  }
0x73: {  	s30 =	sadd.s32 $0x1480, s28  }
0x74: {  	[spmem:s1] =	stream.indirect.scatter.add.f32 [tilespmem:s21], [sflag:$0x4], $0x80, s30, s19, $0xb8;
	[tilespmem:$0x1E800] =	vst v63  }
0x75: {  	_ =	swait.ge [sflag:s22], $0x4000  }
0x76: {  	[sflag:s22] =	ssyncset.done $0x0  }
0x77: {  	[sflag:s22] =	ssyncadd.s32 $0xFFFFC000  }
0x78: {  	_ =	swait.ge [sflag:s20], $0x4000  }
0x79: {  	[sflag:s20] =	ssyncset.done $0x0  }
0x7a: {  	[sflag:s20] =	ssyncadd.s32 $0xFFFFC000  }
0x7b: {  	[tilespmem:s21], [sflag:$0x2] =	stream.indirect.gather [hbm4b:s4+s19], $0x80, s24, s19, $0xb8;
	[tilespmem:$0x1E800] =	vst v63  }
0x7c: {  	_ = 	snop  }
0x7d: {  	[spmem:s1] =	stream.indirect.scatter.add.f32 [tilespmem:s16], [sflag:$0x4], $0x80, s25, s19, $0xb8;
	[tilespmem:$0x1E800] =	vst v63  }
0x7e: {  	_ =	swait.ge [sflag:s22], $0x4000  }
0x7f: {  	[sflag:s22] =	ssyncset.done $0x0  }
0x80: {  	[sflag:s22] =	ssyncadd.s32 $0xFFFFC000  }
0x81: {  	_ =	swait.ge [sflag:s23], $0x4000  }
0x82: {  	[sflag:s23] =	ssyncset.done $0x0  }
0x83: {  	[sflag:s23] =	ssyncadd.s32 $0xFFFFC000  }
0x84: {  	[spmem:s1] =	stream.indirect.scatter.add.f32 [tilespmem:s21], [sflag:$0x3], $0x80, s26, s19, $0xb8;
	[tilespmem:$0x1E800] =	vst v63  }
0x85: {  	_ =	swait.ge [sflag:s17], $0x4000  }
0x86: {  	[sflag:s17] =	ssyncset.done $0x0  }
0x87: {  	s31 =	simm.s32 $0x0;
	[sflag:s17] =	ssyncadd.s32 $0xFFFFC000  }
0x88: {  	[tilespmem:s31], [sflag:$0x3] =	stream.linear.gather [hbm4b:s12+s31], $0x1400, $0x38;
	[tilespmem:$0x1E800] =	vst v63  }
0x89: {  	_ =	swait.ge [sflag:s17], $0x1400  }
0x8a: {  	[sflag:s17] =	ssyncset.done $0x0  }
0x8b: {  	[sflag:s17] =	ssyncadd.s32 $0xFFFFEC00  }
0x8c: {  	[tilespmem:s18], [sflag:$0x3] =	stream.linear.gather [hbm4b:s13+s31], $0x1400, $0x38;
	[tilespmem:$0x1E800] =	vst v63  }
0x8d: {  	_ =	swait.ge [sflag:s17], $0x1400  }
0x8e: {  	[sflag:s17] =	ssyncset.done $0x0  }
0x8f: {  	[sflag:s17] =	ssyncadd.s32 $0xFFFFEC00  }
0x90: {  	[tilespmem:s16], [sflag:$0x1] =	stream.indirect.gather [hbm4b:s4+s19], $0x80, s31, s19, $0xb8;
	[tilespmem:$0x1E800] =	vst v63  }
0x91: {  	_ =	swait.ge [sflag:s20], $0x4000  }
0x92: {  	[sflag:s20] =	ssyncset.done $0x0  }
0x93: {  	s30 =	simm.s32 $0x80;
	[sflag:s20] =	ssyncadd.s32 $0xFFFFC000  }
0x94: {  	[tilespmem:s21], [sflag:$0x2] =	stream.indirect.gather [hbm4b:s4+s19], $0x80, s30, s19, $0xb8;
	[tilespmem:$0x1E800] =	vst v63  }
0x95: {  	s31 =	simm.s32 $0x1400  }
0x96: {  	[spmem:s1] =	stream.indirect.scatter.add.f32 [tilespmem:s16], [sflag:$0x4], $0x80, s31, s19, $0xb8;
	[tilespmem:$0x1E800] =	vst v63  }
0x97: {  	_ =	swait.ge [sflag:s22], $0x4000  }
0x98: {  	[sflag:s22] =	ssyncset.done $0x0  }
0x99: {  	[sflag:s22] =	ssyncadd.s32 $0xFFFFC000  }
0x9a: {  	_ =	swait.ge [sflag:s23], $0x4000  }
0x9b: {  	[sflag:s23] =	ssyncset.done $0x0  }
0x9c: {  	s30 =	simm.s32 $0x100;
	[sflag:s23] =	ssyncadd.s32 $0xFFFFC000  }
0x9d: {  	[tilespmem:s16], [sflag:$0x1] =	stream.indirect.gather [hbm4b:s4+s19], $0x80, s30, s19, $0xb8;
	[tilespmem:$0x1E800] =	vst v63  }
0x9e: {  	s31 =	simm.s32 $0x1480  }
0x9f: {  	[spmem:s1] =	stream.indirect.scatter.add.f32 [tilespmem:s21], [sflag:$0x4], $0x80, s31, s19, $0xb8;
	[tilespmem:$0x1E800] =	vst v63  }
0xa0: {  	_ =	swait.ge [sflag:s22], $0x4000  }
0xa1: {  	[sflag:s22] =	ssyncset.done $0x0  }
0xa2: {  	[sflag:s22] =	ssyncadd.s32 $0xFFFFC000  }
0xa3: {  	_ =	swait.ge [sflag:s20], $0x4000  }
0xa4: {  	s29 =	simm.s32 $0x800;
	s28 =	simm.s32 $0x100;
	[sflag:s20] =	ssyncset.done $0x0  }
.LBB2_6:
0xa5: {  	s0 =	sadd.s32 $0x80, s28  }
0xa6: {  	[sflag:s20] =	ssyncadd.s32 $0xFFFFC000;
	s30 =	smov.u32 s29;
	s31 =	sadd.s32 $0x400, s29  }
0xa7: {  	[tilespmem:s21], [sflag:$0x2] =	stream.indirect.gather [hbm4b:s4+s19], $0x80, s0, s19, $0xb8;
	[tilespmem:$0x1E800] =	vst v63  }
0xa8: {  	p0 =	sne.s32 s29, $0x4800;
	s0 =	sadd.s32 $0x1400, s28  }
0xa9: {  	[spmem:s1] =	stream.indirect.scatter.add.f32 [tilespmem:s16], [sflag:$0x4], $0x80, s0, s19, $0xb8;
	[tilespmem:$0x1E800] =	vst v63  }
0xaa: {  	_ =	swait.ge [sflag:s22], $0x4000  }
0xab: {  	[sflag:s22] =	ssyncset.done $0x0  }
0xac: {  	[sflag:s22] =	ssyncadd.s32 $0xFFFFC000  }
0xad: {  	_ =	swait.ge [sflag:s23], $0x4000  }
0xae: {  	[sflag:s23] =	ssyncset.done $0x0  }
0xaf: {  	s0 =	sadd.s32 $0x100, s28;
	[sflag:s23] =	ssyncadd.s32 $0xFFFFC000  }
0xb0: {  	[tilespmem:s16], [sflag:$0x1] =	stream.indirect.gather [hbm4b:s4+s19], $0x80, s0, s19, $0xb8;
	[tilespmem:$0x1E800] =	vst v63  }
0xb1: {  	s0 =	sadd.s32 $0x1480, s28  }
0xb2: {  	[spmem:s1] =	stream.indirect.scatter.add.f32 [tilespmem:s21], [sflag:$0x4], $0x80, s0, s19, $0xb8;
	[tilespmem:$0x1E800] =	vst v63  }
.Ltmp2:
0xb3: {  	_ =	swait.ge [sflag:s22], $0x4000;
	(pc) =	sbr.rel @p0 .LBB2_6-.Ltmp2, $4  }
0xb4: {  	[sflag:s22] =	ssyncset.done $0x0  }
0xb5: {  	[sflag:s22] =	ssyncadd.s32 $0xFFFFC000  }
0xb6: {  	_ =	swait.ge [sflag:s20], $0x4000  }
0xb7: {  	s29 =	smov.u32 s31;
	s28 =	sshra.s32 s30, $0x2;
	[sflag:s20] =	ssyncset.done $0x0  }
0xb8: {  	s0 =	sadd.s32 $0x80, s28;
	[sflag:s20] =	ssyncadd.s32 $0xFFFFC000  }
0xb9: {  	[tilespmem:s21], [sflag:$0x2] =	stream.indirect.gather [hbm4b:s4+s19], $0x80, s0, s19, $0xb8;
	[tilespmem:$0x1E800] =	vst v63  }
0xba: {  	s30 =	sadd.s32 $0x1400, s28  }
0xbb: {  	[spmem:s1] =	stream.indirect.scatter.add.f32 [tilespmem:s16], [sflag:$0x4], $0x80, s30, s19, $0xb8;
	[tilespmem:$0x1E800] =	vst v63  }
0xbc: {  	_ =	swait.ge [sflag:s22], $0x4000  }
0xbd: {  	[sflag:s22] =	ssyncset.done $0x0  }
0xbe: {  	[sflag:s22] =	ssyncadd.s32 $0xFFFFC000  }
0xbf: {  	_ =	swait.ge [sflag:s23], $0x4000  }
0xc0: {  	[sflag:s23] =	ssyncset.done $0x0  }
0xc1: {  	s31 =	sadd.s32 $0x100, s28;
	[sflag:s23] =	ssyncadd.s32 $0xFFFFC000  }
0xc2: {  	[tilespmem:s16], [sflag:$0x1] =	stream.indirect.gather [hbm4b:s4+s19], $0x80, s31, s19, $0xb8;
	[tilespmem:$0x1E800] =	vst v63  }
0xc3: {  	s29 =	sadd.s32 $0x1480, s28  }
0xc4: {  	[spmem:s1] =	stream.indirect.scatter.add.f32 [tilespmem:s21], [sflag:$0x4], $0x80, s29, s19, $0xb8;
	[tilespmem:$0x1E800] =	vst v63  }
0xc5: {  	_ =	swait.ge [sflag:s22], $0x4000  }
0xc6: {  	[sflag:s22] =	ssyncset.done $0x0  }
0xc7: {  	[sflag:s22] =	ssyncadd.s32 $0xFFFFC000  }
0xc8: {  	_ =	swait.ge [sflag:s20], $0x4000  }
0xc9: {  	[sflag:s20] =	ssyncset.done $0x0  }
0xca: {  	[sflag:s20] =	ssyncadd.s32 $0xFFFFC000  }
0xcb: {  	[tilespmem:s21], [sflag:$0x2] =	stream.indirect.gather [hbm4b:s4+s19], $0x80, s24, s19, $0xb8;
	[tilespmem:$0x1E800] =	vst v63  }
0xcc: {  	_ = 	snop  }
0xcd: {  	[spmem:s1] =	stream.indirect.scatter.add.f32 [tilespmem:s16], [sflag:$0x4], $0x80, s25, s19, $0xb8;
	[tilespmem:$0x1E800] =	vst v63  }
0xce: {  	_ =	swait.ge [sflag:s22], $0x4000  }
0xcf: {  	[sflag:s22] =	ssyncset.done $0x0  }
0xd0: {  	[sflag:s22] =	ssyncadd.s32 $0xFFFFC000  }
0xd1: {  	_ =	swait.ge [sflag:s23], $0x4000  }
0xd2: {  	[sflag:s23] =	ssyncset.done $0x0  }
0xd3: {  	[sflag:s23] =	ssyncadd.s32 $0xFFFFC000  }
0xd4: {  	[spmem:s1] =	stream.indirect.scatter.add.f32 [tilespmem:s21], [sflag:$0x3], $0x80, s26, s19, $0xb8;
	[tilespmem:$0x1E800] =	vst v63  }
0xd5: {  	_ =	swait.ge [sflag:s17], $0x4000  }
0xd6: {  	s3 =	sadd.s32 $0x1, s3;
	s30 =	sshll.u32 s2, $0x6;
	[sflag:s17] =	ssyncset.done $0x0  }
0xd7: {  	p0 =	sne.s32 s3, s15;
	s0 =	sor.u32 $0x1C03, s30;
	[sflag:s17] =	ssyncadd.s32 $0xFFFFC000  }
.Ltmp3:
0xd8: {  	s31 =	sshrl.u32 s5, $0x3;
	[bflag:$0x0] =	sbarrier.arrive $0xFFFF;
	(pc) =	sbr.rel @p0 .LBB2_1-.Ltmp3, $4  }
0xd9: {  	[hbm:s14], [sflag:s0] =	dma.local [spmem:s31], $0x2800  }
0xda: {  	_ =	swait.ge [sflag:s17], $0x2800  }
0xdb: {  	[sflag:s17] =	ssyncset.done $0x0  }
0xdc: {  	[sflag:s17] =	ssyncadd.s32 $0xFFFFD800  }
0xdd: {  	_ =	sfence.sel $0x180000  }
0xde: {  	[bflag:$0x0] =	sbarrier.arrive $0xFFFF  }
0xdf: {  	_ =	strace $0x9000004A  }
0xe0: {  	[bflag:$0x2] =	sbarrier.arrive $0xFFFF  }
0xe1: {  	p0 =	sne.s32 s2, $0x0;
	s0 =	rddreg [dreg:$0x2]  }
0xe2: {  	s0 =	sadd.s32 @!p0 $0x100000, s0  }
0xe3: {  	[sflag:s0] =	ssyncadd.tile.s32 @!p0 $0x1;
	_ =	shalt  }
.Lfunc_end2:
_tile_overlayer_lowered:
.L_overlay_start_2:
0xe4: {  	(tag) =	ssettag $0x2  }
0xe5: {  	s0 =	rddreg [dreg:$0x0];
	s2 =	stileid.u32  }
0xe6: {  	s1 =	rddreg [dreg:$0x1];
	p0 =	sne.s32 s2, $0x0  }
0xe7: {  	s3 =	rddreg [dreg:$0x2];
	[bflag:$0x3] =	sbarrier.arrive $0xFFFF;
	s2 =	simm.s32 @!p0 $0x1C03  }
0xe8: {  	[timem:s3], [sflag:s2] =	dma.local @!p0 [hbm:s0], s1  }
0xe9: {  	s0 =	simm.s32 @!p0 $0x3  }
0xea: {  	_ =	swait.ge @!p0 [sflag:s0], s1  }
0xeb: {  	s1 =	ssub.s32 @!p0 $0x0, s1;
	[sflag:s0] =	ssyncset.done @!p0 $0x0  }
0xec: {  	[sflag:s0] =	ssyncadd.s32 @!p0 s1  }
0xed: {  	[bflag:$0x3] =	sbarrier.arrive $0xFFFF  }
0xee: {  	_ =	shalt  }

// kernel: kernel.16.cloned.1.call-start
scs
__scs_entry_jumppad:
0x0: {  	(pc) =	sbr.rel $0x88, $3  }
0x1: {  	(tag) =	ssettag $0x0;
	lr =	simm.s32 $0x1  }
0x2: {  	[smem:$0x3F91] =	sst lr;
	_ =	strace $0xD0000000  }
0x3: {  	_ = 	snop  }
0x4: {  	_ = 	snop  }
0x5: {  	_ = 	snop  }
0x6: {  	_ = 	snop  }
0x7: {  	_ = 	snop  }
__scs_overlays_trampoline_lowered:
0x8: {  	[smem:$0x3FA0] =	sst s0  }
0x9: {  	[smem:$0x3FA1] =	sst s1  }
0xa: {  	[smem:$0x3FA2] =	sst s2  }
0xb: {  	[smem:$0x3FA3] =	sst s3  }
0xc: {  	[smem:$0x3FA4] =	sst s4  }
0xd: {  	[smem:$0x3FA5] =	sst s5  }
0xe: {  	[smem:$0x3FA6] =	sst s6  }
0xf: {  	[smem:$0x3FA7] =	sst s7  }
0x10: {  	[smem:$0x3FA8] =	sst s8  }
0x11: {  	[smem:$0x3FA9] =	sst s9;
	s0 =	simm.s32 @!p0 $0x0  }
0x12: {  	s1 =	sld [smem:$0x3F8F];
	s0 =	simm.s32 @p0 $0x1  }
0x13: {  	[smem:$0x3FAA] =	sst s0;
	s0 =	simm.s32 @!p1 $0x0  }
0x14: {  	s2 =	sld [smem:$0x3F8E];
	s0 =	simm.s32 @p1 $0x1  }
0x15: {  	[smem:$0x3FAB] =	sst s0;
	s0 =	simm.s32 @!p2 $0x0  }
0x16: {  	s3 =	sld [smem:$0x3FDB];
	s0 =	simm.s32 @p2 $0x1  }
0x17: {  	s4 =	simm.s32 $0x1BF5;
	[smem:$0x3FAD] =	sst s0  }
0x18: {  	s0 =	sld [smem:$0x3F90];
	_ =	swait.ge [sflag:s4], $0x0  }
0x19: {  	s7 =	sld [smem:$0x3F91]  }
0x1a: {  	s8 =	sadd.s32 $0xFFFFE003, lr  }
0x1b: {  	s9 =	sadd.s32 $0xFFFFFEF7, lr;
	s5 =	simm.s32 $0xFFFFFFFF;
	p2 =	slt.u32 s8, $0xFFFFF086  }
0x1c: {  	p1 =	slt.u32 s9, $0xF7A;
	s5 =	simm.s32 @!p2 $0x0  }
0x1d: {  	s5 =	simm.s32 @p1 $0x1;
	p0 =	seq.s32 s7, s2  }
0x1e: {  	s7 =	smul.u32 @!p0 $0xF7A, s2;
	p2 =	seq.s32 @!p0 s5, $0x0  }
0x1f: {  	s9 =	smul.u32 $0xF7A, s1;
	s8 =	simm.s32 @!p0 $0x1BF5;
	p2 =	por !p2, p0  }
0x20: {  	[sflag:s8] =	ssyncset.s32 @!p0 $0xFFFFF086;
	s6 =	sadd.s32 @!p0 s3, s7;
	s7 =	simm.s32 @!p0 $0x108  }
0x21: {  	s3 =	sadd.s32 s3, s9;
	s6 =	sadd.s32 @!p0 $0x88, s6;
	s7 =	simm.s32 @p2 $0x1082  }
0x22: {  	[simem:s7], [sflag:s8] =	dma.local @!p0 [hbm:s6], $0xF7A  }
0x23: {  	s9 =	sor.u32 $0xD0000000, s2;
	s6 =	simm.s32 $0x108;
	_ =	swait.ge @!p0 [sflag:s8], $0x0  }
0x24: {  	s3 =	sadd.s32 $0x88, s3;
	s6 =	simm.s32 @!p1 $0x1082;
	[sflag:s4] =	ssyncset.s32 $0xFFFFF086  }
0x25: {  	[simem:s6], [sflag:s4] =	dma.local [hbm:s3], $0xF7A  }
0x26: {  	[smem:$0x3F91] =	sst s1;
	(tag) =	ssettag s2;
	_ =	strace s9  }
0x27: {  	s1 =	sld [smem:$0x3FA1]  }
0x28: {  	s2 =	sld [smem:$0x3FA2]  }
0x29: {  	s4 =	sld [smem:$0x3FA4]  }
0x2a: {  	p0 =	seq.s32 s5, $0x0;
	s5 =	sld [smem:$0x3FA5]  }
0x2b: {  	s6 =	sld [smem:$0x3FA6]  }
0x2c: {  	s7 =	sld [smem:$0x3FA7]  }
0x2d: {  	s3 =	simm.s32 $0x108;
	s8 =	sld [smem:$0x3FA8]  }
0x2e: {  	s3 =	simm.s32 @!p0 $0x1082;
	s9 =	sld [smem:$0x3FA9]  }
0x2f: {  	lr =	sadd.s32 s0, s3;
	s0 =	sld [smem:$0x3FA0]  }
0x30: {  	s3 =	sld [smem:$0x3FA3]  }
0x31: {  	[smem:$0x3FAC] =	sst s10  }
0x32: {  	s10 =	sld [smem:$0x3FAA];
	_ =	sdelay $0x3  }
0x33: {  	p0 =	seq.s32 s10, $0x1;
	s10 =	sld [smem:$0x3FAC];
	_ =	sdelay $0x3  }
0x34: {  	[smem:$0x3FAC] =	sst s10  }
0x35: {  	s10 =	sld [smem:$0x3FAB];
	_ =	sdelay $0x3  }
0x36: {  	p1 =	seq.s32 s10, $0x1;
	s10 =	sld [smem:$0x3FAC];
	_ =	sdelay $0x3  }
0x37: {  	[smem:$0x3FAC] =	sst s10  }
0x38: {  	s10 =	sld [smem:$0x3FAD]  }
0x39: {  	_ = 	snop;
	(pc) =	sbr.ind lr, $3  }
0x3a: {  	_ = 	snop  }
0x3b: {  	_ = 	snop  }
0x3c: {  	p2 =	seq.s32 s10, $0x1;
	s10 =	sld [smem:$0x3FAC]  }
0x3d: {  	_ =	shalt  }
0x3e: {  	_ =	shalt  }
0x3f: {  	_ =	shalt  }
0x40: {  	_ =	shalt  }
0x41: {  	_ =	shalt  }
0x42: {  	_ =	shalt  }
0x43: {  	_ =	shalt  }
0x44: {  	_ =	shalt  }
0x45: {  	_ =	shalt  }
0x46: {  	_ =	shalt  }
0x47: {  	_ =	shalt  }
0x48: {  	_ =	shalt  }
0x49: {  	_ =	shalt  }
0x4a: {  	_ =	shalt  }
0x4b: {  	_ =	shalt  }
0x4c: {  	_ =	shalt  }
0x4d: {  	_ =	shalt  }
0x4e: {  	_ =	shalt  }
0x4f: {  	_ =	shalt  }
0x50: {  	_ =	shalt  }
0x51: {  	_ =	shalt  }
0x52: {  	_ =	shalt  }
0x53: {  	_ =	shalt  }
0x54: {  	_ =	shalt  }
0x55: {  	_ =	shalt  }
0x56: {  	_ =	shalt  }
0x57: {  	_ =	shalt  }
0x58: {  	_ =	shalt  }
0x59: {  	_ =	shalt  }
0x5a: {  	_ =	shalt  }
0x5b: {  	_ =	shalt  }
0x5c: {  	_ =	shalt  }
0x5d: {  	_ =	shalt  }
0x5e: {  	_ =	shalt  }
0x5f: {  	_ =	shalt  }
0x60: {  	_ =	shalt  }
0x61: {  	_ =	shalt  }
0x62: {  	_ =	shalt  }
0x63: {  	_ =	shalt  }
0x64: {  	_ =	shalt  }
0x65: {  	_ =	shalt  }
0x66: {  	_ =	shalt  }
0x67: {  	_ =	shalt  }
0x68: {  	_ =	shalt  }
0x69: {  	_ =	shalt  }
0x6a: {  	_ =	shalt  }
0x6b: {  	_ =	shalt  }
0x6c: {  	_ =	shalt  }
0x6d: {  	_ =	shalt  }
0x6e: {  	_ =	shalt  }
0x6f: {  	_ =	shalt  }
0x70: {  	_ =	shalt  }
0x71: {  	_ =	shalt  }
0x72: {  	_ =	shalt  }
0x73: {  	_ =	shalt  }
0x74: {  	_ =	shalt  }
0x75: {  	_ =	shalt  }
0x76: {  	_ =	shalt  }
0x77: {  	_ =	shalt  }
0x78: {  	_ =	shalt  }
0x79: {  	_ =	shalt  }
0x7a: {  	_ =	shalt  }
0x7b: {  	_ =	shalt  }
0x7c: {  	_ =	shalt  }
0x7d: {  	_ =	shalt  }
0x7e: {  	_ =	shalt  }
0x7f: {  	_ =	shalt  }
0x80: {  	_ =	shalt  }
0x81: {  	_ =	shalt  }
0x82: {  	_ =	shalt  }
0x83: {  	_ =	shalt  }
0x84: {  	_ =	shalt  }
0x85: {  	_ =	shalt  }
0x86: {  	_ =	shalt  }
0x87: {  	_ =	shalt  }
.Lfunc_end0:
.L_simem_size_0:
called_computation.2_lowered:
.L_overlay_start_0:
0x88: {  	s2 =	sld [smem:$0x3FD9]  }
0x89: {  	s3 =	sld [smem:$0x3FFE];
	_ =	sdelay $0x1  }
0x8a: {  	s1 =	srdreg.scid  }
0x8b: {  	s0 =	sand.u32 $0x1, s1  }
0x8c: {  	s16 =	sshll.u32 s0, $0xA;
	s2 =	sadd.s32 s3, s2  }
0x8d: {  	s2 =	sadd.s32 s2, s16  }
0x8e: {  	[smem:$0x3FB8] =	sst s2  }
0x8f: {  	_ = 	snop  }
0x90: {  	(tm) =	ssettm $0x1  }
0x91: {  	s17 =	sld [smem:$0x3FFB];
	_ =	sdelay $0x3  }
0x92: {  	_ =	strace s17  }
0x93: {  	s2 =	sld [smem:$0x3FFC];
	_ =	sdelay $0x3  }
0x94: {  	_ =	strace s2  }
0x95: {  	s2 =	sld [smem:$0x3FFD];
	_ =	sdelay $0x3  }
0x96: {  	_ =	strace s2  }
0x97: {  	_ =	strace $0x8FFFFFFF  }
0x98: {  	s18 =	sld [smem:$0x3FDB];
	_ =	sdelay $0x1  }
0x99: {  	s19 =	simm.s32 $_scs_section_size  }
0x9a: {  	s4 =	simm.s32 $_size__tile_overlayer_lowered;
	s5 =	simm.s32 $_tile_overlayer_lowered  }
0x9b: {  	s22 =	simm.s32 $0x1BFF;
	s21 =	sshll.u32 s5, $0x1;
	s2 =	sadd.s32 s19, s18  }
0x9c: {  	s6 =	simm.s32 $0x0;
	s20 =	sshll.u32 s4, $0x1;
	s4 =	sadd.s32 s21, s2  }
0x9d: {  	[timem:s6], [sflag:s22] =	dma.local [hbm:s4], s20  }
0x9e: {  	_ =	swait.ge [sflag:s22], s20  }
0x9f: {  	s3 =	ssub.s32 $0x0, s20;
	[sflag:s22] =	ssyncset.done $0x0  }
0xa0: {  	[sflag:s22] =	ssyncadd.s32 s3;
	_ =	sdelay $0x1  }
0xa1: {  	s23 =	simm.s32 $0x1B8B  }
0xa2: {  	_ =	swait.ge [sflag:s23], $0x1  }
0xa3: {  	[sflag:s23] =	ssyncset.done $0x0  }
0xa4: {  	s25 =	simm.s32 $0x1B8E;
	s24 =	sld [smem:$0x3FFE];
	[sflag:s23] =	ssyncadd.s32 $0xFFFFFFFF  }
0xa5: {  	s26 =	simm.s32 $execute0_lowered;
	[smem:$0x3FD2] =	sst s25  }
0xa6: {  	s4 =	sshll.u32 s26, $0x1;
	_ =	strace $0x8000004C;
	[dreg:$0x1] =	wrdreg $0xFFFFFFFF  }
0xa7: {  	s28 =	simm.s32 $_size_execute0_lowered;
	s2 =	sadd.s32 s2, s4;
	[dreg:$0x0] =	wrdreg $0x0  }
0xa8: {  	s4 =	sshll.u32 s28, $0x1;
	[dreg:$0x2] =	wrdreg s2  }
0xa9: {  	[dreg:$0x3] =	wrdreg s4  }
0xaa: {  	[dreg:$0x4] =	wrdreg $0xC0  }
0xab: {  	_ =	task [dreg:s6], $0x5FFFF  }
0xac: {  	[dreg:$0x1] =	wrdreg $0xFFFFFFFF  }
0xad: {  	[dreg:$0x0] =	wrdreg $0x60  }
0xae: {  	[dreg:$0x2] =	wrdreg s24  }
0xaf: {  	[dreg:$0x3] =	wrdreg $0xA8000  }
0xb0: {  	[dreg:$0x4] =	wrdreg $0x9  }
0xb1: {  	_ =	task.clear_ibuf [dreg:s6], $0x5FFFF;
	_ =	strace $0x9000004C  }
0xb2: {  	s29 =	simm.s32 $0x9;
	_ =	strace $0x8000004E  }
0xb3: {  	_ =	swait.ge [sflag:s29], $0x1  }
0xb4: {  	[sflag:s29] =	ssyncadd.s32 $0xFFFFFFFF  }
0xb5: {  	_ =	strace $0x9000004E  }
0xb6: {  	_ =	sfence  }
0xb7: {  	s30 =	sld [smem:$0x0];
	_ =	sdelay $0x2  }
0xb8: {  	s31 =	sshll.u32 s1, $0xD;
	s1 =	sshrl.u32 s1, $0x2  }
0xb9: {  	s3 =	sand.u32 $0x4000, s31;
	s1 =	sadd.s32 s1, s30  }
0xba: {  	s0 =	sor.u32 s3, s0;
	s1 =	sshll.u32 s1, $0x11  }
0xbb: {  	s0 =	sor.u32 s1, s0  }
0xbc: {  	s0 =	sadd.s32 $0x8F2B, s0  }
0xbd: {  	[sflag:s0] =	ssyncadd.remote.s32 $0x1  }
0xbe: {  	_ =	sfence.sel $0xFFFF  }
0xbf: {  	[dreg:$0x0] =	wrdreg $0xFFFFFFFF;
	(pc) =	sbr.abs _section_cstart, $3  }
0xc0: {  	[dreg:$0x1] =	wrdreg $0xFFFFFFFF  }
0xc1: {  	_ =	task.clear_ibuf [dreg:s6], $0x2FFFF;
	_ =	strace $0x9FFFFFFF  }
0xc2: {  	(tm) =	ssettm $0x7FFFFFFF  }
0xc3: {  	_ =	shalt  }
tec
execute0_lowered:
.L_overlay_start_1:
0x0: {  	(tag) =	ssettag $0x1  }
0x1: {  	s5 =	rddreg [dreg:$0x0]  }
0x2: {  	s1 =	rddreg [dreg:$0x1];
	s2 =	srdreg.scid;
	s3 =	simm.s32 $0x0  }
0x3: {  	s17 =	simm.s32 $0x3;
	s18 =	simm.s32 $0x1400;
	s19 =	simm.s32 $0x80  }
0x4: {  	s20 =	simm.s32 $0x1;
	s21 =	simm.s32 $0x6800;
	s22 =	simm.s32 $0x4  }
0x5: {  	s23 =	simm.s32 $0x2;
	s24 =	simm.s32 $0x1380;
	s25 =	simm.s32 $0x2700  }
0x6: {  	s26 =	simm.s32 $0x2780;
	s6 =	sand.u32 $0x1, s2;
	s2 =	stileid.u32  }
0x7: {  	[smem:$0x7FF] =	sst s3;
	s12 =	sadd.s32 $0x5800, s5;
	s4 =	smul.u32 $0x140000, s6  }
0x8: {  	s13 =	sadd.s32 $0xF800, s5;
	s7 =	smul.u32 $0x14000, s2;
	_ =	strace $0x8000004D  }
0x9: {  	s8 =	smul.u32 $0x50000, s2;
	s29 =	ssub.s32 $0x2, s6;
	s6 =	sshll.u32 s6, $0x4  }
0xa: {  	s30 =	sshrl.u32 s29, $0x1;
	s9 =	sor.u32 s2, s6;
	s7 =	sadd.s32 s7, s4  }
0xb: {  	s4 =	sadd.s32 $0x69800, s5;
	s31 =	sshrl.u32 s8, $0x2;
	s10 =	smul.u32 $0x2800, s9  }
0xc: {  	s15 =	ssub.s32 s29, s30;
	s11 =	smul.u32 $0x500, s9;
	s7 =	sshrl.u32 s7, $0x3  }
0xd: {  	s15 =	smax.u32 s15, $0x1;
	s14 =	sadd.s32 s7, s5;
	s5 =	sadd.s32 s31, s1  }
0xe: {  	s16 =	sshrl.u32 s10, $0x3;
	s10 =	sadd.s32 s12, s11;
	s11 =	sadd.s32 s13, s11  }
0xf: {  	s6 =	sadd.s32 $0x4000, s5;
	s7 =	sadd.s32 $0x8000, s5;
	s8 =	sadd.s32 $0xC000, s5  }
0x10: {  	s9 =	sadd.s32 $0x10000, s5;
	s16 =	sadd.s32 $0x280, s16;
	s14 =	sadd.s32 $0x91800, s14  }
0x11: {  	v0 =	vimm.f32 $0.0e+00;
	s12 =	sadd.s32 s12, s16;
	s13 =	sadd.s32 s13, s16;
	s16 =	simm.s32 $0x2800  }
.LBB2_1:
0x12: {  	s28 =	simm.s32 $0x0;
	s29 =	simm.s32 $0x200  }
.LBB2_2:
0x13: {  	p0 =	sne.s32 s29, $0xFE00;
	[tilespmem:s28+$0x2870] =	vst v0  }
0x14: {  	[tilespmem:s28+$0x2800] =	vst v0  }
0x15: {  	[tilespmem:s28+$0x2810] =	vst v0  }
.Ltmp0:
0x16: {  	[tilespmem:s28+$0x2820] =	vst v0;
	(pc) =	sbr.rel @p0 .LBB2_2-.Ltmp0, $4  }
0x17: {  	[tilespmem:s28+$0x2830] =	vst v0  }
0x18: {  	[tilespmem:s28+$0x2840] =	vst v0  }
0x19: {  	[tilespmem:s28+$0x2850] =	vst v0  }
0x1a: {  	[tilespmem:s28+$0x2860] =	vst v0;
	s28 =	sshra.s32 s29, $0x2;
	s29 =	sadd.s32 $0x200, s29  }
0x1b: {  	[tilespmem:s28+$0x2870] =	vst v0  }
0x1c: {  	[tilespmem:s28+$0x2800] =	vst v0  }
0x1d: {  	[tilespmem:s28+$0x2810] =	vst v0  }
0x1e: {  	[tilespmem:s28+$0x2820] =	vst v0  }
0x1f: {  	[tilespmem:s28+$0x2830] =	vst v0  }
0x20: {  	[tilespmem:s28+$0x2840] =	vst v0  }
0x21: {  	[tilespmem:s28+$0x2850] =	vst v0  }
0x22: {  	[tilespmem:s28+$0x2860] =	vst v0  }
0x23: {  	[spmem:s5] =	stream.linear.scatter [tilespmem:s16], [sflag:$0x3], $0x4000, $0x38;
	[tilespmem:$0x1E800] =	vst v63  }
0x24: {  	_ =	swait.ge [sflag:s17], $0x4000  }
0x25: {  	[sflag:s17] =	ssyncset.done $0x0  }
0x26: {  	[sflag:s17] =	ssyncadd.s32 $0xFFFFC000  }
0x27: {  	[spmem:s6] =	stream.linear.scatter [tilespmem:s16], [sflag:$0x3], $0x4000, $0x38;
	[tilespmem:$0x1E800] =	vst v63  }
0x28: {  	_ =	swait.ge [sflag:s17], $0x4000  }
0x29: {  	[sflag:s17] =	ssyncset.done $0x0  }
0x2a: {  	[sflag:s17] =	ssyncadd.s32 $0xFFFFC000  }
0x2b: {  	[spmem:s7] =	stream.linear.scatter [tilespmem:s16], [sflag:$0x3], $0x4000, $0x38;
	[tilespmem:$0x1E800] =	vst v63  }
0x2c: {  	_ =	swait.ge [sflag:s17], $0x4000  }
0x2d: {  	[sflag:s17] =	ssyncset.done $0x0  }
0x2e: {  	[sflag:s17] =	ssyncadd.s32 $0xFFFFC000  }
0x2f: {  	[spmem:s8] =	stream.linear.scatter [tilespmem:s16], [sflag:$0x3], $0x4000, $0x38;
	[tilespmem:$0x1E800] =	vst v63  }
0x30: {  	_ =	swait.ge [sflag:s17], $0x4000  }
0x31: {  	[sflag:s17] =	ssyncset.done $0x0  }
0x32: {  	[sflag:s17] =	ssyncadd.s32 $0xFFFFC000  }
0x33: {  	[spmem:s9] =	stream.linear.scatter [tilespmem:s16], [sflag:$0x3], $0x4000, $0x38;
	[tilespmem:$0x1E800] =	vst v63  }
0x34: {  	_ =	swait.ge [sflag:s17], $0x4000  }
0x35: {  	[sflag:s17] =	ssyncset.done $0x0  }
0x36: {  	[sflag:s17] =	ssyncadd.s32 $0xFFFFC000  }
0x37: {  	s28 =	simm.s32 $0x0;
	[bflag:$0x0] =	sbarrier.arrive $0xFFFF  }
0x38: {  	[tilespmem:s28], [sflag:$0x3] =	stream.linear.gather [hbm4b:s10+s28], $0x1400, $0x38;
	[tilespmem:$0x1E800] =	vst v63  }
0x39: {  	_ =	swait.ge [sflag:s17], $0x1400  }
0x3a: {  	[sflag:s17] =	ssyncset.done $0x0  }
0x3b: {  	[sflag:s17] =	ssyncadd.s32 $0xFFFFEC00  }
0x3c: {  	[tilespmem:s18], [sflag:$0x3] =	stream.linear.gather [hbm4b:s11+s28], $0x1400, $0x38;
	[tilespmem:$0x1E800] =	vst v63  }
0x3d: {  	_ =	swait.ge [sflag:s17], $0x1400  }
0x3e: {  	[sflag:s17] =	ssyncset.done $0x0  }
0x3f: {  	[sflag:s17] =	ssyncadd.s32 $0xFFFFEC00  }
0x40: {  	[tilespmem:s16], [sflag:$0x1] =	stream.indirect.gather [hbm4b:s4+s19], $0x80, s28, s19, $0xb8;
	[tilespmem:$0x1E800] =	vst v63  }
0x41: {  	_ =	swait.ge [sflag:s20], $0x4000  }
0x42: {  	[sflag:s20] =	ssyncset.done $0x0  }
0x43: {  	s28 =	simm.s32 $0x80;
	[sflag:s20] =	ssyncadd.s32 $0xFFFFC000  }
0x44: {  	[tilespmem:s21], [sflag:$0x2] =	stream.indirect.gather [hbm4b:s4+s19], $0x80, s28, s19, $0xb8;
	[tilespmem:$0x1E800] =	vst v63  }
0x45: {  	s28 =	simm.s32 $0x1400  }
0x46: {  	[spmem:s1] =	stream.indirect.scatter.add.f32 [tilespmem:s16], [sflag:$0x4], $0x80, s28, s19, $0xb8;
	[tilespmem:$0x1E800] =	vst v63  }
0x47: {  	_ =	swait.ge [sflag:s22], $0x4000  }
0x48: {  	[sflag:s22] =	ssyncset.done $0x0  }
0x49: {  	[sflag:s22] =	ssyncadd.s32 $0xFFFFC000  }
0x4a: {  	_ =	swait.ge [sflag:s23], $0x4000  }
0x4b: {  	[sflag:s23] =	ssyncset.done $0x0  }
0x4c: {  	s28 =	simm.s32 $0x100;
	[sflag:s23] =	ssyncadd.s32 $0xFFFFC000  }
0x4d: {  	[tilespmem:s16], [sflag:$0x1] =	stream.indirect.gather [hbm4b:s4+s19], $0x80, s28, s19, $0xb8;
	[tilespmem:$0x1E800] =	vst v63  }
0x4e: {  	s28 =	simm.s32 $0x1480  }
0x4f: {  	[spmem:s1] =	stream.indirect.scatter.add.f32 [tilespmem:s21], [sflag:$0x4], $0x80, s28, s19, $0xb8;
	[tilespmem:$0x1E800] =	vst v63  }
0x50: {  	_ =	swait.ge [sflag:s22], $0x4000  }
0x51: {  	[sflag:s22] =	ssyncset.done $0x0  }
0x52: {  	[sflag:s22] =	ssyncadd.s32 $0xFFFFC000  }
0x53: {  	_ =	swait.ge [sflag:s20], $0x4000  }
0x54: {  	s29 =	simm.s32 $0x800;
	s28 =	simm.s32 $0x100;
	[sflag:s20] =	ssyncset.done $0x0  }
.LBB2_4:
0x55: {  	s30 =	sadd.s32 $0x80, s28  }
0x56: {  	[sflag:s20] =	ssyncadd.s32 $0xFFFFC000;
	s31 =	smov.u32 s29;
	s0 =	sadd.s32 $0x400, s29  }
0x57: {  	[tilespmem:s21], [sflag:$0x2] =	stream.indirect.gather [hbm4b:s4+s19], $0x80, s30, s19, $0xb8;
	[tilespmem:$0x1E800] =	vst v63  }
0x58: {  	p0 =	sne.s32 s29, $0x4800;
	s29 =	sadd.s32 $0x1400, s28  }
0x59: {  	[spmem:s1] =	stream.indirect.scatter.add.f32 [tilespmem:s16], [sflag:$0x4], $0x80, s29, s19, $0xb8;
	[tilespmem:$0x1E800] =	vst v63  }
0x5a: {  	_ =	swait.ge [sflag:s22], $0x4000  }
0x5b: {  	[sflag:s22] =	ssyncset.done $0x0  }
0x5c: {  	[sflag:s22] =	ssyncadd.s32 $0xFFFFC000  }
0x5d: {  	_ =	swait.ge [sflag:s23], $0x4000  }
0x5e: {  	[sflag:s23] =	ssyncset.done $0x0  }
0x5f: {  	s29 =	sadd.s32 $0x100, s28;
	[sflag:s23] =	ssyncadd.s32 $0xFFFFC000  }
0x60: {  	[tilespmem:s16], [sflag:$0x1] =	stream.indirect.gather [hbm4b:s4+s19], $0x80, s29, s19, $0xb8;
	[tilespmem:$0x1E800] =	vst v63  }
0x61: {  	s28 =	sadd.s32 $0x1480, s28  }
0x62: {  	[spmem:s1] =	stream.indirect.scatter.add.f32 [tilespmem:s21], [sflag:$0x4], $0x80, s28, s19, $0xb8;
	[tilespmem:$0x1E800] =	vst v63  }
.Ltmp1:
0x63: {  	_ =	swait.ge [sflag:s22], $0x4000;
	(pc) =	sbr.rel @p0 .LBB2_4-.Ltmp1, $4  }
0x64: {  	[sflag:s22] =	ssyncset.done $0x0  }
0x65: {  	[sflag:s22] =	ssyncadd.s32 $0xFFFFC000  }
0x66: {  	_ =	swait.ge [sflag:s20], $0x4000  }
0x67: {  	s29 =	smov.u32 s0;
	s28 =	sshra.s32 s31, $0x2;
	[sflag:s20] =	ssyncset.done $0x0  }
0x68: {  	s0 =	sadd.s32 $0x80, s28;
	[sflag:s20] =	ssyncadd.s32 $0xFFFFC000  }
0x69: {  	[tilespmem:s21], [sflag:$0x2] =	stream.indirect.gather [hbm4b:s4+s19], $0x80, s0, s19, $0xb8;
	[tilespmem:$0x1E800] =	vst v63  }
0x6a: {  	s30 =	sadd.s32 $0x1400, s28  }
0x6b: {  	[spmem:s1] =	stream.indirect.scatter.add.f32 [tilespmem:s16], [sflag:$0x4], $0x80, s30, s19, $0xb8;
	[tilespmem:$0x1E800] =	vst v63  }
0x6c: {  	_ =	swait.ge [sflag:s22], $0x4000  }
0x6d: {  	[sflag:s22] =	ssyncset.done $0x0  }
0x6e: {  	[sflag:s22] =	ssyncadd.s32 $0xFFFFC000  }
0x6f: {  	_ =	swait.ge [sflag:s23], $0x4000  }
0x70: {  	[sflag:s23] =	ssyncset.done $0x0  }
0x71: {  	s31 =	sadd.s32 $0x100, s28;
	[sflag:s23] =	ssyncadd.s32 $0xFFFFC000  }
0x72: {  	[tilespmem:s16], [sflag:$0x1] =	stream.indirect.gather [hbm4b:s4+s19], $0x80, s31, s19, $0xb8;
	[tilespmem:$0x1E800] =	vst v63  }
0x73: {  	s30 =	sadd.s32 $0x1480, s28  }
0x74: {  	[spmem:s1] =	stream.indirect.scatter.add.f32 [tilespmem:s21], [sflag:$0x4], $0x80, s30, s19, $0xb8;
	[tilespmem:$0x1E800] =	vst v63  }
0x75: {  	_ =	swait.ge [sflag:s22], $0x4000  }
0x76: {  	[sflag:s22] =	ssyncset.done $0x0  }
0x77: {  	[sflag:s22] =	ssyncadd.s32 $0xFFFFC000  }
0x78: {  	_ =	swait.ge [sflag:s20], $0x4000  }
0x79: {  	[sflag:s20] =	ssyncset.done $0x0  }
0x7a: {  	[sflag:s20] =	ssyncadd.s32 $0xFFFFC000  }
0x7b: {  	[tilespmem:s21], [sflag:$0x2] =	stream.indirect.gather [hbm4b:s4+s19], $0x80, s24, s19, $0xb8;
	[tilespmem:$0x1E800] =	vst v63  }
0x7c: {  	_ = 	snop  }
0x7d: {  	[spmem:s1] =	stream.indirect.scatter.add.f32 [tilespmem:s16], [sflag:$0x4], $0x80, s25, s19, $0xb8;
	[tilespmem:$0x1E800] =	vst v63  }
0x7e: {  	_ =	swait.ge [sflag:s22], $0x4000  }
0x7f: {  	[sflag:s22] =	ssyncset.done $0x0  }
0x80: {  	[sflag:s22] =	ssyncadd.s32 $0xFFFFC000  }
0x81: {  	_ =	swait.ge [sflag:s23], $0x4000  }
0x82: {  	[sflag:s23] =	ssyncset.done $0x0  }
0x83: {  	[sflag:s23] =	ssyncadd.s32 $0xFFFFC000  }
0x84: {  	[spmem:s1] =	stream.indirect.scatter.add.f32 [tilespmem:s21], [sflag:$0x3], $0x80, s26, s19, $0xb8;
	[tilespmem:$0x1E800] =	vst v63  }
0x85: {  	_ =	swait.ge [sflag:s17], $0x4000  }
0x86: {  	[sflag:s17] =	ssyncset.done $0x0  }
0x87: {  	s31 =	simm.s32 $0x0;
	[sflag:s17] =	ssyncadd.s32 $0xFFFFC000  }
0x88: {  	[tilespmem:s31], [sflag:$0x3] =	stream.linear.gather [hbm4b:s12+s31], $0x1400, $0x38;
	[tilespmem:$0x1E800] =	vst v63  }
0x89: {  	_ =	swait.ge [sflag:s17], $0x1400  }
0x8a: {  	[sflag:s17] =	ssyncset.done $0x0  }
0x8b: {  	[sflag:s17] =	ssyncadd.s32 $0xFFFFEC00  }
0x8c: {  	[tilespmem:s18], [sflag:$0x3] =	stream.linear.gather [hbm4b:s13+s31], $0x1400, $0x38;
	[tilespmem:$0x1E800] =	vst v63  }
0x8d: {  	_ =	swait.ge [sflag:s17], $0x1400  }
0x8e: {  	[sflag:s17] =	ssyncset.done $0x0  }
0x8f: {  	[sflag:s17] =	ssyncadd.s32 $0xFFFFEC00  }
0x90: {  	[tilespmem:s16], [sflag:$0x1] =	stream.indirect.gather [hbm4b:s4+s19], $0x80, s31, s19, $0xb8;
	[tilespmem:$0x1E800] =	vst v63  }
0x91: {  	_ =	swait.ge [sflag:s20], $0x4000  }
0x92: {  	[sflag:s20] =	ssyncset.done $0x0  }
0x93: {  	s30 =	simm.s32 $0x80;
	[sflag:s20] =	ssyncadd.s32 $0xFFFFC000  }
0x94: {  	[tilespmem:s21], [sflag:$0x2] =	stream.indirect.gather [hbm4b:s4+s19], $0x80, s30, s19, $0xb8;
	[tilespmem:$0x1E800] =	vst v63  }
0x95: {  	s31 =	simm.s32 $0x1400  }
0x96: {  	[spmem:s1] =	stream.indirect.scatter.add.f32 [tilespmem:s16], [sflag:$0x4], $0x80, s31, s19, $0xb8;
	[tilespmem:$0x1E800] =	vst v63  }
0x97: {  	_ =	swait.ge [sflag:s22], $0x4000  }
0x98: {  	[sflag:s22] =	ssyncset.done $0x0  }
0x99: {  	[sflag:s22] =	ssyncadd.s32 $0xFFFFC000  }
0x9a: {  	_ =	swait.ge [sflag:s23], $0x4000  }
0x9b: {  	[sflag:s23] =	ssyncset.done $0x0  }
0x9c: {  	s30 =	simm.s32 $0x100;
	[sflag:s23] =	ssyncadd.s32 $0xFFFFC000  }
0x9d: {  	[tilespmem:s16], [sflag:$0x1] =	stream.indirect.gather [hbm4b:s4+s19], $0x80, s30, s19, $0xb8;
	[tilespmem:$0x1E800] =	vst v63  }
0x9e: {  	s31 =	simm.s32 $0x1480  }
0x9f: {  	[spmem:s1] =	stream.indirect.scatter.add.f32 [tilespmem:s21], [sflag:$0x4], $0x80, s31, s19, $0xb8;
	[tilespmem:$0x1E800] =	vst v63  }
0xa0: {  	_ =	swait.ge [sflag:s22], $0x4000  }
0xa1: {  	[sflag:s22] =	ssyncset.done $0x0  }
0xa2: {  	[sflag:s22] =	ssyncadd.s32 $0xFFFFC000  }
0xa3: {  	_ =	swait.ge [sflag:s20], $0x4000  }
0xa4: {  	s29 =	simm.s32 $0x800;
	s28 =	simm.s32 $0x100;
	[sflag:s20] =	ssyncset.done $0x0  }
.LBB2_6:
0xa5: {  	s0 =	sadd.s32 $0x80, s28  }
0xa6: {  	[sflag:s20] =	ssyncadd.s32 $0xFFFFC000;
	s30 =	smov.u32 s29;
	s31 =	sadd.s32 $0x400, s29  }
0xa7: {  	[tilespmem:s21], [sflag:$0x2] =	stream.indirect.gather [hbm4b:s4+s19], $0x80, s0, s19, $0xb8;
	[tilespmem:$0x1E800] =	vst v63  }
0xa8: {  	p0 =	sne.s32 s29, $0x4800;
	s0 =	sadd.s32 $0x1400, s28  }
0xa9: {  	[spmem:s1] =	stream.indirect.scatter.add.f32 [tilespmem:s16], [sflag:$0x4], $0x80, s0, s19, $0xb8;
	[tilespmem:$0x1E800] =	vst v63  }
0xaa: {  	_ =	swait.ge [sflag:s22], $0x4000  }
0xab: {  	[sflag:s22] =	ssyncset.done $0x0  }
0xac: {  	[sflag:s22] =	ssyncadd.s32 $0xFFFFC000  }
0xad: {  	_ =	swait.ge [sflag:s23], $0x4000  }
0xae: {  	[sflag:s23] =	ssyncset.done $0x0  }
0xaf: {  	s0 =	sadd.s32 $0x100, s28;
	[sflag:s23] =	ssyncadd.s32 $0xFFFFC000  }
0xb0: {  	[tilespmem:s16], [sflag:$0x1] =	stream.indirect.gather [hbm4b:s4+s19], $0x80, s0, s19, $0xb8;
	[tilespmem:$0x1E800] =	vst v63  }
0xb1: {  	s0 =	sadd.s32 $0x1480, s28  }
0xb2: {  	[spmem:s1] =	stream.indirect.scatter.add.f32 [tilespmem:s21], [sflag:$0x4], $0x80, s0, s19, $0xb8;
	[tilespmem:$0x1E800] =	vst v63  }
.Ltmp2:
0xb3: {  	_ =	swait.ge [sflag:s22], $0x4000;
	(pc) =	sbr.rel @p0 .LBB2_6-.Ltmp2, $4  }
0xb4: {  	[sflag:s22] =	ssyncset.done $0x0  }
0xb5: {  	[sflag:s22] =	ssyncadd.s32 $0xFFFFC000  }
0xb6: {  	_ =	swait.ge [sflag:s20], $0x4000  }
0xb7: {  	s29 =	smov.u32 s31;
	s28 =	sshra.s32 s30, $0x2;
	[sflag:s20] =	ssyncset.done $0x0  }
0xb8: {  	s0 =	sadd.s32 $0x80, s28;
	[sflag:s20] =	ssyncadd.s32 $0xFFFFC000  }
0xb9: {  	[tilespmem:s21], [sflag:$0x2] =	stream.indirect.gather [hbm4b:s4+s19], $0x80, s0, s19, $0xb8;
	[tilespmem:$0x1E800] =	vst v63  }
0xba: {  	s30 =	sadd.s32 $0x1400, s28  }
0xbb: {  	[spmem:s1] =	stream.indirect.scatter.add.f32 [tilespmem:s16], [sflag:$0x4], $0x80, s30, s19, $0xb8;
	[tilespmem:$0x1E800] =	vst v63  }
0xbc: {  	_ =	swait.ge [sflag:s22], $0x4000  }
0xbd: {  	[sflag:s22] =	ssyncset.done $0x0  }
0xbe: {  	[sflag:s22] =	ssyncadd.s32 $0xFFFFC000  }
0xbf: {  	_ =	swait.ge [sflag:s23], $0x4000  }
0xc0: {  	[sflag:s23] =	ssyncset.done $0x0  }
0xc1: {  	s31 =	sadd.s32 $0x100, s28;
	[sflag:s23] =	ssyncadd.s32 $0xFFFFC000  }
0xc2: {  	[tilespmem:s16], [sflag:$0x1] =	stream.indirect.gather [hbm4b:s4+s19], $0x80, s31, s19, $0xb8;
	[tilespmem:$0x1E800] =	vst v63  }
0xc3: {  	s29 =	sadd.s32 $0x1480, s28  }
0xc4: {  	[spmem:s1] =	stream.indirect.scatter.add.f32 [tilespmem:s21], [sflag:$0x4], $0x80, s29, s19, $0xb8;
	[tilespmem:$0x1E800] =	vst v63  }
0xc5: {  	_ =	swait.ge [sflag:s22], $0x4000  }
0xc6: {  	[sflag:s22] =	ssyncset.done $0x0  }
0xc7: {  	[sflag:s22] =	ssyncadd.s32 $0xFFFFC000  }
0xc8: {  	_ =	swait.ge [sflag:s20], $0x4000  }
0xc9: {  	[sflag:s20] =	ssyncset.done $0x0  }
0xca: {  	[sflag:s20] =	ssyncadd.s32 $0xFFFFC000  }
0xcb: {  	[tilespmem:s21], [sflag:$0x2] =	stream.indirect.gather [hbm4b:s4+s19], $0x80, s24, s19, $0xb8;
	[tilespmem:$0x1E800] =	vst v63  }
0xcc: {  	_ = 	snop  }
0xcd: {  	[spmem:s1] =	stream.indirect.scatter.add.f32 [tilespmem:s16], [sflag:$0x4], $0x80, s25, s19, $0xb8;
	[tilespmem:$0x1E800] =	vst v63  }
0xce: {  	_ =	swait.ge [sflag:s22], $0x4000  }
0xcf: {  	[sflag:s22] =	ssyncset.done $0x0  }
0xd0: {  	[sflag:s22] =	ssyncadd.s32 $0xFFFFC000  }
0xd1: {  	_ =	swait.ge [sflag:s23], $0x4000  }
0xd2: {  	[sflag:s23] =	ssyncset.done $0x0  }
0xd3: {  	[sflag:s23] =	ssyncadd.s32 $0xFFFFC000  }
0xd4: {  	[spmem:s1] =	stream.indirect.scatter.add.f32 [tilespmem:s21], [sflag:$0x3], $0x80, s26, s19, $0xb8;
	[tilespmem:$0x1E800] =	vst v63  }
0xd5: {  	_ =	swait.ge [sflag:s17], $0x4000  }
0xd6: {  	s3 =	sadd.s32 $0x1, s3;
	s30 =	sshll.u32 s2, $0x6;
	[sflag:s17] =	ssyncset.done $0x0  }
0xd7: {  	p0 =	sne.s32 s3, s15;
	s0 =	sor.u32 $0x1C03, s30;
	[sflag:s17] =	ssyncadd.s32 $0xFFFFC000  }
.Ltmp3:
0xd8: {  	s31 =	sshrl.u32 s5, $0x3;
	[bflag:$0x0] =	sbarrier.arrive $0xFFFF;
	(pc) =	sbr.rel @p0 .LBB2_1-.Ltmp3, $4  }
0xd9: {  	[hbm:s14], [sflag:s0] =	dma.local [spmem:s31], $0x2800  }
0xda: {  	_ =	swait.ge [sflag:s17], $0x2800  }
0xdb: {  	[sflag:s17] =	ssyncset.done $0x0  }
0xdc: {  	[sflag:s17] =	ssyncadd.s32 $0xFFFFD800  }
0xdd: {  	_ =	sfence.sel $0x180000  }
0xde: {  	[bflag:$0x0] =	sbarrier.arrive $0xFFFF  }
0xdf: {  	_ =	strace $0x9000004D  }
0xe0: {  	[bflag:$0x2] =	sbarrier.arrive $0xFFFF  }
0xe1: {  	p0 =	sne.s32 s2, $0x0;
	s0 =	rddreg [dreg:$0x2]  }
0xe2: {  	s0 =	sadd.s32 @!p0 $0x100000, s0  }
0xe3: {  	[sflag:s0] =	ssyncadd.tile.s32 @!p0 $0x1;
	_ =	shalt  }
.Lfunc_end2:
_tile_overlayer_lowered:
.L_overlay_start_2:
0xe4: {  	(tag) =	ssettag $0x2  }
0xe5: {  	s0 =	rddreg [dreg:$0x0];
	s2 =	stileid.u32  }
0xe6: {  	s1 =	rddreg [dreg:$0x1];
	p0 =	sne.s32 s2, $0x0  }
0xe7: {  	s3 =	rddreg [dreg:$0x2];
	[bflag:$0x3] =	sbarrier.arrive $0xFFFF;
	s2 =	simm.s32 @!p0 $0x1C03  }
0xe8: {  	[timem:s3], [sflag:s2] =	dma.local @!p0 [hbm:s0], s1  }
0xe9: {  	s0 =	simm.s32 @!p0 $0x3  }
0xea: {  	_ =	swait.ge @!p0 [sflag:s0], s1  }
0xeb: {  	s1 =	ssub.s32 @!p0 $0x0, s1;
	[sflag:s0] =	ssyncset.done @!p0 $0x0  }
0xec: {  	[sflag:s0] =	ssyncadd.s32 @!p0 s1  }
0xed: {  	[bflag:$0x3] =	sbarrier.arrive $0xFFFF  }
0xee: {  	_ =	shalt  }

// kernel: kernel.19.cloned.1.call-start
scs
__scs_entry_jumppad:
0x0: {  	(pc) =	sbr.rel $0x88, $3  }
0x1: {  	(tag) =	ssettag $0x0;
	lr =	simm.s32 $0x1  }
0x2: {  	[smem:$0x3F91] =	sst lr;
	_ =	strace $0xD0000000  }
0x3: {  	_ = 	snop  }
0x4: {  	_ = 	snop  }
0x5: {  	_ = 	snop  }
0x6: {  	_ = 	snop  }
0x7: {  	_ = 	snop  }
__scs_overlays_trampoline_lowered:
0x8: {  	[smem:$0x3FA0] =	sst s0  }
0x9: {  	[smem:$0x3FA1] =	sst s1  }
0xa: {  	[smem:$0x3FA2] =	sst s2  }
0xb: {  	[smem:$0x3FA3] =	sst s3  }
0xc: {  	[smem:$0x3FA4] =	sst s4  }
0xd: {  	[smem:$0x3FA5] =	sst s5  }
0xe: {  	[smem:$0x3FA6] =	sst s6  }
0xf: {  	[smem:$0x3FA7] =	sst s7  }
0x10: {  	[smem:$0x3FA8] =	sst s8  }
0x11: {  	[smem:$0x3FA9] =	sst s9;
	s0 =	simm.s32 @!p0 $0x0  }
0x12: {  	s1 =	sld [smem:$0x3F8F];
	s0 =	simm.s32 @p0 $0x1  }
0x13: {  	[smem:$0x3FAA] =	sst s0;
	s0 =	simm.s32 @!p1 $0x0  }
0x14: {  	s2 =	sld [smem:$0x3F8E];
	s0 =	simm.s32 @p1 $0x1  }
0x15: {  	[smem:$0x3FAB] =	sst s0;
	s0 =	simm.s32 @!p2 $0x0  }
0x16: {  	s3 =	sld [smem:$0x3FDB];
	s0 =	simm.s32 @p2 $0x1  }
0x17: {  	s4 =	simm.s32 $0x1BF5;
	[smem:$0x3FAD] =	sst s0  }
0x18: {  	s0 =	sld [smem:$0x3F90];
	_ =	swait.ge [sflag:s4], $0x0  }
0x19: {  	s7 =	sld [smem:$0x3F91]  }
0x1a: {  	s8 =	sadd.s32 $0xFFFFE003, lr  }
0x1b: {  	s9 =	sadd.s32 $0xFFFFFEF7, lr;
	s5 =	simm.s32 $0xFFFFFFFF;
	p2 =	slt.u32 s8, $0xFFFFF086  }
0x1c: {  	p1 =	slt.u32 s9, $0xF7A;
	s5 =	simm.s32 @!p2 $0x0  }
0x1d: {  	s5 =	simm.s32 @p1 $0x1;
	p0 =	seq.s32 s7, s2  }
0x1e: {  	s7 =	smul.u32 @!p0 $0xF7A, s2;
	p2 =	seq.s32 @!p0 s5, $0x0  }
0x1f: {  	s9 =	smul.u32 $0xF7A, s1;
	s8 =	simm.s32 @!p0 $0x1BF5;
	p2 =	por !p2, p0  }
0x20: {  	[sflag:s8] =	ssyncset.s32 @!p0 $0xFFFFF086;
	s6 =	sadd.s32 @!p0 s3, s7;
	s7 =	simm.s32 @!p0 $0x108  }
0x21: {  	s3 =	sadd.s32 s3, s9;
	s6 =	sadd.s32 @!p0 $0x88, s6;
	s7 =	simm.s32 @p2 $0x1082  }
0x22: {  	[simem:s7], [sflag:s8] =	dma.local @!p0 [hbm:s6], $0xF7A  }
0x23: {  	s9 =	sor.u32 $0xD0000000, s2;
	s6 =	simm.s32 $0x108;
	_ =	swait.ge @!p0 [sflag:s8], $0x0  }
0x24: {  	s3 =	sadd.s32 $0x88, s3;
	s6 =	simm.s32 @!p1 $0x1082;
	[sflag:s4] =	ssyncset.s32 $0xFFFFF086  }
0x25: {  	[simem:s6], [sflag:s4] =	dma.local [hbm:s3], $0xF7A  }
0x26: {  	[smem:$0x3F91] =	sst s1;
	(tag) =	ssettag s2;
	_ =	strace s9  }
0x27: {  	s1 =	sld [smem:$0x3FA1]  }
0x28: {  	s2 =	sld [smem:$0x3FA2]  }
0x29: {  	s4 =	sld [smem:$0x3FA4]  }
0x2a: {  	p0 =	seq.s32 s5, $0x0;
	s5 =	sld [smem:$0x3FA5]  }
0x2b: {  	s6 =	sld [smem:$0x3FA6]  }
0x2c: {  	s7 =	sld [smem:$0x3FA7]  }
0x2d: {  	s3 =	simm.s32 $0x108;
	s8 =	sld [smem:$0x3FA8]  }
0x2e: {  	s3 =	simm.s32 @!p0 $0x1082;
	s9 =	sld [smem:$0x3FA9]  }
0x2f: {  	lr =	sadd.s32 s0, s3;
	s0 =	sld [smem:$0x3FA0]  }
0x30: {  	s3 =	sld [smem:$0x3FA3]  }
0x31: {  	[smem:$0x3FAC] =	sst s10  }
0x32: {  	s10 =	sld [smem:$0x3FAA];
	_ =	sdelay $0x3  }
0x33: {  	p0 =	seq.s32 s10, $0x1;
	s10 =	sld [smem:$0x3FAC];
	_ =	sdelay $0x3  }
0x34: {  	[smem:$0x3FAC] =	sst s10  }
0x35: {  	s10 =	sld [smem:$0x3FAB];
	_ =	sdelay $0x3  }
0x36: {  	p1 =	seq.s32 s10, $0x1;
	s10 =	sld [smem:$0x3FAC];
	_ =	sdelay $0x3  }
0x37: {  	[smem:$0x3FAC] =	sst s10  }
0x38: {  	s10 =	sld [smem:$0x3FAD]  }
0x39: {  	_ = 	snop;
	(pc) =	sbr.ind lr, $3  }
0x3a: {  	_ = 	snop  }
0x3b: {  	_ = 	snop  }
0x3c: {  	p2 =	seq.s32 s10, $0x1;
	s10 =	sld [smem:$0x3FAC]  }
0x3d: {  	_ =	shalt  }
0x3e: {  	_ =	shalt  }
0x3f: {  	_ =	shalt  }
0x40: {  	_ =	shalt  }
0x41: {  	_ =	shalt  }
0x42: {  	_ =	shalt  }
0x43: {  	_ =	shalt  }
0x44: {  	_ =	shalt  }
0x45: {  	_ =	shalt  }
0x46: {  	_ =	shalt  }
0x47: {  	_ =	shalt  }
0x48: {  	_ =	shalt  }
0x49: {  	_ =	shalt  }
0x4a: {  	_ =	shalt  }
0x4b: {  	_ =	shalt  }
0x4c: {  	_ =	shalt  }
0x4d: {  	_ =	shalt  }
0x4e: {  	_ =	shalt  }
0x4f: {  	_ =	shalt  }
0x50: {  	_ =	shalt  }
0x51: {  	_ =	shalt  }
0x52: {  	_ =	shalt  }
0x53: {  	_ =	shalt  }
0x54: {  	_ =	shalt  }
0x55: {  	_ =	shalt  }
0x56: {  	_ =	shalt  }
0x57: {  	_ =	shalt  }
0x58: {  	_ =	shalt  }
0x59: {  	_ =	shalt  }
0x5a: {  	_ =	shalt  }
0x5b: {  	_ =	shalt  }
0x5c: {  	_ =	shalt  }
0x5d: {  	_ =	shalt  }
0x5e: {  	_ =	shalt  }
0x5f: {  	_ =	shalt  }
0x60: {  	_ =	shalt  }
0x61: {  	_ =	shalt  }
0x62: {  	_ =	shalt  }
0x63: {  	_ =	shalt  }
0x64: {  	_ =	shalt  }
0x65: {  	_ =	shalt  }
0x66: {  	_ =	shalt  }
0x67: {  	_ =	shalt  }
0x68: {  	_ =	shalt  }
0x69: {  	_ =	shalt  }
0x6a: {  	_ =	shalt  }
0x6b: {  	_ =	shalt  }
0x6c: {  	_ =	shalt  }
0x6d: {  	_ =	shalt  }
0x6e: {  	_ =	shalt  }
0x6f: {  	_ =	shalt  }
0x70: {  	_ =	shalt  }
0x71: {  	_ =	shalt  }
0x72: {  	_ =	shalt  }
0x73: {  	_ =	shalt  }
0x74: {  	_ =	shalt  }
0x75: {  	_ =	shalt  }
0x76: {  	_ =	shalt  }
0x77: {  	_ =	shalt  }
0x78: {  	_ =	shalt  }
0x79: {  	_ =	shalt  }
0x7a: {  	_ =	shalt  }
0x7b: {  	_ =	shalt  }
0x7c: {  	_ =	shalt  }
0x7d: {  	_ =	shalt  }
0x7e: {  	_ =	shalt  }
0x7f: {  	_ =	shalt  }
0x80: {  	_ =	shalt  }
0x81: {  	_ =	shalt  }
0x82: {  	_ =	shalt  }
0x83: {  	_ =	shalt  }
0x84: {  	_ =	shalt  }
0x85: {  	_ =	shalt  }
0x86: {  	_ =	shalt  }
0x87: {  	_ =	shalt  }
.Lfunc_end0:
.L_simem_size_0:
called_computation.3_lowered:
.L_overlay_start_0:
0x88: {  	s2 =	sld [smem:$0x3FD9]  }
0x89: {  	s3 =	sld [smem:$0x3FFE];
	_ =	sdelay $0x1  }
0x8a: {  	s1 =	srdreg.scid  }
0x8b: {  	s0 =	sand.u32 $0x1, s1  }
0x8c: {  	s16 =	sshll.u32 s0, $0xA;
	s2 =	sadd.s32 s3, s2  }
0x8d: {  	s2 =	sadd.s32 s2, s16  }
0x8e: {  	[smem:$0x3FB8] =	sst s2  }
0x8f: {  	_ = 	snop  }
0x90: {  	(tm) =	ssettm $0x1  }
0x91: {  	s17 =	sld [smem:$0x3FFB];
	_ =	sdelay $0x3  }
0x92: {  	_ =	strace s17  }
0x93: {  	s2 =	sld [smem:$0x3FFC];
	_ =	sdelay $0x3  }
0x94: {  	_ =	strace s2  }
0x95: {  	s2 =	sld [smem:$0x3FFD];
	_ =	sdelay $0x3  }
0x96: {  	_ =	strace s2  }
0x97: {  	_ =	strace $0x8FFFFFFF  }
0x98: {  	s18 =	sld [smem:$0x3FDB];
	_ =	sdelay $0x1  }
0x99: {  	s19 =	simm.s32 $_scs_section_size  }
0x9a: {  	s4 =	simm.s32 $_size__tile_overlayer_lowered;
	s5 =	simm.s32 $_tile_overlayer_lowered  }
0x9b: {  	s22 =	simm.s32 $0x1BFF;
	s21 =	sshll.u32 s5, $0x1;
	s2 =	sadd.s32 s19, s18  }
0x9c: {  	s6 =	simm.s32 $0x0;
	s20 =	sshll.u32 s4, $0x1;
	s4 =	sadd.s32 s21, s2  }
0x9d: {  	[timem:s6], [sflag:s22] =	dma.local [hbm:s4], s20  }
0x9e: {  	_ =	swait.ge [sflag:s22], s20  }
0x9f: {  	s3 =	ssub.s32 $0x0, s20;
	[sflag:s22] =	ssyncset.done $0x0  }
0xa0: {  	[sflag:s22] =	ssyncadd.s32 s3;
	_ =	sdelay $0x1  }
0xa1: {  	s23 =	simm.s32 $0x1B8B  }
0xa2: {  	_ =	swait.ge [sflag:s23], $0x1  }
0xa3: {  	[sflag:s23] =	ssyncset.done $0x0  }
0xa4: {  	s25 =	simm.s32 $0x1B8E;
	s24 =	sld [smem:$0x3FFE];
	[sflag:s23] =	ssyncadd.s32 $0xFFFFFFFF  }
0xa5: {  	s26 =	simm.s32 $execute0_lowered;
	[smem:$0x3FD2] =	sst s25  }
0xa6: {  	s4 =	sshll.u32 s26, $0x1;
	_ =	strace $0x8000004F;
	[dreg:$0x1] =	wrdreg $0xFFFFFFFF  }
0xa7: {  	s28 =	simm.s32 $_size_execute0_lowered;
	s2 =	sadd.s32 s2, s4;
	[dreg:$0x0] =	wrdreg $0x0  }
0xa8: {  	s4 =	sshll.u32 s28, $0x1;
	[dreg:$0x2] =	wrdreg s2  }
0xa9: {  	[dreg:$0x3] =	wrdreg s4  }
0xaa: {  	[dreg:$0x4] =	wrdreg $0xC0  }
0xab: {  	_ =	task [dreg:s6], $0x5FFFF  }
0xac: {  	[dreg:$0x1] =	wrdreg $0xFFFFFFFF  }
0xad: {  	[dreg:$0x0] =	wrdreg $0x60  }
0xae: {  	[dreg:$0x2] =	wrdreg s24  }
0xaf: {  	[dreg:$0x3] =	wrdreg $0xA8000  }
0xb0: {  	[dreg:$0x4] =	wrdreg $0x9  }
0xb1: {  	_ =	task.clear_ibuf [dreg:s6], $0x5FFFF;
	_ =	strace $0x9000004F  }
0xb2: {  	s29 =	simm.s32 $0x9;
	_ =	strace $0x80000051  }
0xb3: {  	_ =	swait.ge [sflag:s29], $0x1  }
0xb4: {  	[sflag:s29] =	ssyncadd.s32 $0xFFFFFFFF  }
0xb5: {  	_ =	strace $0x90000051  }
0xb6: {  	_ =	sfence  }
0xb7: {  	s30 =	sld [smem:$0x0];
	_ =	sdelay $0x2  }
0xb8: {  	s31 =	sshll.u32 s1, $0xD;
	s1 =	sshrl.u32 s1, $0x2  }
0xb9: {  	s3 =	sand.u32 $0x4000, s31;
	s1 =	sadd.s32 s1, s30  }
0xba: {  	s0 =	sor.u32 s3, s0;
	s1 =	sshll.u32 s1, $0x11  }
0xbb: {  	s0 =	sor.u32 s1, s0  }
0xbc: {  	s0 =	sadd.s32 $0x8F2B, s0  }
0xbd: {  	[sflag:s0] =	ssyncadd.remote.s32 $0x1  }
0xbe: {  	_ =	sfence.sel $0xFFFF  }
0xbf: {  	[dreg:$0x0] =	wrdreg $0xFFFFFFFF;
	(pc) =	sbr.abs _section_cstart, $3  }
0xc0: {  	[dreg:$0x1] =	wrdreg $0xFFFFFFFF  }
0xc1: {  	_ =	task.clear_ibuf [dreg:s6], $0x2FFFF;
	_ =	strace $0x9FFFFFFF  }
0xc2: {  	(tm) =	ssettm $0x7FFFFFFF  }
0xc3: {  	_ =	shalt  }
tec
execute0_lowered:
.L_overlay_start_1:
0x0: {  	(tag) =	ssettag $0x1  }
0x1: {  	s5 =	rddreg [dreg:$0x0]  }
0x2: {  	s1 =	rddreg [dreg:$0x1];
	s2 =	srdreg.scid;
	s3 =	simm.s32 $0x0  }
0x3: {  	s17 =	simm.s32 $0x3;
	s18 =	simm.s32 $0x1400;
	s19 =	simm.s32 $0x80  }
0x4: {  	s20 =	simm.s32 $0x1;
	s21 =	simm.s32 $0x6800;
	s22 =	simm.s32 $0x4  }
0x5: {  	s23 =	simm.s32 $0x2;
	s24 =	simm.s32 $0x1380;
	s25 =	simm.s32 $0x2700  }
0x6: {  	s26 =	simm.s32 $0x2780;
	s6 =	sand.u32 $0x1, s2;
	s2 =	stileid.u32  }
0x7: {  	[smem:$0x7FF] =	sst s3;
	s12 =	sadd.s32 $0x5800, s5;
	s4 =	smul.u32 $0x140000, s6  }
0x8: {  	s13 =	sadd.s32 $0xF800, s5;
	s7 =	smul.u32 $0x14000, s2;
	_ =	strace $0x80000050  }
0x9: {  	s8 =	smul.u32 $0x50000, s2;
	s29 =	ssub.s32 $0x2, s6;
	s6 =	sshll.u32 s6, $0x4  }
0xa: {  	s30 =	sshrl.u32 s29, $0x1;
	s9 =	sor.u32 s2, s6;
	s7 =	sadd.s32 s7, s4  }
0xb: {  	s4 =	sadd.s32 $0x69800, s5;
	s31 =	sshrl.u32 s8, $0x2;
	s10 =	smul.u32 $0x2800, s9  }
0xc: {  	s15 =	ssub.s32 s29, s30;
	s11 =	smul.u32 $0x500, s9;
	s7 =	sshrl.u32 s7, $0x3  }
0xd: {  	s15 =	smax.u32 s15, $0x1;
	s14 =	sadd.s32 s7, s5;
	s5 =	sadd.s32 s31, s1  }
0xe: {  	s16 =	sshrl.u32 s10, $0x3;
	s10 =	sadd.s32 s12, s11;
	s11 =	sadd.s32 s13, s11  }
0xf: {  	s6 =	sadd.s32 $0x4000, s5;
	s7 =	sadd.s32 $0x8000, s5;
	s8 =	sadd.s32 $0xC000, s5  }
0x10: {  	s9 =	sadd.s32 $0x10000, s5;
	s16 =	sadd.s32 $0x280, s16;
	s14 =	sadd.s32 $0x91800, s14  }
0x11: {  	v0 =	vimm.f32 $0.0e+00;
	s12 =	sadd.s32 s12, s16;
	s13 =	sadd.s32 s13, s16;
	s16 =	simm.s32 $0x2800  }
.LBB2_1:
0x12: {  	s28 =	simm.s32 $0x0;
	s29 =	simm.s32 $0x200  }
.LBB2_2:
0x13: {  	p0 =	sne.s32 s29, $0xFE00;
	[tilespmem:s28+$0x2870] =	vst v0  }
0x14: {  	[tilespmem:s28+$0x2800] =	vst v0  }
0x15: {  	[tilespmem:s28+$0x2810] =	vst v0  }
.Ltmp0:
0x16: {  	[tilespmem:s28+$0x2820] =	vst v0;
	(pc) =	sbr.rel @p0 .LBB2_2-.Ltmp0, $4  }
0x17: {  	[tilespmem:s28+$0x2830] =	vst v0  }
0x18: {  	[tilespmem:s28+$0x2840] =	vst v0  }
0x19: {  	[tilespmem:s28+$0x2850] =	vst v0  }
0x1a: {  	[tilespmem:s28+$0x2860] =	vst v0;
	s28 =	sshra.s32 s29, $0x2;
	s29 =	sadd.s32 $0x200, s29  }
0x1b: {  	[tilespmem:s28+$0x2870] =	vst v0  }
0x1c: {  	[tilespmem:s28+$0x2800] =	vst v0  }
0x1d: {  	[tilespmem:s28+$0x2810] =	vst v0  }
0x1e: {  	[tilespmem:s28+$0x2820] =	vst v0  }
0x1f: {  	[tilespmem:s28+$0x2830] =	vst v0  }
0x20: {  	[tilespmem:s28+$0x2840] =	vst v0  }
0x21: {  	[tilespmem:s28+$0x2850] =	vst v0  }
0x22: {  	[tilespmem:s28+$0x2860] =	vst v0  }
0x23: {  	[spmem:s5] =	stream.linear.scatter [tilespmem:s16], [sflag:$0x3], $0x4000, $0x38;
	[tilespmem:$0x1E800] =	vst v63  }
0x24: {  	_ =	swait.ge [sflag:s17], $0x4000  }
0x25: {  	[sflag:s17] =	ssyncset.done $0x0  }
0x26: {  	[sflag:s17] =	ssyncadd.s32 $0xFFFFC000  }
0x27: {  	[spmem:s6] =	stream.linear.scatter [tilespmem:s16], [sflag:$0x3], $0x4000, $0x38;
	[tilespmem:$0x1E800] =	vst v63  }
0x28: {  	_ =	swait.ge [sflag:s17], $0x4000  }
0x29: {  	[sflag:s17] =	ssyncset.done $0x0  }
0x2a: {  	[sflag:s17] =	ssyncadd.s32 $0xFFFFC000  }
0x2b: {  	[spmem:s7] =	stream.linear.scatter [tilespmem:s16], [sflag:$0x3], $0x4000, $0x38;
	[tilespmem:$0x1E800] =	vst v63  }
0x2c: {  	_ =	swait.ge [sflag:s17], $0x4000  }
0x2d: {  	[sflag:s17] =	ssyncset.done $0x0  }
0x2e: {  	[sflag:s17] =	ssyncadd.s32 $0xFFFFC000  }
0x2f: {  	[spmem:s8] =	stream.linear.scatter [tilespmem:s16], [sflag:$0x3], $0x4000, $0x38;
	[tilespmem:$0x1E800] =	vst v63  }
0x30: {  	_ =	swait.ge [sflag:s17], $0x4000  }
0x31: {  	[sflag:s17] =	ssyncset.done $0x0  }
0x32: {  	[sflag:s17] =	ssyncadd.s32 $0xFFFFC000  }
0x33: {  	[spmem:s9] =	stream.linear.scatter [tilespmem:s16], [sflag:$0x3], $0x4000, $0x38;
	[tilespmem:$0x1E800] =	vst v63  }
0x34: {  	_ =	swait.ge [sflag:s17], $0x4000  }
0x35: {  	[sflag:s17] =	ssyncset.done $0x0  }
0x36: {  	[sflag:s17] =	ssyncadd.s32 $0xFFFFC000  }
0x37: {  	s28 =	simm.s32 $0x0;
	[bflag:$0x0] =	sbarrier.arrive $0xFFFF  }
0x38: {  	[tilespmem:s28], [sflag:$0x3] =	stream.linear.gather [hbm4b:s10+s28], $0x1400, $0x38;
	[tilespmem:$0x1E800] =	vst v63  }
0x39: {  	_ =	swait.ge [sflag:s17], $0x1400  }
0x3a: {  	[sflag:s17] =	ssyncset.done $0x0  }
0x3b: {  	[sflag:s17] =	ssyncadd.s32 $0xFFFFEC00  }
0x3c: {  	[tilespmem:s18], [sflag:$0x3] =	stream.linear.gather [hbm4b:s11+s28], $0x1400, $0x38;
	[tilespmem:$0x1E800] =	vst v63  }
0x3d: {  	_ =	swait.ge [sflag:s17], $0x1400  }
0x3e: {  	[sflag:s17] =	ssyncset.done $0x0  }
0x3f: {  	[sflag:s17] =	ssyncadd.s32 $0xFFFFEC00  }
0x40: {  	[tilespmem:s16], [sflag:$0x1] =	stream.indirect.gather [hbm4b:s4+s19], $0x80, s28, s19, $0xb8;
	[tilespmem:$0x1E800] =	vst v63  }
0x41: {  	_ =	swait.ge [sflag:s20], $0x4000  }
0x42: {  	[sflag:s20] =	ssyncset.done $0x0  }
0x43: {  	s28 =	simm.s32 $0x80;
	[sflag:s20] =	ssyncadd.s32 $0xFFFFC000  }
0x44: {  	[tilespmem:s21], [sflag:$0x2] =	stream.indirect.gather [hbm4b:s4+s19], $0x80, s28, s19, $0xb8;
	[tilespmem:$0x1E800] =	vst v63  }
0x45: {  	s28 =	simm.s32 $0x1400  }
0x46: {  	[spmem:s1] =	stream.indirect.scatter.add.f32 [tilespmem:s16], [sflag:$0x4], $0x80, s28, s19, $0xb8;
	[tilespmem:$0x1E800] =	vst v63  }
0x47: {  	_ =	swait.ge [sflag:s22], $0x4000  }
0x48: {  	[sflag:s22] =	ssyncset.done $0x0  }
0x49: {  	[sflag:s22] =	ssyncadd.s32 $0xFFFFC000  }
0x4a: {  	_ =	swait.ge [sflag:s23], $0x4000  }
0x4b: {  	[sflag:s23] =	ssyncset.done $0x0  }
0x4c: {  	s28 =	simm.s32 $0x100;
	[sflag:s23] =	ssyncadd.s32 $0xFFFFC000  }
0x4d: {  	[tilespmem:s16], [sflag:$0x1] =	stream.indirect.gather [hbm4b:s4+s19], $0x80, s28, s19, $0xb8;
	[tilespmem:$0x1E800] =	vst v63  }
0x4e: {  	s28 =	simm.s32 $0x1480  }
0x4f: {  	[spmem:s1] =	stream.indirect.scatter.add.f32 [tilespmem:s21], [sflag:$0x4], $0x80, s28, s19, $0xb8;
	[tilespmem:$0x1E800] =	vst v63  }
0x50: {  	_ =	swait.ge [sflag:s22], $0x4000  }
0x51: {  	[sflag:s22] =	ssyncset.done $0x0  }
0x52: {  	[sflag:s22] =	ssyncadd.s32 $0xFFFFC000  }
0x53: {  	_ =	swait.ge [sflag:s20], $0x4000  }
0x54: {  	s29 =	simm.s32 $0x800;
	s28 =	simm.s32 $0x100;
	[sflag:s20] =	ssyncset.done $0x0  }
.LBB2_4:
0x55: {  	s30 =	sadd.s32 $0x80, s28  }
0x56: {  	[sflag:s20] =	ssyncadd.s32 $0xFFFFC000;
	s31 =	smov.u32 s29;
	s0 =	sadd.s32 $0x400, s29  }
0x57: {  	[tilespmem:s21], [sflag:$0x2] =	stream.indirect.gather [hbm4b:s4+s19], $0x80, s30, s19, $0xb8;
	[tilespmem:$0x1E800] =	vst v63  }
0x58: {  	p0 =	sne.s32 s29, $0x4800;
	s29 =	sadd.s32 $0x1400, s28  }
0x59: {  	[spmem:s1] =	stream.indirect.scatter.add.f32 [tilespmem:s16], [sflag:$0x4], $0x80, s29, s19, $0xb8;
	[tilespmem:$0x1E800] =	vst v63  }
0x5a: {  	_ =	swait.ge [sflag:s22], $0x4000  }
0x5b: {  	[sflag:s22] =	ssyncset.done $0x0  }
0x5c: {  	[sflag:s22] =	ssyncadd.s32 $0xFFFFC000  }
0x5d: {  	_ =	swait.ge [sflag:s23], $0x4000  }
0x5e: {  	[sflag:s23] =	ssyncset.done $0x0  }
0x5f: {  	s29 =	sadd.s32 $0x100, s28;
	[sflag:s23] =	ssyncadd.s32 $0xFFFFC000  }
0x60: {  	[tilespmem:s16], [sflag:$0x1] =	stream.indirect.gather [hbm4b:s4+s19], $0x80, s29, s19, $0xb8;
	[tilespmem:$0x1E800] =	vst v63  }
0x61: {  	s28 =	sadd.s32 $0x1480, s28  }
0x62: {  	[spmem:s1] =	stream.indirect.scatter.add.f32 [tilespmem:s21], [sflag:$0x4], $0x80, s28, s19, $0xb8;
	[tilespmem:$0x1E800] =	vst v63  }
.Ltmp1:
0x63: {  	_ =	swait.ge [sflag:s22], $0x4000;
	(pc) =	sbr.rel @p0 .LBB2_4-.Ltmp1, $4  }
0x64: {  	[sflag:s22] =	ssyncset.done $0x0  }
0x65: {  	[sflag:s22] =	ssyncadd.s32 $0xFFFFC000  }
0x66: {  	_ =	swait.ge [sflag:s20], $0x4000  }
0x67: {  	s29 =	smov.u32 s0;
	s28 =	sshra.s32 s31, $0x2;
	[sflag:s20] =	ssyncset.done $0x0  }
0x68: {  	s0 =	sadd.s32 $0x80, s28;
	[sflag:s20] =	ssyncadd.s32 $0xFFFFC000  }
0x69: {  	[tilespmem:s21], [sflag:$0x2] =	stream.indirect.gather [hbm4b:s4+s19], $0x80, s0, s19, $0xb8;
	[tilespmem:$0x1E800] =	vst v63  }
0x6a: {  	s30 =	sadd.s32 $0x1400, s28  }
0x6b: {  	[spmem:s1] =	stream.indirect.scatter.add.f32 [tilespmem:s16], [sflag:$0x4], $0x80, s30, s19, $0xb8;
	[tilespmem:$0x1E800] =	vst v63  }
0x6c: {  	_ =	swait.ge [sflag:s22], $0x4000  }
0x6d: {  	[sflag:s22] =	ssyncset.done $0x0  }
0x6e: {  	[sflag:s22] =	ssyncadd.s32 $0xFFFFC000  }
0x6f: {  	_ =	swait.ge [sflag:s23], $0x4000  }
0x70: {  	[sflag:s23] =	ssyncset.done $0x0  }
0x71: {  	s31 =	sadd.s32 $0x100, s28;
	[sflag:s23] =	ssyncadd.s32 $0xFFFFC000  }
0x72: {  	[tilespmem:s16], [sflag:$0x1] =	stream.indirect.gather [hbm4b:s4+s19], $0x80, s31, s19, $0xb8;
	[tilespmem:$0x1E800] =	vst v63  }
0x73: {  	s30 =	sadd.s32 $0x1480, s28  }
0x74: {  	[spmem:s1] =	stream.indirect.scatter.add.f32 [tilespmem:s21], [sflag:$0x4], $0x80, s30, s19, $0xb8;
	[tilespmem:$0x1E800] =	vst v63  }
0x75: {  	_ =	swait.ge [sflag:s22], $0x4000  }
0x76: {  	[sflag:s22] =	ssyncset.done $0x0  }
0x77: {  	[sflag:s22] =	ssyncadd.s32 $0xFFFFC000  }
0x78: {  	_ =	swait.ge [sflag:s20], $0x4000  }
0x79: {  	[sflag:s20] =	ssyncset.done $0x0  }
0x7a: {  	[sflag:s20] =	ssyncadd.s32 $0xFFFFC000  }
0x7b: {  	[tilespmem:s21], [sflag:$0x2] =	stream.indirect.gather [hbm4b:s4+s19], $0x80, s24, s19, $0xb8;
	[tilespmem:$0x1E800] =	vst v63  }
0x7c: {  	_ = 	snop  }
0x7d: {  	[spmem:s1] =	stream.indirect.scatter.add.f32 [tilespmem:s16], [sflag:$0x4], $0x80, s25, s19, $0xb8;
	[tilespmem:$0x1E800] =	vst v63  }
0x7e: {  	_ =	swait.ge [sflag:s22], $0x4000  }
0x7f: {  	[sflag:s22] =	ssyncset.done $0x0  }
0x80: {  	[sflag:s22] =	ssyncadd.s32 $0xFFFFC000  }
0x81: {  	_ =	swait.ge [sflag:s23], $0x4000  }
0x82: {  	[sflag:s23] =	ssyncset.done $0x0  }
0x83: {  	[sflag:s23] =	ssyncadd.s32 $0xFFFFC000  }
0x84: {  	[spmem:s1] =	stream.indirect.scatter.add.f32 [tilespmem:s21], [sflag:$0x3], $0x80, s26, s19, $0xb8;
	[tilespmem:$0x1E800] =	vst v63  }
0x85: {  	_ =	swait.ge [sflag:s17], $0x4000  }
0x86: {  	[sflag:s17] =	ssyncset.done $0x0  }
0x87: {  	s31 =	simm.s32 $0x0;
	[sflag:s17] =	ssyncadd.s32 $0xFFFFC000  }
0x88: {  	[tilespmem:s31], [sflag:$0x3] =	stream.linear.gather [hbm4b:s12+s31], $0x1400, $0x38;
	[tilespmem:$0x1E800] =	vst v63  }
0x89: {  	_ =	swait.ge [sflag:s17], $0x1400  }
0x8a: {  	[sflag:s17] =	ssyncset.done $0x0  }
0x8b: {  	[sflag:s17] =	ssyncadd.s32 $0xFFFFEC00  }
0x8c: {  	[tilespmem:s18], [sflag:$0x3] =	stream.linear.gather [hbm4b:s13+s31], $0x1400, $0x38;
	[tilespmem:$0x1E800] =	vst v63  }
0x8d: {  	_ =	swait.ge [sflag:s17], $0x1400  }
0x8e: {  	[sflag:s17] =	ssyncset.done $0x0  }
0x8f: {  	[sflag:s17] =	ssyncadd.s32 $0xFFFFEC00  }
0x90: {  	[tilespmem:s16], [sflag:$0x1] =	stream.indirect.gather [hbm4b:s4+s19], $0x80, s31, s19, $0xb8;
	[tilespmem:$0x1E800] =	vst v63  }
0x91: {  	_ =	swait.ge [sflag:s20], $0x4000  }
0x92: {  	[sflag:s20] =	ssyncset.done $0x0  }
0x93: {  	s30 =	simm.s32 $0x80;
	[sflag:s20] =	ssyncadd.s32 $0xFFFFC000  }
0x94: {  	[tilespmem:s21], [sflag:$0x2] =	stream.indirect.gather [hbm4b:s4+s19], $0x80, s30, s19, $0xb8;
	[tilespmem:$0x1E800] =	vst v63  }
0x95: {  	s31 =	simm.s32 $0x1400  }
0x96: {  	[spmem:s1] =	stream.indirect.scatter.add.f32 [tilespmem:s16], [sflag:$0x4], $0x80, s31, s19, $0xb8;
	[tilespmem:$0x1E800] =	vst v63  }
0x97: {  	_ =	swait.ge [sflag:s22], $0x4000  }
0x98: {  	[sflag:s22] =	ssyncset.done $0x0  }
0x99: {  	[sflag:s22] =	ssyncadd.s32 $0xFFFFC000  }
0x9a: {  	_ =	swait.ge [sflag:s23], $0x4000  }
0x9b: {  	[sflag:s23] =	ssyncset.done $0x0  }
0x9c: {  	s30 =	simm.s32 $0x100;
	[sflag:s23] =	ssyncadd.s32 $0xFFFFC000  }
0x9d: {  	[tilespmem:s16], [sflag:$0x1] =	stream.indirect.gather [hbm4b:s4+s19], $0x80, s30, s19, $0xb8;
	[tilespmem:$0x1E800] =	vst v63  }
0x9e: {  	s31 =	simm.s32 $0x1480  }
0x9f: {  	[spmem:s1] =	stream.indirect.scatter.add.f32 [tilespmem:s21], [sflag:$0x4], $0x80, s31, s19, $0xb8;
	[tilespmem:$0x1E800] =	vst v63  }
0xa0: {  	_ =	swait.ge [sflag:s22], $0x4000  }
0xa1: {  	[sflag:s22] =	ssyncset.done $0x0  }
0xa2: {  	[sflag:s22] =	ssyncadd.s32 $0xFFFFC000  }
0xa3: {  	_ =	swait.ge [sflag:s20], $0x4000  }
0xa4: {  	s29 =	simm.s32 $0x800;
	s28 =	simm.s32 $0x100;
	[sflag:s20] =	ssyncset.done $0x0  }
.LBB2_6:
0xa5: {  	s0 =	sadd.s32 $0x80, s28  }
0xa6: {  	[sflag:s20] =	ssyncadd.s32 $0xFFFFC000;
	s30 =	smov.u32 s29;
	s31 =	sadd.s32 $0x400, s29  }
0xa7: {  	[tilespmem:s21], [sflag:$0x2] =	stream.indirect.gather [hbm4b:s4+s19], $0x80, s0, s19, $0xb8;
	[tilespmem:$0x1E800] =	vst v63  }
0xa8: {  	p0 =	sne.s32 s29, $0x4800;
	s0 =	sadd.s32 $0x1400, s28  }
0xa9: {  	[spmem:s1] =	stream.indirect.scatter.add.f32 [tilespmem:s16], [sflag:$0x4], $0x80, s0, s19, $0xb8;
	[tilespmem:$0x1E800] =	vst v63  }
0xaa: {  	_ =	swait.ge [sflag:s22], $0x4000  }
0xab: {  	[sflag:s22] =	ssyncset.done $0x0  }
0xac: {  	[sflag:s22] =	ssyncadd.s32 $0xFFFFC000  }
0xad: {  	_ =	swait.ge [sflag:s23], $0x4000  }
0xae: {  	[sflag:s23] =	ssyncset.done $0x0  }
0xaf: {  	s0 =	sadd.s32 $0x100, s28;
	[sflag:s23] =	ssyncadd.s32 $0xFFFFC000  }
0xb0: {  	[tilespmem:s16], [sflag:$0x1] =	stream.indirect.gather [hbm4b:s4+s19], $0x80, s0, s19, $0xb8;
	[tilespmem:$0x1E800] =	vst v63  }
0xb1: {  	s0 =	sadd.s32 $0x1480, s28  }
0xb2: {  	[spmem:s1] =	stream.indirect.scatter.add.f32 [tilespmem:s21], [sflag:$0x4], $0x80, s0, s19, $0xb8;
	[tilespmem:$0x1E800] =	vst v63  }
.Ltmp2:
0xb3: {  	_ =	swait.ge [sflag:s22], $0x4000;
	(pc) =	sbr.rel @p0 .LBB2_6-.Ltmp2, $4  }
0xb4: {  	[sflag:s22] =	ssyncset.done $0x0  }
0xb5: {  	[sflag:s22] =	ssyncadd.s32 $0xFFFFC000  }
0xb6: {  	_ =	swait.ge [sflag:s20], $0x4000  }
0xb7: {  	s29 =	smov.u32 s31;
	s28 =	sshra.s32 s30, $0x2;
	[sflag:s20] =	ssyncset.done $0x0  }
0xb8: {  	s0 =	sadd.s32 $0x80, s28;
	[sflag:s20] =	ssyncadd.s32 $0xFFFFC000  }
0xb9: {  	[tilespmem:s21], [sflag:$0x2] =	stream.indirect.gather [hbm4b:s4+s19], $0x80, s0, s19, $0xb8;
	[tilespmem:$0x1E800] =	vst v63  }
0xba: {  	s30 =	sadd.s32 $0x1400, s28  }
0xbb: {  	[spmem:s1] =	stream.indirect.scatter.add.f32 [tilespmem:s16], [sflag:$0x4], $0x80, s30, s19, $0xb8;
	[tilespmem:$0x1E800] =	vst v63  }
0xbc: {  	_ =	swait.ge [sflag:s22], $0x4000  }
0xbd: {  	[sflag:s22] =	ssyncset.done $0x0  }
0xbe: {  	[sflag:s22] =	ssyncadd.s32 $0xFFFFC000  }
0xbf: {  	_ =	swait.ge [sflag:s23], $0x4000  }
0xc0: {  	[sflag:s23] =	ssyncset.done $0x0  }
0xc1: {  	s31 =	sadd.s32 $0x100, s28;
	[sflag:s23] =	ssyncadd.s32 $0xFFFFC000  }
0xc2: {  	[tilespmem:s16], [sflag:$0x1] =	stream.indirect.gather [hbm4b:s4+s19], $0x80, s31, s19, $0xb8;
	[tilespmem:$0x1E800] =	vst v63  }
0xc3: {  	s29 =	sadd.s32 $0x1480, s28  }
0xc4: {  	[spmem:s1] =	stream.indirect.scatter.add.f32 [tilespmem:s21], [sflag:$0x4], $0x80, s29, s19, $0xb8;
	[tilespmem:$0x1E800] =	vst v63  }
0xc5: {  	_ =	swait.ge [sflag:s22], $0x4000  }
0xc6: {  	[sflag:s22] =	ssyncset.done $0x0  }
0xc7: {  	[sflag:s22] =	ssyncadd.s32 $0xFFFFC000  }
0xc8: {  	_ =	swait.ge [sflag:s20], $0x4000  }
0xc9: {  	[sflag:s20] =	ssyncset.done $0x0  }
0xca: {  	[sflag:s20] =	ssyncadd.s32 $0xFFFFC000  }
0xcb: {  	[tilespmem:s21], [sflag:$0x2] =	stream.indirect.gather [hbm4b:s4+s19], $0x80, s24, s19, $0xb8;
	[tilespmem:$0x1E800] =	vst v63  }
0xcc: {  	_ = 	snop  }
0xcd: {  	[spmem:s1] =	stream.indirect.scatter.add.f32 [tilespmem:s16], [sflag:$0x4], $0x80, s25, s19, $0xb8;
	[tilespmem:$0x1E800] =	vst v63  }
0xce: {  	_ =	swait.ge [sflag:s22], $0x4000  }
0xcf: {  	[sflag:s22] =	ssyncset.done $0x0  }
0xd0: {  	[sflag:s22] =	ssyncadd.s32 $0xFFFFC000  }
0xd1: {  	_ =	swait.ge [sflag:s23], $0x4000  }
0xd2: {  	[sflag:s23] =	ssyncset.done $0x0  }
0xd3: {  	[sflag:s23] =	ssyncadd.s32 $0xFFFFC000  }
0xd4: {  	[spmem:s1] =	stream.indirect.scatter.add.f32 [tilespmem:s21], [sflag:$0x3], $0x80, s26, s19, $0xb8;
	[tilespmem:$0x1E800] =	vst v63  }
0xd5: {  	_ =	swait.ge [sflag:s17], $0x4000  }
0xd6: {  	s3 =	sadd.s32 $0x1, s3;
	s30 =	sshll.u32 s2, $0x6;
	[sflag:s17] =	ssyncset.done $0x0  }
0xd7: {  	p0 =	sne.s32 s3, s15;
	s0 =	sor.u32 $0x1C03, s30;
	[sflag:s17] =	ssyncadd.s32 $0xFFFFC000  }
.Ltmp3:
0xd8: {  	s31 =	sshrl.u32 s5, $0x3;
	[bflag:$0x0] =	sbarrier.arrive $0xFFFF;
	(pc) =	sbr.rel @p0 .LBB2_1-.Ltmp3, $4  }
0xd9: {  	[hbm:s14], [sflag:s0] =	dma.local [spmem:s31], $0x2800  }
0xda: {  	_ =	swait.ge [sflag:s17], $0x2800  }
0xdb: {  	[sflag:s17] =	ssyncset.done $0x0  }
0xdc: {  	[sflag:s17] =	ssyncadd.s32 $0xFFFFD800  }
0xdd: {  	_ =	sfence.sel $0x180000  }
0xde: {  	[bflag:$0x0] =	sbarrier.arrive $0xFFFF  }
0xdf: {  	_ =	strace $0x90000050  }
0xe0: {  	[bflag:$0x2] =	sbarrier.arrive $0xFFFF  }
0xe1: {  	p0 =	sne.s32 s2, $0x0;
	s0 =	rddreg [dreg:$0x2]  }
0xe2: {  	s0 =	sadd.s32 @!p0 $0x100000, s0  }
0xe3: {  	[sflag:s0] =	ssyncadd.tile.s32 @!p0 $0x1;
	_ =	shalt  }
.Lfunc_end2:
_tile_overlayer_lowered:
.L_overlay_start_2:
0xe4: {  	(tag) =	ssettag $0x2  }
0xe5: {  	s0 =	rddreg [dreg:$0x0];
	s2 =	stileid.u32  }
0xe6: {  	s1 =	rddreg [dreg:$0x1];
	p0 =	sne.s32 s2, $0x0  }
0xe7: {  	s3 =	rddreg [dreg:$0x2];
	[bflag:$0x3] =	sbarrier.arrive $0xFFFF;
	s2 =	simm.s32 @!p0 $0x1C03  }
0xe8: {  	[timem:s3], [sflag:s2] =	dma.local @!p0 [hbm:s0], s1  }
0xe9: {  	s0 =	simm.s32 @!p0 $0x3  }
0xea: {  	_ =	swait.ge @!p0 [sflag:s0], s1  }
0xeb: {  	s1 =	ssub.s32 @!p0 $0x0, s1;
	[sflag:s0] =	ssyncset.done @!p0 $0x0  }
0xec: {  	[sflag:s0] =	ssyncadd.s32 @!p0 s1  }
0xed: {  	[bflag:$0x3] =	sbarrier.arrive $0xFFFF  }
0xee: {  	_ =	shalt  }

</sc_bundles>
